<compile_context>
chip_gen: v7x
topology: tpu7x:2x2x1
jax: 0.10.2.dev20260603
libtpu: 0.0.44.dev20260713+nightly
codegen_flags: <defaults>
</compile_context>

<pallas_src>
import functools

import jax
import jax.numpy as jnp
from jax import lax
from jax.experimental import pallas as pl
from jax.experimental.pallas import tpu as pltpu
from jax.experimental.pallas import tpu_sc as plsc


def _score_kernel(x_ref, w1_ref, b1_ref, w2_ref, b2_ref, s_ref):
    x = x_ref[:].reshape(2048, 128)
    h = jnp.maximum(
        lax.dot_general(x, w1_ref[:], (((1,), (0,)), ((), ())),
                        preferred_element_type=jnp.float32) + b1_ref[:],
        0.0)
    s_ref[:] = lax.dot_general(w2_ref[:], h, (((0,), (1,)), ((), ())),
                               preferred_element_type=jnp.float32) + b2_ref[:]


_SEL_OUT = (
    jax.ShapeDtypeStruct((2048,), jnp.float32),
    jax.ShapeDtypeStruct((16,), jnp.int32),
    jax.ShapeDtypeStruct((8,), jnp.float32),
)


@functools.partial(
    pl.kernel,
    mesh=plsc.VectorSubcoreMesh(core_axis_name="c", subcore_axis_name="s"),
    out_type=_SEL_OUT,
    compiler_params=pltpu.CompilerParams(needs_layout_passes=False),
    scratch_types=[
        pltpu.VMEM((2048,), jnp.float32),
        pltpu.VMEM((16, 128), jnp.float32),
        pltpu.VMEM((2048,), jnp.float32),
        pltpu.VMEM((16,), jnp.int32),
        pltpu.VMEM((16,), jnp.float32),
        pltpu.SemaphoreType.DMA,
    ],
)
def _select_kernel(s_hbm, adj_hbm, sm_hbm, id_hbm, flag_hbm,
                   s_v, a_v, sm_v, id_v, flag_v, sem):
    cid = lax.axis_index("c")
    sid = lax.axis_index("s")

    @pl.when((cid == 0) & (sid == 0))
    def _():
        cps = [pltpu.async_copy(s_hbm, s_v, sem)]
        for b in range(8):
            cps.append(pltpu.async_copy(adj_hbm.at[b, pl.ds(0, 2)],
                                        a_v.at[pl.ds(2 * b, 2)], sem))
        for cp in cps:
            cp.wait()
        iota = lax.broadcasted_iota(jnp.int32, (16,), 0)
        ids = []
        for seg in range(16):
            row = seg % 2
            v = None
            gi = None
            for c in range(8):
                off = seg * 128 + c * 16
                sv = s_v[pl.ds(off, 16)]
                av = a_v[seg, pl.ds(c * 16, 16)]
                if c == 0:
                    av = jnp.where(iota == (1 - row), 0.0, av)
                sm = sv * av
                sm_v[pl.ds(off, 16)] = sm
                if c == 0:
                    v, gi = sm, iota
                else:
                    cond = sm > v
                    gi = jnp.where(cond, c * 16 + iota, gi)
                    v = jnp.where(cond, sm, v)
            mx = jnp.max(v)
            ids.append(jnp.min(jnp.where(v == mx, gi, 2048)))
        ids_vec = jnp.zeros((16,), jnp.int32)
        for seg in range(16):
            ids_vec = jnp.where(iota == seg, ids[seg], ids_vec)
        id_v[:] = ids_vec
        flag_vec = jnp.zeros((16,), jnp.float32)
        for b in range(8):
            a = ids[2 * b] > 0
            o = ids[2 * b + 1] > 0
            fb = jnp.where(a & o, 3.0,
                           jnp.where(a, 1.0, jnp.where(o, 2.0, 0.0))
                           ).astype(jnp.float32)
            flag_vec = jnp.where(iota == b, fb, flag_vec)
        flag_v[:] = flag_vec
        ocps = [pltpu.async_copy(sm_v, sm_hbm, sem),
                pltpu.async_copy(id_v, id_hbm, sem),
                pltpu.async_copy(flag_v.at[pl.ds(0, 8)], flag_hbm, sem)]
        for cp in ocps:
            cp.wait()


def kernel(s_e, adjacency_matrix, W1, b1, W2, b2):
    B, N, _, D = s_e.shape
    raw = pl.pallas_call(
        _score_kernel,
        grid=(1,),
        in_specs=[
            pl.BlockSpec((B, 2, N, D), lambda i: (0, 0, 0, 0)),
            pl.BlockSpec((D, D), lambda i: (0, 0)),
            pl.BlockSpec((1, D), lambda i: (0, 0)),
            pl.BlockSpec((D, 1), lambda i: (0, 0)),
            pl.BlockSpec((1, 1), lambda i: (0, 0)),
        ],
        out_specs=pl.BlockSpec((1, B * 2 * N), lambda i: (0, 0)),
        out_shape=jax.ShapeDtypeStruct((1, B * 2 * N), jnp.float32),
    )(s_e, W1, b1.reshape(1, D), W2, b2.reshape(1, 1))

    scores, ids, flag = _select_kernel(raw.reshape(B * 2 * N),
                                       adjacency_matrix)
    return ids.reshape(B, 2), scores.reshape(B, 2, N), flag

# --- scband reference (transcript-rebuilt; emitter-appended) ---
"""Pipeline reference for scband-subgraph-5231270167316 (READ-ONLY COPY).

The authoritative reference and input builder live on the scoring server;
editing this copy changes nothing except your own understanding.
"""

import jax, jax.numpy as jnp
import numpy as np

# EDGESCORE is not defined in the source; assumed to be a standard 2-layer MLP
# scoring head: Linear(D, D) -> ReLU -> Linear(D, 1), mapping each edge
# feature vector to a scalar score (common in scene-graph edge scoring).

def edge_score(x, W1, b1, W2, b2):
    h = jnp.maximum(jnp.dot(x, W1) + b1, 0.0)
    return jnp.dot(h, W2) + b2


def setup_inputs(seed: int = 0) -> dict:
    key = jax.random.key(seed)
    k1, k2, k3, k4 = jax.random.split(key, 4)
    B, N, D = 8, 128, 128
    s_e = jax.random.normal(k1, (B, N, N, D), dtype=jnp.float32)
    adjacency_matrix = jax.random.randint(k2, (B, N, N), 0, 2).astype(jnp.float32)
    W1 = jax.random.normal(k3, (D, D), dtype=jnp.float32) * 0.05
    b1 = jnp.zeros((D,), dtype=jnp.float32)
    W2 = jax.random.normal(k4, (D, 1), dtype=jnp.float32) * 0.05
    b2 = jnp.zeros((1,), dtype=jnp.float32)
    return {"s_e": s_e, "adjacency_matrix": adjacency_matrix,
            "W1": W1, "b1": b1, "W2": W2, "b2": b2}


def reference(s_e, adjacency_matrix, W1, b1, W2, b2):
    B, N, _, D = s_e.shape
    # in-place zeroing of adjacency[:,0,1] and [:,1,0] (functional in jax)
    adj = adjacency_matrix.at[:, 0, 1].set(0.0).at[:, 1, 0].set(0.0)
    se_flat = s_e.reshape(B, N * N, D)
    s_e_score = edge_score(se_flat, W1, b1, W2, b2)  # [B, N*N, 1]
    s_e_score = s_e_score.reshape(B, N, N) * adj
    s_e_score = s_e_score[:, :2]  # [B, 2, N]
    sub_max_score = jnp.max(s_e_score[:, 0], axis=-1)
    sub_max_score_id = jnp.argmax(s_e_score[:, 0], axis=-1)
    obj_max_score = jnp.max(s_e_score[:, 1], axis=-1)
    obj_max_score_id = jnp.argmax(s_e_score[:, 1], axis=-1)
    mask_1 = (sub_max_score_id == obj_max_score_id)
    sub_max_score_id_tmp = sub_max_score_id
    obj_max_score_id_tmp = obj_max_score_id
    mask_sub = (sub_max_score * mask_1) > (obj_max_score * mask_1)
    mask_obj = (obj_max_score * mask_1) > (sub_max_score * mask_1)
    # faithful to torch: self-assignment under mask (a no-op)
    sub_max_score_id = jnp.where(mask_sub, sub_max_score_id_tmp, sub_max_score_id)
    obj_max_score_id = jnp.where(mask_obj, obj_max_score_id_tmp, obj_max_score_id)
    final_id = jnp.concatenate([sub_max_score_id[:, None], obj_max_score_id[:, None]], axis=-1)
    a = final_id[:, 0] > 0
    b = final_id[:, 1] > 0
    flag = jnp.where(a & b, 3.0, jnp.where(a, 1.0, jnp.where(b, 2.0, 0.0))).astype(jnp.float32)
    return final_id, s_e_score, flag

if __name__ == "__main__":
    import jax
    _d = setup_inputs()
    print(jax.jit(kernel)(*tuple(_d.values())))

</pallas_src>

<mosaic_0001>
#map = affine_map<(d0, d1) -> (0)>
#map1 = affine_map<(d0, d1) -> (0, 0, 0)>
module attributes {stable_mosaic.version = 14 : i64} {
  func.func @_select_kernel(%arg0: i32, %arg1: i32, %arg2: memref<2048xf32, #tpu.memory_space<hbm>>, %arg3: memref<8x128x128xf32, #tpu.memory_space<hbm>>, %arg4: memref<2048xf32, #tpu.memory_space<hbm>>, %arg5: memref<16xi32, #tpu.memory_space<hbm>>, %arg6: memref<8xf32, #tpu.memory_space<hbm>>, %arg7: memref<2048xf32, #tpu.memory_space<vmem>>, %arg8: memref<16x128xf32, #tpu.memory_space<vmem>>, %arg9: memref<2048xf32, #tpu.memory_space<vmem>>, %arg10: memref<16xi32, #tpu.memory_space<vmem>>, %arg11: memref<16xf32, #tpu.memory_space<vmem>>, %arg12: memref<!tpu.dma_semaphore, #tpu.memory_space<semaphore_mem>>) attributes {dimension_semantics = [#tpu.dimension_semantics<core_parallel>, #tpu.dimension_semantics<subcore_parallel>], iteration_bounds = array<i64: 2, 16>, scalar_prefetch = 0 : i64, scratch_operands = 6 : i64, tpu.core_type = #tpu.core_type<sc_vector_subcore>, window_params = [{transform_indices = #map}, {transform_indices = #map1}, {transform_indices = #map}, {transform_indices = #map}, {transform_indices = #map}]} {
    %eq3A = arith.constant 0 : i32
    %eq3A_0 = arith.cmpi eq, %arg0, %eq3A : i32
    %eq3A_1 = arith.constant 0 : i32
    %eq3A_2 = arith.cmpi eq, %arg1, %eq3A_1 : i32
    %and3A = arith.andi %eq3A_0, %eq3A_2 : i1
    %convert_element_type3A = arith.extui %and3A : i1 to i32
    %cond3A = arith.constant 0 : i32
    %cond3A_3 = arith.cmpi ne, %convert_element_type3A, %cond3A : i32
    scf.if %cond3A_3 {
      tpu.enqueue_dma source(%arg2 : memref<2048xf32, #tpu.memory_space<hbm>>) target(%arg7 : memref<2048xf32, #tpu.memory_space<vmem>>) target_semaphore(%arg12 : memref<!tpu.dma_semaphore, #tpu.memory_space<semaphore_mem>>)
      %dma_start3A = arith.constant 0 : i32
      %dma_start3A_4 = arith.constant 0 : i32
      %dma_start3A_5 = arith.constant 0 : i32
      %dma_start3A_6 = tpu.memref_slice %arg8[%dma_start3A_4, %dma_start3A_5] : memref<16x128xf32, #tpu.memory_space<vmem>> -> memref<2x128xf32, #tpu.memory_space<vmem>>
      %dma_start3A_7 = arith.constant 0 : i32
      %dma_start3A_8 = arith.constant 0 : i32
      %dma_start3A_9 = tpu.memref_slice %arg3[%dma_start3A, %dma_start3A_7, %dma_start3A_8] : memref<8x128x128xf32, #tpu.memory_space<hbm>> -> memref<1x2x128xf32, #tpu.memory_space<hbm>>
      %dma_start3A_10 = tpu.memref_squeeze %dma_start3A_9 : memref<1x2x128xf32, #tpu.memory_space<hbm>> -> memref<2x128xf32, #tpu.memory_space<hbm>>
      %dma_start3A_11 = arith.constant 0 : i32
      %dma_start3A_12 = arith.constant 0 : i32
      %dma_start3A_13 = tpu.memref_slice %arg8[%dma_start3A_11, %dma_start3A_12] : memref<16x128xf32, #tpu.memory_space<vmem>> -> memref<2x128xf32, #tpu.memory_space<vmem>>
      %dma_start3A_14 = arith.constant 0 : i32
      %dma_start3A_15 = arith.constant 0 : i32
      %dma_start3A_16 = tpu.memref_slice %arg3[%dma_start3A, %dma_start3A_14, %dma_start3A_15] : memref<8x128x128xf32, #tpu.memory_space<hbm>> -> memref<1x2x128xf32, #tpu.memory_space<hbm>>
      %dma_start3A_17 = tpu.memref_squeeze %dma_start3A_16 : memref<1x2x128xf32, #tpu.memory_space<hbm>> -> memref<2x128xf32, #tpu.memory_space<hbm>>
      tpu.enqueue_dma source(%dma_start3A_17 : memref<2x128xf32, #tpu.memory_space<hbm>>) target(%dma_start3A_13 : memref<2x128xf32, #tpu.memory_space<vmem>>) target_semaphore(%arg12 : memref<!tpu.dma_semaphore, #tpu.memory_space<semaphore_mem>>)
      %dma_start3A_18 = arith.constant 1 : i32
      %dma_start3A_19 = arith.constant 2 : i32
      %dma_start3A_20 = arith.constant 0 : i32
      %dma_start3A_21 = tpu.memref_slice %arg8[%dma_start3A_19, %dma_start3A_20] : memref<16x128xf32, #tpu.memory_space<vmem>> -> memref<2x128xf32, #tpu.memory_space<vmem>>
      %dma_start3A_22 = arith.constant 0 : i32
      %dma_start3A_23 = arith.constant 0 : i32
      %dma_start3A_24 = tpu.memref_slice %arg3[%dma_start3A_18, %dma_start3A_22, %dma_start3A_23] : memref<8x128x128xf32, #tpu.memory_space<hbm>> -> memref<1x2x128xf32, #tpu.memory_space<hbm>>
      %dma_start3A_25 = tpu.memref_squeeze %dma_start3A_24 : memref<1x2x128xf32, #tpu.memory_space<hbm>> -> memref<2x128xf32, #tpu.memory_space<hbm>>
      %dma_start3A_26 = arith.constant 2 : i32
      %dma_start3A_27 = arith.constant 0 : i32
      %dma_start3A_28 = tpu.memref_slice %arg8[%dma_start3A_26, %dma_start3A_27] : memref<16x128xf32, #tpu.memory_space<vmem>> -> memref<2x128xf32, #tpu.memory_space<vmem>>
      %dma_start3A_29 = arith.constant 0 : i32
      %dma_start3A_30 = arith.constant 0 : i32
      %dma_start3A_31 = tpu.memref_slice %arg3[%dma_start3A_18, %dma_start3A_29, %dma_start3A_30] : memref<8x128x128xf32, #tpu.memory_space<hbm>> -> memref<1x2x128xf32, #tpu.memory_space<hbm>>
      %dma_start3A_32 = tpu.memref_squeeze %dma_start3A_31 : memref<1x2x128xf32, #tpu.memory_space<hbm>> -> memref<2x128xf32, #tpu.memory_space<hbm>>
      tpu.enqueue_dma source(%dma_start3A_32 : memref<2x128xf32, #tpu.memory_space<hbm>>) target(%dma_start3A_28 : memref<2x128xf32, #tpu.memory_space<vmem>>) target_semaphore(%arg12 : memref<!tpu.dma_semaphore, #tpu.memory_space<semaphore_mem>>)
      %dma_start3A_33 = arith.constant 2 : i32
      %dma_start3A_34 = arith.constant 4 : i32
      %dma_start3A_35 = arith.constant 0 : i32
      %dma_start3A_36 = tpu.memref_slice %arg8[%dma_start3A_34, %dma_start3A_35] : memref<16x128xf32, #tpu.memory_space<vmem>> -> memref<2x128xf32, #tpu.memory_space<vmem>>
      %dma_start3A_37 = arith.constant 0 : i32
      %dma_start3A_38 = arith.constant 0 : i32
      %dma_start3A_39 = tpu.memref_slice %arg3[%dma_start3A_33, %dma_start3A_37, %dma_start3A_38] : memref<8x128x128xf32, #tpu.memory_space<hbm>> -> memref<1x2x128xf32, #tpu.memory_space<hbm>>
      %dma_start3A_40 = tpu.memref_squeeze %dma_start3A_39 : memref<1x2x128xf32, #tpu.memory_space<hbm>> -> memref<2x128xf32, #tpu.memory_space<hbm>>
      %dma_start3A_41 = arith.constant 4 : i32
      %dma_start3A_42 = arith.constant 0 : i32
      %dma_start3A_43 = tpu.memref_slice %arg8[%dma_start3A_41, %dma_start3A_42] : memref<16x128xf32, #tpu.memory_space<vmem>> -> memref<2x128xf32, #tpu.memory_space<vmem>>
      %dma_start3A_44 = arith.constant 0 : i32
      %dma_start3A_45 = arith.constant 0 : i32
      %dma_start3A_46 = tpu.memref_slice %arg3[%dma_start3A_33, %dma_start3A_44, %dma_start3A_45] : memref<8x128x128xf32, #tpu.memory_space<hbm>> -> memref<1x2x128xf32, #tpu.memory_space<hbm>>
      %dma_start3A_47 = tpu.memref_squeeze %dma_start3A_46 : memref<1x2x128xf32, #tpu.memory_space<hbm>> -> memref<2x128xf32, #tpu.memory_space<hbm>>
      tpu.enqueue_dma source(%dma_start3A_47 : memref<2x128xf32, #tpu.memory_space<hbm>>) target(%dma_start3A_43 : memref<2x128xf32, #tpu.memory_space<vmem>>) target_semaphore(%arg12 : memref<!tpu.dma_semaphore, #tpu.memory_space<semaphore_mem>>)
      %dma_start3A_48 = arith.constant 3 : i32
      %dma_start3A_49 = arith.constant 6 : i32
      %dma_start3A_50 = arith.constant 0 : i32
      %dma_start3A_51 = tpu.memref_slice %arg8[%dma_start3A_49, %dma_start3A_50] : memref<16x128xf32, #tpu.memory_space<vmem>> -> memref<2x128xf32, #tpu.memory_space<vmem>>
      %dma_start3A_52 = arith.constant 0 : i32
      %dma_start3A_53 = arith.constant 0 : i32
      %dma_start3A_54 = tpu.memref_slice %arg3[%dma_start3A_48, %dma_start3A_52, %dma_start3A_53] : memref<8x128x128xf32, #tpu.memory_space<hbm>> -> memref<1x2x128xf32, #tpu.memory_space<hbm>>
      %dma_start3A_55 = tpu.memref_squeeze %dma_start3A_54 : memref<1x2x128xf32, #tpu.memory_space<hbm>> -> memref<2x128xf32, #tpu.memory_space<hbm>>
      %dma_start3A_56 = arith.constant 6 : i32
      %dma_start3A_57 = arith.constant 0 : i32
      %dma_start3A_58 = tpu.memref_slice %arg8[%dma_start3A_56, %dma_start3A_57] : memref<16x128xf32, #tpu.memory_space<vmem>> -> memref<2x128xf32, #tpu.memory_space<vmem>>
      %dma_start3A_59 = arith.constant 0 : i32
      %dma_start3A_60 = arith.constant 0 : i32
      %dma_start3A_61 = tpu.memref_slice %arg3[%dma_start3A_48, %dma_start3A_59, %dma_start3A_60] : memref<8x128x128xf32, #tpu.memory_space<hbm>> -> memref<1x2x128xf32, #tpu.memory_space<hbm>>
      %dma_start3A_62 = tpu.memref_squeeze %dma_start3A_61 : memref<1x2x128xf32, #tpu.memory_space<hbm>> -> memref<2x128xf32, #tpu.memory_space<hbm>>
      tpu.enqueue_dma source(%dma_start3A_62 : memref<2x128xf32, #tpu.memory_space<hbm>>) target(%dma_start3A_58 : memref<2x128xf32, #tpu.memory_space<vmem>>) target_semaphore(%arg12 : memref<!tpu.dma_semaphore, #tpu.memory_space<semaphore_mem>>)
      %dma_start3A_63 = arith.constant 4 : i32
      %dma_start3A_64 = arith.constant 8 : i32
      %dma_start3A_65 = arith.constant 0 : i32
      %dma_start3A_66 = tpu.memref_slice %arg8[%dma_start3A_64, %dma_start3A_65] : memref<16x128xf32, #tpu.memory_space<vmem>> -> memref<2x128xf32, #tpu.memory_space<vmem>>
      %dma_start3A_67 = arith.constant 0 : i32
      %dma_start3A_68 = arith.constant 0 : i32
      %dma_start3A_69 = tpu.memref_slice %arg3[%dma_start3A_63, %dma_start3A_67, %dma_start3A_68] : memref<8x128x128xf32, #tpu.memory_space<hbm>> -> memref<1x2x128xf32, #tpu.memory_space<hbm>>
      %dma_start3A_70 = tpu.memref_squeeze %dma_start3A_69 : memref<1x2x128xf32, #tpu.memory_space<hbm>> -> memref<2x128xf32, #tpu.memory_space<hbm>>
      %dma_start3A_71 = arith.constant 8 : i32
      %dma_start3A_72 = arith.constant 0 : i32
      %dma_start3A_73 = tpu.memref_slice %arg8[%dma_start3A_71, %dma_start3A_72] : memref<16x128xf32, #tpu.memory_space<vmem>> -> memref<2x128xf32, #tpu.memory_space<vmem>>
      %dma_start3A_74 = arith.constant 0 : i32
      %dma_start3A_75 = arith.constant 0 : i32
      %dma_start3A_76 = tpu.memref_slice %arg3[%dma_start3A_63, %dma_start3A_74, %dma_start3A_75] : memref<8x128x128xf32, #tpu.memory_space<hbm>> -> memref<1x2x128xf32, #tpu.memory_space<hbm>>
      %dma_start3A_77 = tpu.memref_squeeze %dma_start3A_76 : memref<1x2x128xf32, #tpu.memory_space<hbm>> -> memref<2x128xf32, #tpu.memory_space<hbm>>
      tpu.enqueue_dma source(%dma_start3A_77 : memref<2x128xf32, #tpu.memory_space<hbm>>) target(%dma_start3A_73 : memref<2x128xf32, #tpu.memory_space<vmem>>) target_semaphore(%arg12 : memref<!tpu.dma_semaphore, #tpu.memory_space<semaphore_mem>>)
      %dma_start3A_78 = arith.constant 5 : i32
      %dma_start3A_79 = arith.constant 10 : i32
      %dma_start3A_80 = arith.constant 0 : i32
      %dma_start3A_81 = tpu.memref_slice %arg8[%dma_start3A_79, %dma_start3A_80] : memref<16x128xf32, #tpu.memory_space<vmem>> -> memref<2x128xf32, #tpu.memory_space<vmem>>
      %dma_start3A_82 = arith.constant 0 : i32
      %dma_start3A_83 = arith.constant 0 : i32
      %dma_start3A_84 = tpu.memref_slice %arg3[%dma_start3A_78, %dma_start3A_82, %dma_start3A_83] : memref<8x128x128xf32, #tpu.memory_space<hbm>> -> memref<1x2x128xf32, #tpu.memory_space<hbm>>
      %dma_start3A_85 = tpu.memref_squeeze %dma_start3A_84 : memref<1x2x128xf32, #tpu.memory_space<hbm>> -> memref<2x128xf32, #tpu.memory_space<hbm>>
      %dma_start3A_86 = arith.constant 10 : i32
      %dma_start3A_87 = arith.constant 0 : i32
      %dma_start3A_88 = tpu.memref_slice %arg8[%dma_start3A_86, %dma_start3A_87] : memref<16x128xf32, #tpu.memory_space<vmem>> -> memref<2x128xf32, #tpu.memory_space<vmem>>
      %dma_start3A_89 = arith.constant 0 : i32
      %dma_start3A_90 = arith.constant 0 : i32
      %dma_start3A_91 = tpu.memref_slice %arg3[%dma_start3A_78, %dma_start3A_89, %dma_start3A_90] : memref<8x128x128xf32, #tpu.memory_space<hbm>> -> memref<1x2x128xf32, #tpu.memory_space<hbm>>
      %dma_start3A_92 = tpu.memref_squeeze %dma_start3A_91 : memref<1x2x128xf32, #tpu.memory_space<hbm>> -> memref<2x128xf32, #tpu.memory_space<hbm>>
      tpu.enqueue_dma source(%dma_start3A_92 : memref<2x128xf32, #tpu.memory_space<hbm>>) target(%dma_start3A_88 : memref<2x128xf32, #tpu.memory_space<vmem>>) target_semaphore(%arg12 : memref<!tpu.dma_semaphore, #tpu.memory_space<semaphore_mem>>)
      %dma_start3A_93 = arith.constant 6 : i32
      %dma_start3A_94 = arith.constant 12 : i32
      %dma_start3A_95 = arith.constant 0 : i32
      %dma_start3A_96 = tpu.memref_slice %arg8[%dma_start3A_94, %dma_start3A_95] : memref<16x128xf32, #tpu.memory_space<vmem>> -> memref<2x128xf32, #tpu.memory_space<vmem>>
      %dma_start3A_97 = arith.constant 0 : i32
      %dma_start3A_98 = arith.constant 0 : i32
      %dma_start3A_99 = tpu.memref_slice %arg3[%dma_start3A_93, %dma_start3A_97, %dma_start3A_98] : memref<8x128x128xf32, #tpu.memory_space<hbm>> -> memref<1x2x128xf32, #tpu.memory_space<hbm>>
      %dma_start3A_100 = tpu.memref_squeeze %dma_start3A_99 : memref<1x2x128xf32, #tpu.memory_space<hbm>> -> memref<2x128xf32, #tpu.memory_space<hbm>>
      %dma_start3A_101 = arith.constant 12 : i32
      %dma_start3A_102 = arith.constant 0 : i32
      %dma_start3A_103 = tpu.memref_slice %arg8[%dma_start3A_101, %dma_start3A_102] : memref<16x128xf32, #tpu.memory_space<vmem>> -> memref<2x128xf32, #tpu.memory_space<vmem>>
      %dma_start3A_104 = arith.constant 0 : i32
      %dma_start3A_105 = arith.constant 0 : i32
      %dma_start3A_106 = tpu.memref_slice %arg3[%dma_start3A_93, %dma_start3A_104, %dma_start3A_105] : memref<8x128x128xf32, #tpu.memory_space<hbm>> -> memref<1x2x128xf32, #tpu.memory_space<hbm>>
      %dma_start3A_107 = tpu.memref_squeeze %dma_start3A_106 : memref<1x2x128xf32, #tpu.memory_space<hbm>> -> memref<2x128xf32, #tpu.memory_space<hbm>>
      tpu.enqueue_dma source(%dma_start3A_107 : memref<2x128xf32, #tpu.memory_space<hbm>>) target(%dma_start3A_103 : memref<2x128xf32, #tpu.memory_space<vmem>>) target_semaphore(%arg12 : memref<!tpu.dma_semaphore, #tpu.memory_space<semaphore_mem>>)
      %dma_start3A_108 = arith.constant 7 : i32
      %dma_start3A_109 = arith.constant 14 : i32
      %dma_start3A_110 = arith.constant 0 : i32
      %dma_start3A_111 = tpu.memref_slice %arg8[%dma_start3A_109, %dma_start3A_110] : memref<16x128xf32, #tpu.memory_space<vmem>> -> memref<2x128xf32, #tpu.memory_space<vmem>>
      %dma_start3A_112 = arith.constant 0 : i32
      %dma_start3A_113 = arith.constant 0 : i32
      %dma_start3A_114 = tpu.memref_slice %arg3[%dma_start3A_108, %dma_start3A_112, %dma_start3A_113] : memref<8x128x128xf32, #tpu.memory_space<hbm>> -> memref<1x2x128xf32, #tpu.memory_space<hbm>>
      %dma_start3A_115 = tpu.memref_squeeze %dma_start3A_114 : memref<1x2x128xf32, #tpu.memory_space<hbm>> -> memref<2x128xf32, #tpu.memory_space<hbm>>
      %dma_start3A_116 = arith.constant 14 : i32
      %dma_start3A_117 = arith.constant 0 : i32
      %dma_start3A_118 = tpu.memref_slice %arg8[%dma_start3A_116, %dma_start3A_117] : memref<16x128xf32, #tpu.memory_space<vmem>> -> memref<2x128xf32, #tpu.memory_space<vmem>>
      %dma_start3A_119 = arith.constant 0 : i32
      %dma_start3A_120 = arith.constant 0 : i32
      %dma_start3A_121 = tpu.memref_slice %arg3[%dma_start3A_108, %dma_start3A_119, %dma_start3A_120] : memref<8x128x128xf32, #tpu.memory_space<hbm>> -> memref<1x2x128xf32, #tpu.memory_space<hbm>>
      %dma_start3A_122 = tpu.memref_squeeze %dma_start3A_121 : memref<1x2x128xf32, #tpu.memory_space<hbm>> -> memref<2x128xf32, #tpu.memory_space<hbm>>
      tpu.enqueue_dma source(%dma_start3A_122 : memref<2x128xf32, #tpu.memory_space<hbm>>) target(%dma_start3A_118 : memref<2x128xf32, #tpu.memory_space<vmem>>) target_semaphore(%arg12 : memref<!tpu.dma_semaphore, #tpu.memory_space<semaphore_mem>>)
      tpu.wait_dma2 semaphore(%arg12 : memref<!tpu.dma_semaphore, #tpu.memory_space<semaphore_mem>>) src(%arg2 : memref<2048xf32, #tpu.memory_space<hbm>>) dst(%arg7 : memref<2048xf32, #tpu.memory_space<vmem>>)
      %dma_wait3A = arith.constant 0 : i32
      %dma_wait3A_123 = arith.constant 0 : i32
      %dma_wait3A_124 = arith.constant 0 : i32
      %dma_wait3A_125 = tpu.memref_slice %arg8[%dma_wait3A_123, %dma_wait3A_124] : memref<16x128xf32, #tpu.memory_space<vmem>> -> memref<2x128xf32, #tpu.memory_space<vmem>>
      %dma_wait3A_126 = arith.constant 0 : i32
      %dma_wait3A_127 = arith.constant 0 : i32
      %dma_wait3A_128 = tpu.memref_slice %arg3[%dma_wait3A, %dma_wait3A_126, %dma_wait3A_127] : memref<8x128x128xf32, #tpu.memory_space<hbm>> -> memref<1x2x128xf32, #tpu.memory_space<hbm>>
      %dma_wait3A_129 = tpu.memref_squeeze %dma_wait3A_128 : memref<1x2x128xf32, #tpu.memory_space<hbm>> -> memref<2x128xf32, #tpu.memory_space<hbm>>
      %dma_wait3A_130 = arith.constant 0 : i32
      %dma_wait3A_131 = arith.constant 0 : i32
      %dma_wait3A_132 = tpu.memref_slice %arg8[%dma_wait3A_130, %dma_wait3A_131] : memref<16x128xf32, #tpu.memory_space<vmem>> -> memref<2x128xf32, #tpu.memory_space<vmem>>
      %dma_wait3A_133 = arith.constant 0 : i32
      %dma_wait3A_134 = arith.constant 0 : i32
      %dma_wait3A_135 = tpu.memref_slice %arg3[%dma_wait3A, %dma_wait3A_133, %dma_wait3A_134] : memref<8x128x128xf32, #tpu.memory_space<hbm>> -> memref<1x2x128xf32, #tpu.memory_space<hbm>>
      %dma_wait3A_136 = tpu.memref_squeeze %dma_wait3A_135 : memref<1x2x128xf32, #tpu.memory_space<hbm>> -> memref<2x128xf32, #tpu.memory_space<hbm>>
      tpu.wait_dma2 semaphore(%arg12 : memref<!tpu.dma_semaphore, #tpu.memory_space<semaphore_mem>>) src(%dma_wait3A_136 : memref<2x128xf32, #tpu.memory_space<hbm>>) dst(%dma_wait3A_132 : memref<2x128xf32, #tpu.memory_space<vmem>>)
      %dma_wait3A_137 = arith.constant 1 : i32
      %dma_wait3A_138 = arith.constant 2 : i32
      %dma_wait3A_139 = arith.constant 0 : i32
      %dma_wait3A_140 = tpu.memref_slice %arg8[%dma_wait3A_138, %dma_wait3A_139] : memref<16x128xf32, #tpu.memory_space<vmem>> -> memref<2x128xf32, #tpu.memory_space<vmem>>
      %dma_wait3A_141 = arith.constant 0 : i32
      %dma_wait3A_142 = arith.constant 0 : i32
      %dma_wait3A_143 = tpu.memref_slice %arg3[%dma_wait3A_137, %dma_wait3A_141, %dma_wait3A_142] : memref<8x128x128xf32, #tpu.memory_space<hbm>> -> memref<1x2x128xf32, #tpu.memory_space<hbm>>
      %dma_wait3A_144 = tpu.memref_squeeze %dma_wait3A_143 : memref<1x2x128xf32, #tpu.memory_space<hbm>> -> memref<2x128xf32, #tpu.memory_space<hbm>>
      %dma_wait3A_145 = arith.constant 2 : i32
      %dma_wait3A_146 = arith.constant 0 : i32
      %dma_wait3A_147 = tpu.memref_slice %arg8[%dma_wait3A_145, %dma_wait3A_146] : memref<16x128xf32, #tpu.memory_space<vmem>> -> memref<2x128xf32, #tpu.memory_space<vmem>>
      %dma_wait3A_148 = arith.constant 0 : i32
      %dma_wait3A_149 = arith.constant 0 : i32
      %dma_wait3A_150 = tpu.memref_slice %arg3[%dma_wait3A_137, %dma_wait3A_148, %dma_wait3A_149] : memref<8x128x128xf32, #tpu.memory_space<hbm>> -> memref<1x2x128xf32, #tpu.memory_space<hbm>>
      %dma_wait3A_151 = tpu.memref_squeeze %dma_wait3A_150 : memref<1x2x128xf32, #tpu.memory_space<hbm>> -> memref<2x128xf32, #tpu.memory_space<hbm>>
      tpu.wait_dma2 semaphore(%arg12 : memref<!tpu.dma_semaphore, #tpu.memory_space<semaphore_mem>>) src(%dma_wait3A_151 : memref<2x128xf32, #tpu.memory_space<hbm>>) dst(%dma_wait3A_147 : memref<2x128xf32, #tpu.memory_space<vmem>>)
      %dma_wait3A_152 = arith.constant 2 : i32
      %dma_wait3A_153 = arith.constant 4 : i32
      %dma_wait3A_154 = arith.constant 0 : i32
      %dma_wait3A_155 = tpu.memref_slice %arg8[%dma_wait3A_153, %dma_wait3A_154] : memref<16x128xf32, #tpu.memory_space<vmem>> -> memref<2x128xf32, #tpu.memory_space<vmem>>
      %dma_wait3A_156 = arith.constant 0 : i32
      %dma_wait3A_157 = arith.constant 0 : i32
      %dma_wait3A_158 = tpu.memref_slice %arg3[%dma_wait3A_152, %dma_wait3A_156, %dma_wait3A_157] : memref<8x128x128xf32, #tpu.memory_space<hbm>> -> memref<1x2x128xf32, #tpu.memory_space<hbm>>
      %dma_wait3A_159 = tpu.memref_squeeze %dma_wait3A_158 : memref<1x2x128xf32, #tpu.memory_space<hbm>> -> memref<2x128xf32, #tpu.memory_space<hbm>>
      %dma_wait3A_160 = arith.constant 4 : i32
      %dma_wait3A_161 = arith.constant 0 : i32
      %dma_wait3A_162 = tpu.memref_slice %arg8[%dma_wait3A_160, %dma_wait3A_161] : memref<16x128xf32, #tpu.memory_space<vmem>> -> memref<2x128xf32, #tpu.memory_space<vmem>>
      %dma_wait3A_163 = arith.constant 0 : i32
      %dma_wait3A_164 = arith.constant 0 : i32
      %dma_wait3A_165 = tpu.memref_slice %arg3[%dma_wait3A_152, %dma_wait3A_163, %dma_wait3A_164] : memref<8x128x128xf32, #tpu.memory_space<hbm>> -> memref<1x2x128xf32, #tpu.memory_space<hbm>>
      %dma_wait3A_166 = tpu.memref_squeeze %dma_wait3A_165 : memref<1x2x128xf32, #tpu.memory_space<hbm>> -> memref<2x128xf32, #tpu.memory_space<hbm>>
      tpu.wait_dma2 semaphore(%arg12 : memref<!tpu.dma_semaphore, #tpu.memory_space<semaphore_mem>>) src(%dma_wait3A_166 : memref<2x128xf32, #tpu.memory_space<hbm>>) dst(%dma_wait3A_162 : memref<2x128xf32, #tpu.memory_space<vmem>>)
      %dma_wait3A_167 = arith.constant 3 : i32
      %dma_wait3A_168 = arith.constant 6 : i32
      %dma_wait3A_169 = arith.constant 0 : i32
      %dma_wait3A_170 = tpu.memref_slice %arg8[%dma_wait3A_168, %dma_wait3A_169] : memref<16x128xf32, #tpu.memory_space<vmem>> -> memref<2x128xf32, #tpu.memory_space<vmem>>
      %dma_wait3A_171 = arith.constant 0 : i32
      %dma_wait3A_172 = arith.constant 0 : i32
      %dma_wait3A_173 = tpu.memref_slice %arg3[%dma_wait3A_167, %dma_wait3A_171, %dma_wait3A_172] : memref<8x128x128xf32, #tpu.memory_space<hbm>> -> memref<1x2x128xf32, #tpu.memory_space<hbm>>
      %dma_wait3A_174 = tpu.memref_squeeze %dma_wait3A_173 : memref<1x2x128xf32, #tpu.memory_space<hbm>> -> memref<2x128xf32, #tpu.memory_space<hbm>>
      %dma_wait3A_175 = arith.constant 6 : i32
      %dma_wait3A_176 = arith.constant 0 : i32
      %dma_wait3A_177 = tpu.memref_slice %arg8[%dma_wait3A_175, %dma_wait3A_176] : memref<16x128xf32, #tpu.memory_space<vmem>> -> memref<2x128xf32, #tpu.memory_space<vmem>>
      %dma_wait3A_178 = arith.constant 0 : i32
      %dma_wait3A_179 = arith.constant 0 : i32
      %dma_wait3A_180 = tpu.memref_slice %arg3[%dma_wait3A_167, %dma_wait3A_178, %dma_wait3A_179] : memref<8x128x128xf32, #tpu.memory_space<hbm>> -> memref<1x2x128xf32, #tpu.memory_space<hbm>>
      %dma_wait3A_181 = tpu.memref_squeeze %dma_wait3A_180 : memref<1x2x128xf32, #tpu.memory_space<hbm>> -> memref<2x128xf32, #tpu.memory_space<hbm>>
      tpu.wait_dma2 semaphore(%arg12 : memref<!tpu.dma_semaphore, #tpu.memory_space<semaphore_mem>>) src(%dma_wait3A_181 : memref<2x128xf32, #tpu.memory_space<hbm>>) dst(%dma_wait3A_177 : memref<2x128xf32, #tpu.memory_space<vmem>>)
      %dma_wait3A_182 = arith.constant 4 : i32
      %dma_wait3A_183 = arith.constant 8 : i32
      %dma_wait3A_184 = arith.constant 0 : i32
      %dma_wait3A_185 = tpu.memref_slice %arg8[%dma_wait3A_183, %dma_wait3A_184] : memref<16x128xf32, #tpu.memory_space<vmem>> -> memref<2x128xf32, #tpu.memory_space<vmem>>
      %dma_wait3A_186 = arith.constant 0 : i32
      %dma_wait3A_187 = arith.constant 0 : i32
      %dma_wait3A_188 = tpu.memref_slice %arg3[%dma_wait3A_182, %dma_wait3A_186, %dma_wait3A_187] : memref<8x128x128xf32, #tpu.memory_space<hbm>> -> memref<1x2x128xf32, #tpu.memory_space<hbm>>
      %dma_wait3A_189 = tpu.memref_squeeze %dma_wait3A_188 : memref<1x2x128xf32, #tpu.memory_space<hbm>> -> memref<2x128xf32, #tpu.memory_space<hbm>>
      %dma_wait3A_190 = arith.constant 8 : i32
      %dma_wait3A_191 = arith.constant 0 : i32
      %dma_wait3A_192 = tpu.memref_slice %arg8[%dma_wait3A_190, %dma_wait3A_191] : memref<16x128xf32, #tpu.memory_space<vmem>> -> memref<2x128xf32, #tpu.memory_space<vmem>>
      %dma_wait3A_193 = arith.constant 0 : i32
      %dma_wait3A_194 = arith.constant 0 : i32
      %dma_wait3A_195 = tpu.memref_slice %arg3[%dma_wait3A_182, %dma_wait3A_193, %dma_wait3A_194] : memref<8x128x128xf32, #tpu.memory_space<hbm>> -> memref<1x2x128xf32, #tpu.memory_space<hbm>>
      %dma_wait3A_196 = tpu.memref_squeeze %dma_wait3A_195 : memref<1x2x128xf32, #tpu.memory_space<hbm>> -> memref<2x128xf32, #tpu.memory_space<hbm>>
      tpu.wait_dma2 semaphore(%arg12 : memref<!tpu.dma_semaphore, #tpu.memory_space<semaphore_mem>>) src(%dma_wait3A_196 : memref<2x128xf32, #tpu.memory_space<hbm>>) dst(%dma_wait3A_192 : memref<2x128xf32, #tpu.memory_space<vmem>>)
      %dma_wait3A_197 = arith.constant 5 : i32
      %dma_wait3A_198 = arith.constant 10 : i32
      %dma_wait3A_199 = arith.constant 0 : i32
      %dma_wait3A_200 = tpu.memref_slice %arg8[%dma_wait3A_198, %dma_wait3A_199] : memref<16x128xf32, #tpu.memory_space<vmem>> -> memref<2x128xf32, #tpu.memory_space<vmem>>
      %dma_wait3A_201 = arith.constant 0 : i32
      %dma_wait3A_202 = arith.constant 0 : i32
      %dma_wait3A_203 = tpu.memref_slice %arg3[%dma_wait3A_197, %dma_wait3A_201, %dma_wait3A_202] : memref<8x128x128xf32, #tpu.memory_space<hbm>> -> memref<1x2x128xf32, #tpu.memory_space<hbm>>
      %dma_wait3A_204 = tpu.memref_squeeze %dma_wait3A_203 : memref<1x2x128xf32, #tpu.memory_space<hbm>> -> memref<2x128xf32, #tpu.memory_space<hbm>>
      %dma_wait3A_205 = arith.constant 10 : i32
      %dma_wait3A_206 = arith.constant 0 : i32
      %dma_wait3A_207 = tpu.memref_slice %arg8[%dma_wait3A_205, %dma_wait3A_206] : memref<16x128xf32, #tpu.memory_space<vmem>> -> memref<2x128xf32, #tpu.memory_space<vmem>>
      %dma_wait3A_208 = arith.constant 0 : i32
      %dma_wait3A_209 = arith.constant 0 : i32
      %dma_wait3A_210 = tpu.memref_slice %arg3[%dma_wait3A_197, %dma_wait3A_208, %dma_wait3A_209] : memref<8x128x128xf32, #tpu.memory_space<hbm>> -> memref<1x2x128xf32, #tpu.memory_space<hbm>>
      %dma_wait3A_211 = tpu.memref_squeeze %dma_wait3A_210 : memref<1x2x128xf32, #tpu.memory_space<hbm>> -> memref<2x128xf32, #tpu.memory_space<hbm>>
      tpu.wait_dma2 semaphore(%arg12 : memref<!tpu.dma_semaphore, #tpu.memory_space<semaphore_mem>>) src(%dma_wait3A_211 : memref<2x128xf32, #tpu.memory_space<hbm>>) dst(%dma_wait3A_207 : memref<2x128xf32, #tpu.memory_space<vmem>>)
      %dma_wait3A_212 = arith.constant 6 : i32
      %dma_wait3A_213 = arith.constant 12 : i32
      %dma_wait3A_214 = arith.constant 0 : i32
      %dma_wait3A_215 = tpu.memref_slice %arg8[%dma_wait3A_213, %dma_wait3A_214] : memref<16x128xf32, #tpu.memory_space<vmem>> -> memref<2x128xf32, #tpu.memory_space<vmem>>
      %dma_wait3A_216 = arith.constant 0 : i32
      %dma_wait3A_217 = arith.constant 0 : i32
      %dma_wait3A_218 = tpu.memref_slice %arg3[%dma_wait3A_212, %dma_wait3A_216, %dma_wait3A_217] : memref<8x128x128xf32, #tpu.memory_space<hbm>> -> memref<1x2x128xf32, #tpu.memory_space<hbm>>
      %dma_wait3A_219 = tpu.memref_squeeze %dma_wait3A_218 : memref<1x2x128xf32, #tpu.memory_space<hbm>> -> memref<2x128xf32, #tpu.memory_space<hbm>>
      %dma_wait3A_220 = arith.constant 12 : i32
      %dma_wait3A_221 = arith.constant 0 : i32
      %dma_wait3A_222 = tpu.memref_slice %arg8[%dma_wait3A_220, %dma_wait3A_221] : memref<16x128xf32, #tpu.memory_space<vmem>> -> memref<2x128xf32, #tpu.memory_space<vmem>>
      %dma_wait3A_223 = arith.constant 0 : i32
      %dma_wait3A_224 = arith.constant 0 : i32
      %dma_wait3A_225 = tpu.memref_slice %arg3[%dma_wait3A_212, %dma_wait3A_223, %dma_wait3A_224] : memref<8x128x128xf32, #tpu.memory_space<hbm>> -> memref<1x2x128xf32, #tpu.memory_space<hbm>>
      %dma_wait3A_226 = tpu.memref_squeeze %dma_wait3A_225 : memref<1x2x128xf32, #tpu.memory_space<hbm>> -> memref<2x128xf32, #tpu.memory_space<hbm>>
      tpu.wait_dma2 semaphore(%arg12 : memref<!tpu.dma_semaphore, #tpu.memory_space<semaphore_mem>>) src(%dma_wait3A_226 : memref<2x128xf32, #tpu.memory_space<hbm>>) dst(%dma_wait3A_222 : memref<2x128xf32, #tpu.memory_space<vmem>>)
      %dma_wait3A_227 = arith.constant 7 : i32
      %dma_wait3A_228 = arith.constant 14 : i32
      %dma_wait3A_229 = arith.constant 0 : i32
      %dma_wait3A_230 = tpu.memref_slice %arg8[%dma_wait3A_228, %dma_wait3A_229] : memref<16x128xf32, #tpu.memory_space<vmem>> -> memref<2x128xf32, #tpu.memory_space<vmem>>
      %dma_wait3A_231 = arith.constant 0 : i32
      %dma_wait3A_232 = arith.constant 0 : i32
      %dma_wait3A_233 = tpu.memref_slice %arg3[%dma_wait3A_227, %dma_wait3A_231, %dma_wait3A_232] : memref<8x128x128xf32, #tpu.memory_space<hbm>> -> memref<1x2x128xf32, #tpu.memory_space<hbm>>
      %dma_wait3A_234 = tpu.memref_squeeze %dma_wait3A_233 : memref<1x2x128xf32, #tpu.memory_space<hbm>> -> memref<2x128xf32, #tpu.memory_space<hbm>>
      %dma_wait3A_235 = arith.constant 14 : i32
      %dma_wait3A_236 = arith.constant 0 : i32
      %dma_wait3A_237 = tpu.memref_slice %arg8[%dma_wait3A_235, %dma_wait3A_236] : memref<16x128xf32, #tpu.memory_space<vmem>> -> memref<2x128xf32, #tpu.memory_space<vmem>>
      %dma_wait3A_238 = arith.constant 0 : i32
      %dma_wait3A_239 = arith.constant 0 : i32
      %dma_wait3A_240 = tpu.memref_slice %arg3[%dma_wait3A_227, %dma_wait3A_238, %dma_wait3A_239] : memref<8x128x128xf32, #tpu.memory_space<hbm>> -> memref<1x2x128xf32, #tpu.memory_space<hbm>>
      %dma_wait3A_241 = tpu.memref_squeeze %dma_wait3A_240 : memref<1x2x128xf32, #tpu.memory_space<hbm>> -> memref<2x128xf32, #tpu.memory_space<hbm>>
      tpu.wait_dma2 semaphore(%arg12 : memref<!tpu.dma_semaphore, #tpu.memory_space<semaphore_mem>>) src(%dma_wait3A_241 : memref<2x128xf32, #tpu.memory_space<hbm>>) dst(%dma_wait3A_237 : memref<2x128xf32, #tpu.memory_space<vmem>>)
      %iota3A = tpu.iota {dimensions = array<i32: 0>} : vector<16xi32>
      %get3A = arith.constant 0 : index
      %get3A_242 = tpu.vector_load %arg7[%get3A] {strides = array<i32>} : memref<2048xf32, #tpu.memory_space<vmem>>, vector<16xf32>,
      %get3A_243 = arith.constant 0 : i32
      %get3A_244 = arith.index_cast %get3A_243 : i32 to index
      %get3A_245 = arith.constant 0 : index
      %get3A_246 = tpu.vector_load %arg8[%get3A_244, %get3A_245] {strides = array<i32>} : memref<16x128xf32, #tpu.memory_space<vmem>>, vector<16xf32>,
      %eq3A_247 = arith.constant 1 : i32
      %eq3A_248 = vector.broadcast %eq3A_247 : i32 to vector<16xi32>
      %eq3A_249 = arith.cmpi eq, %iota3A, %eq3A_248 : vector<16xi32>
      %jit3A = arith.constant 0.000000e+00 : f32
      %broadcast_in_dim3A = vector.broadcast %jit3A : f32 to vector<16xf32>
      %select_n3A = arith.select %eq3A_249, %broadcast_in_dim3A, %get3A_246 : vector<16xi1>, vector<16xf32>
      %mul3A = arith.mulf %get3A_242, %select_n3A : vector<16xf32>
      %swap3A = arith.constant 0 : index
      %swap3A_250 = tpu.vector_load %arg9[%swap3A] {strides = array<i32>} : memref<2048xf32, #tpu.memory_space<vmem>>, vector<16xf32>,
      tpu.vector_store %arg9[%swap3A], %mul3A {strides = array<i32>} : memref<2048xf32, #tpu.memory_space<vmem>>, vector<16xf32>,
      %get3A_251 = arith.constant 16 : index
      %get3A_252 = tpu.vector_load %arg7[%get3A_251] {strides = array<i32>} : memref<2048xf32, #tpu.memory_space<vmem>>, vector<16xf32>,
      %get3A_253 = arith.constant 0 : i32
      %get3A_254 = arith.index_cast %get3A_253 : i32 to index
      %get3A_255 = arith.constant 16 : index
      %get3A_256 = tpu.vector_load %arg8[%get3A_254, %get3A_255] {strides = array<i32>} : memref<16x128xf32, #tpu.memory_space<vmem>>, vector<16xf32>,
      %mul3A_257 = arith.mulf %get3A_252, %get3A_256 : vector<16xf32>
      %swap3A_258 = arith.constant 16 : index
      %swap3A_259 = tpu.vector_load %arg9[%swap3A_258] {strides = array<i32>} : memref<2048xf32, #tpu.memory_space<vmem>>, vector<16xf32>,
      tpu.vector_store %arg9[%swap3A_258], %mul3A_257 {strides = array<i32>} : memref<2048xf32, #tpu.memory_space<vmem>>, vector<16xf32>,
      %gt3A = arith.cmpf ogt, %mul3A_257, %mul3A : vector<16xf32>
      %add3A = arith.constant 16 : i32
      %add3A_260 = vector.broadcast %add3A : i32 to vector<16xi32>
      %add3A_261 = arith.addi %add3A_260, %iota3A : vector<16xi32>
      %select_n3A_262 = arith.select %gt3A, %add3A_261, %iota3A : vector<16xi1>, vector<16xi32>
      %select_n3A_263 = arith.select %gt3A, %mul3A_257, %mul3A : vector<16xi1>, vector<16xf32>
      %get3A_264 = arith.constant 32 : index
      %get3A_265 = tpu.vector_load %arg7[%get3A_264] {strides = array<i32>} : memref<2048xf32, #tpu.memory_space<vmem>>, vector<16xf32>,
      %get3A_266 = arith.constant 0 : i32
      %get3A_267 = arith.index_cast %get3A_266 : i32 to index
      %get3A_268 = arith.constant 32 : index
      %get3A_269 = tpu.vector_load %arg8[%get3A_267, %get3A_268] {strides = array<i32>} : memref<16x128xf32, #tpu.memory_space<vmem>>, vector<16xf32>,
      %mul3A_270 = arith.mulf %get3A_265, %get3A_269 : vector<16xf32>
      %swap3A_271 = arith.constant 32 : index
      %swap3A_272 = tpu.vector_load %arg9[%swap3A_271] {strides = array<i32>} : memref<2048xf32, #tpu.memory_space<vmem>>, vector<16xf32>,
      tpu.vector_store %arg9[%swap3A_271], %mul3A_270 {strides = array<i32>} : memref<2048xf32, #tpu.memory_space<vmem>>, vector<16xf32>,
      %gt3A_273 = arith.cmpf ogt, %mul3A_270, %select_n3A_263 : vector<16xf32>
      %add3A_274 = arith.constant 32 : i32
      %add3A_275 = vector.broadcast %add3A_274 : i32 to vector<16xi32>
      %add3A_276 = arith.addi %add3A_275, %iota3A : vector<16xi32>
      %select_n3A_277 = arith.select %gt3A_273, %add3A_276, %select_n3A_262 : vector<16xi1>, vector<16xi32>
      %select_n3A_278 = arith.select %gt3A_273, %mul3A_270, %select_n3A_263 : vector<16xi1>, vector<16xf32>
      %get3A_279 = arith.constant 48 : index
      %get3A_280 = tpu.vector_load %arg7[%get3A_279] {strides = array<i32>} : memref<2048xf32, #tpu.memory_space<vmem>>, vector<16xf32>,
      %get3A_281 = arith.constant 0 : i32
      %get3A_282 = arith.index_cast %get3A_281 : i32 to index
      %get3A_283 = arith.constant 48 : index
      %get3A_284 = tpu.vector_load %arg8[%get3A_282, %get3A_283] {strides = array<i32>} : memref<16x128xf32, #tpu.memory_space<vmem>>, vector<16xf32>,
      %mul3A_285 = arith.mulf %get3A_280, %get3A_284 : vector<16xf32>
      %swap3A_286 = arith.constant 48 : index
      %swap3A_287 = tpu.vector_load %arg9[%swap3A_286] {strides = array<i32>} : memref<2048xf32, #tpu.memory_space<vmem>>, vector<16xf32>,
      tpu.vector_store %arg9[%swap3A_286], %mul3A_285 {strides = array<i32>} : memref<2048xf32, #tpu.memory_space<vmem>>, vector<16xf32>,
      %gt3A_288 = arith.cmpf ogt, %mul3A_285, %select_n3A_278 : vector<16xf32>
      %add3A_289 = arith.constant 48 : i32
      %add3A_290 = vector.broadcast %add3A_289 : i32 to vector<16xi32>
      %add3A_291 = arith.addi %add3A_290, %iota3A : vector<16xi32>
      %select_n3A_292 = arith.select %gt3A_288, %add3A_291, %select_n3A_277 : vector<16xi1>, vector<16xi32>
      %select_n3A_293 = arith.select %gt3A_288, %mul3A_285, %select_n3A_278 : vector<16xi1>, vector<16xf32>
      %get3A_294 = arith.constant 64 : index
      %get3A_295 = tpu.vector_load %arg7[%get3A_294] {strides = array<i32>} : memref<2048xf32, #tpu.memory_space<vmem>>, vector<16xf32>,
      %get3A_296 = arith.constant 0 : i32
      %get3A_297 = arith.index_cast %get3A_296 : i32 to index
      %get3A_298 = arith.constant 64 : index
      %get3A_299 = tpu.vector_load %arg8[%get3A_297, %get3A_298] {strides = array<i32>} : memref<16x128xf32, #tpu.memory_space<vmem>>, vector<16xf32>,
      %mul3A_300 = arith.mulf %get3A_295, %get3A_299 : vector<16xf32>
      %swap3A_301 = arith.constant 64 : index
      %swap3A_302 = tpu.vector_load %arg9[%swap3A_301] {strides = array<i32>} : memref<2048xf32, #tpu.memory_space<vmem>>, vector<16xf32>,
      tpu.vector_store %arg9[%swap3A_301], %mul3A_300 {strides = array<i32>} : memref<2048xf32, #tpu.memory_space<vmem>>, vector<16xf32>,
      %gt3A_303 = arith.cmpf ogt, %mul3A_300, %select_n3A_293 : vector<16xf32>
      %add3A_304 = arith.constant 64 : i32
      %add3A_305 = vector.broadcast %add3A_304 : i32 to vector<16xi32>
      %add3A_306 = arith.addi %add3A_305, %iota3A : vector<16xi32>
      %select_n3A_307 = arith.select %gt3A_303, %add3A_306, %select_n3A_292 : vector<16xi1>, vector<16xi32>
      %select_n3A_308 = arith.select %gt3A_303, %mul3A_300, %select_n3A_293 : vector<16xi1>, vector<16xf32>
      %get3A_309 = arith.constant 80 : index
      %get3A_310 = tpu.vector_load %arg7[%get3A_309] {strides = array<i32>} : memref<2048xf32, #tpu.memory_space<vmem>>, vector<16xf32>,
      %get3A_311 = arith.constant 0 : i32
      %get3A_312 = arith.index_cast %get3A_311 : i32 to index
      %get3A_313 = arith.constant 80 : index
      %get3A_314 = tpu.vector_load %arg8[%get3A_312, %get3A_313] {strides = array<i32>} : memref<16x128xf32, #tpu.memory_space<vmem>>, vector<16xf32>,
      %mul3A_315 = arith.mulf %get3A_310, %get3A_314 : vector<16xf32>
      %swap3A_316 = arith.constant 80 : index
      %swap3A_317 = tpu.vector_load %arg9[%swap3A_316] {strides = array<i32>} : memref<2048xf32, #tpu.memory_space<vmem>>, vector<16xf32>,
      tpu.vector_store %arg9[%swap3A_316], %mul3A_315 {strides = array<i32>} : memref<2048xf32, #tpu.memory_space<vmem>>, vector<16xf32>,
      %gt3A_318 = arith.cmpf ogt, %mul3A_315, %select_n3A_308 : vector<16xf32>
      %add3A_319 = arith.constant 80 : i32
      %add3A_320 = vector.broadcast %add3A_319 : i32 to vector<16xi32>
      %add3A_321 = arith.addi %add3A_320, %iota3A : vector<16xi32>
      %select_n3A_322 = arith.select %gt3A_318, %add3A_321, %select_n3A_307 : vector<16xi1>, vector<16xi32>
      %select_n3A_323 = arith.select %gt3A_318, %mul3A_315, %select_n3A_308 : vector<16xi1>, vector<16xf32>
      %get3A_324 = arith.constant 96 : index
      %get3A_325 = tpu.vector_load %arg7[%get3A_324] {strides = array<i32>} : memref<2048xf32, #tpu.memory_space<vmem>>, vector<16xf32>,
      %get3A_326 = arith.constant 0 : i32
      %get3A_327 = arith.index_cast %get3A_326 : i32 to index
      %get3A_328 = arith.constant 96 : index
      %get3A_329 = tpu.vector_load %arg8[%get3A_327, %get3A_328] {strides = array<i32>} : memref<16x128xf32, #tpu.memory_space<vmem>>, vector<16xf32>,
      %mul3A_330 = arith.mulf %get3A_325, %get3A_329 : vector<16xf32>
      %swap3A_331 = arith.constant 96 : index
      %swap3A_332 = tpu.vector_load %arg9[%swap3A_331] {strides = array<i32>} : memref<2048xf32, #tpu.memory_space<vmem>>, vector<16xf32>,
      tpu.vector_store %arg9[%swap3A_331], %mul3A_330 {strides = array<i32>} : memref<2048xf32, #tpu.memory_space<vmem>>, vector<16xf32>,
      %gt3A_333 = arith.cmpf ogt, %mul3A_330, %select_n3A_323 : vector<16xf32>
      %add3A_334 = arith.constant 96 : i32
      %add3A_335 = vector.broadcast %add3A_334 : i32 to vector<16xi32>
      %add3A_336 = arith.addi %add3A_335, %iota3A : vector<16xi32>
      %select_n3A_337 = arith.select %gt3A_333, %add3A_336, %select_n3A_322 : vector<16xi1>, vector<16xi32>
      %select_n3A_338 = arith.select %gt3A_333, %mul3A_330, %select_n3A_323 : vector<16xi1>, vector<16xf32>
      %get3A_339 = arith.constant 112 : index
      %get3A_340 = tpu.vector_load %arg7[%get3A_339] {strides = array<i32>} : memref<2048xf32, #tpu.memory_space<vmem>>, vector<16xf32>,
      %get3A_341 = arith.constant 0 : i32
      %get3A_342 = arith.index_cast %get3A_341 : i32 to index
      %get3A_343 = arith.constant 112 : index
      %get3A_344 = tpu.vector_load %arg8[%get3A_342, %get3A_343] {strides = array<i32>} : memref<16x128xf32, #tpu.memory_space<vmem>>, vector<16xf32>,
      %mul3A_345 = arith.mulf %get3A_340, %get3A_344 : vector<16xf32>
      %swap3A_346 = arith.constant 112 : index
      %swap3A_347 = tpu.vector_load %arg9[%swap3A_346] {strides = array<i32>} : memref<2048xf32, #tpu.memory_space<vmem>>, vector<16xf32>,
      tpu.vector_store %arg9[%swap3A_346], %mul3A_345 {strides = array<i32>} : memref<2048xf32, #tpu.memory_space<vmem>>, vector<16xf32>,
      %gt3A_348 = arith.cmpf ogt, %mul3A_345, %select_n3A_338 : vector<16xf32>
      %add3A_349 = arith.constant 112 : i32
      %add3A_350 = vector.broadcast %add3A_349 : i32 to vector<16xi32>
      %add3A_351 = arith.addi %add3A_350, %iota3A : vector<16xi32>
      %select_n3A_352 = arith.select %gt3A_348, %add3A_351, %select_n3A_337 : vector<16xi1>, vector<16xi32>
      %select_n3A_353 = arith.select %gt3A_348, %mul3A_345, %select_n3A_338 : vector<16xi1>, vector<16xf32>
      %reduce_max3A = arith.constant true
      %reduce_max3A_354 = vector.broadcast %reduce_max3A : i1 to vector<16xi1>
      %reduce_max3A_355 = tpu.scan <max>, %select_n3A_353 masked %reduce_max3A_354 : vector<16xf32>, vector<16xi1> -> vector<16xf32>
      %reduce_max3A_356 = vector.extract %reduce_max3A_355[15] : f32 from vector<16xf32>
      %eq3A_357 = vector.broadcast %reduce_max3A_356 : f32 to vector<16xf32>
      %eq3A_358 = arith.cmpf oeq, %select_n3A_353, %eq3A_357 : vector<16xf32>
      %jit3A_359 = arith.constant 2048 : i32
      %broadcast_in_dim3A_360 = vector.broadcast %jit3A_359 : i32 to vector<16xi32>
      %select_n3A_361 = arith.select %eq3A_358, %select_n3A_352, %broadcast_in_dim3A_360 : vector<16xi1>, vector<16xi32>
      %reduce_min3A = arith.constant true
      %reduce_min3A_362 = vector.broadcast %reduce_min3A : i1 to vector<16xi1>
      %reduce_min3A_363 = arith.constant -2147483648 : i32
      %reduce_min3A_364 = vector.broadcast %reduce_min3A_363 : i32 to vector<16xi32>
      %reduce_min3A_365 = arith.xori %select_n3A_361, %reduce_min3A_364 : vector<16xi32>
      %reduce_min3A_366 = tpu.scan <min>, %reduce_min3A_365 masked %reduce_min3A_362 : vector<16xi32>, vector<16xi1> -> vector<16xi32>
      %reduce_min3A_367 = arith.xori %reduce_min3A_366, %reduce_min3A_364 : vector<16xi32>
      %reduce_min3A_368 = vector.extract %reduce_min3A_367[15] : i32 from vector<16xi32>
      %get3A_369 = arith.constant 128 : index
      %get3A_370 = tpu.vector_load %arg7[%get3A_369] {strides = array<i32>} : memref<2048xf32, #tpu.memory_space<vmem>>, vector<16xf32>,
      %get3A_371 = arith.constant 1 : i32
      %get3A_372 = arith.index_cast %get3A_371 : i32 to index
      %get3A_373 = arith.constant 0 : index
      %get3A_374 = tpu.vector_load %arg8[%get3A_372, %get3A_373] {strides = array<i32>} : memref<16x128xf32, #tpu.memory_space<vmem>>, vector<16xf32>,
      %eq3A_375 = arith.constant 0 : i32
      %eq3A_376 = vector.broadcast %eq3A_375 : i32 to vector<16xi32>
      %eq3A_377 = arith.cmpi eq, %iota3A, %eq3A_376 : vector<16xi32>
      %jit3A_378 = arith.constant 0.000000e+00 : f32
      %broadcast_in_dim3A_379 = vector.broadcast %jit3A_378 : f32 to vector<16xf32>
      %select_n3A_380 = arith.select %eq3A_377, %broadcast_in_dim3A_379, %get3A_374 : vector<16xi1>, vector<16xf32>
      %mul3A_381 = arith.mulf %get3A_370, %select_n3A_380 : vector<16xf32>
      %swap3A_382 = arith.constant 128 : index
      %swap3A_383 = tpu.vector_load %arg9[%swap3A_382] {strides = array<i32>} : memref<2048xf32, #tpu.memory_space<vmem>>, vector<16xf32>,
      tpu.vector_store %arg9[%swap3A_382], %mul3A_381 {strides = array<i32>} : memref<2048xf32, #tpu.memory_space<vmem>>, vector<16xf32>,
      %get3A_384 = arith.constant 144 : index
      %get3A_385 = tpu.vector_load %arg7[%get3A_384] {strides = array<i32>} : memref<2048xf32, #tpu.memory_space<vmem>>, vector<16xf32>,
      %get3A_386 = arith.constant 1 : i32
      %get3A_387 = arith.index_cast %get3A_386 : i32 to index
      %get3A_388 = arith.constant 16 : index
      %get3A_389 = tpu.vector_load %arg8[%get3A_387, %get3A_388] {strides = array<i32>} : memref<16x128xf32, #tpu.memory_space<vmem>>, vector<16xf32>,
      %mul3A_390 = arith.mulf %get3A_385, %get3A_389 : vector<16xf32>
      %swap3A_391 = arith.constant 144 : index
      %swap3A_392 = tpu.vector_load %arg9[%swap3A_391] {strides = array<i32>} : memref<2048xf32, #tpu.memory_space<vmem>>, vector<16xf32>,
      tpu.vector_store %arg9[%swap3A_391], %mul3A_390 {strides = array<i32>} : memref<2048xf32, #tpu.memory_space<vmem>>, vector<16xf32>,
      %gt3A_393 = arith.cmpf ogt, %mul3A_390, %mul3A_381 : vector<16xf32>
      %add3A_394 = arith.constant 16 : i32
      %add3A_395 = vector.broadcast %add3A_394 : i32 to vector<16xi32>
      %add3A_396 = arith.addi %add3A_395, %iota3A : vector<16xi32>
      %select_n3A_397 = arith.select %gt3A_393, %add3A_396, %iota3A : vector<16xi1>, vector<16xi32>
      %select_n3A_398 = arith.select %gt3A_393, %mul3A_390, %mul3A_381 : vector<16xi1>, vector<16xf32>
      %get3A_399 = arith.constant 160 : index
      %get3A_400 = tpu.vector_load %arg7[%get3A_399] {strides = array<i32>} : memref<2048xf32, #tpu.memory_space<vmem>>, vector<16xf32>,
      %get3A_401 = arith.constant 1 : i32
      %get3A_402 = arith.index_cast %get3A_401 : i32 to index
      %get3A_403 = arith.constant 32 : index
      %get3A_404 = tpu.vector_load %arg8[%get3A_402, %get3A_403] {strides = array<i32>} : memref<16x128xf32, #tpu.memory_space<vmem>>, vector<16xf32>,
      %mul3A_405 = arith.mulf %get3A_400, %get3A_404 : vector<16xf32>
      %swap3A_406 = arith.constant 160 : index
      %swap3A_407 = tpu.vector_load %arg9[%swap3A_406] {strides = array<i32>} : memref<2048xf32, #tpu.memory_space<vmem>>, vector<16xf32>,
      tpu.vector_store %arg9[%swap3A_406], %mul3A_405 {strides = array<i32>} : memref<2048xf32, #tpu.memory_space<vmem>>, vector<16xf32>,
      %gt3A_408 = arith.cmpf ogt, %mul3A_405, %select_n3A_398 : vector<16xf32>
      %add3A_409 = arith.constant 32 : i32
      %add3A_410 = vector.broadcast %add3A_409 : i32 to vector<16xi32>
      %add3A_411 = arith.addi %add3A_410, %iota3A : vector<16xi32>
      %select_n3A_412 = arith.select %gt3A_408, %add3A_411, %select_n3A_397 : vector<16xi1>, vector<16xi32>
      %select_n3A_413 = arith.select %gt3A_408, %mul3A_405, %select_n3A_398 : vector<16xi1>, vector<16xf32>
      %get3A_414 = arith.constant 176 : index
      %get3A_415 = tpu.vector_load %arg7[%get3A_414] {strides = array<i32>} : memref<2048xf32, #tpu.memory_space<vmem>>, vector<16xf32>,
      %get3A_416 = arith.constant 1 : i32
      %get3A_417 = arith.index_cast %get3A_416 : i32 to index
      %get3A_418 = arith.constant 48 : index
      %get3A_419 = tpu.vector_load %arg8[%get3A_417, %get3A_418] {strides = array<i32>} : memref<16x128xf32, #tpu.memory_space<vmem>>, vector<16xf32>,
      %mul3A_420 = arith.mulf %get3A_415, %get3A_419 : vector<16xf32>
      %swap3A_421 = arith.constant 176 : index
      %swap3A_422 = tpu.vector_load %arg9[%swap3A_421] {strides = array<i32>} : memref<2048xf32, #tpu.memory_space<vmem>>, vector<16xf32>,
      tpu.vector_store %arg9[%swap3A_421], %mul3A_420 {strides = array<i32>} : memref<2048xf32, #tpu.memory_space<vmem>>, vector<16xf32>,
      %gt3A_423 = arith.cmpf ogt, %mul3A_420, %select_n3A_413 : vector<16xf32>
      %add3A_424 = arith.constant 48 : i32
      %add3A_425 = vector.broadcast %add3A_424 : i32 to vector<16xi32>
      %add3A_426 = arith.addi %add3A_425, %iota3A : vector<16xi32>
      %select_n3A_427 = arith.select %gt3A_423, %add3A_426, %select_n3A_412 : vector<16xi1>, vector<16xi32>
      %select_n3A_428 = arith.select %gt3A_423, %mul3A_420, %select_n3A_413 : vector<16xi1>, vector<16xf32>
      %get3A_429 = arith.constant 192 : index
      %get3A_430 = tpu.vector_load %arg7[%get3A_429] {strides = array<i32>} : memref<2048xf32, #tpu.memory_space<vmem>>, vector<16xf32>,
      %get3A_431 = arith.constant 1 : i32
      %get3A_432 = arith.index_cast %get3A_431 : i32 to index
      %get3A_433 = arith.constant 64 : index
      %get3A_434 = tpu.vector_load %arg8[%get3A_432, %get3A_433] {strides = array<i32>} : memref<16x128xf32, #tpu.memory_space<vmem>>, vector<16xf32>,
      %mul3A_435 = arith.mulf %get3A_430, %get3A_434 : vector<16xf32>
      %swap3A_436 = arith.constant 192 : index
      %swap3A_437 = tpu.vector_load %arg9[%swap3A_436] {strides = array<i32>} : memref<2048xf32, #tpu.memory_space<vmem>>, vector<16xf32>,
      tpu.vector_store %arg9[%swap3A_436], %mul3A_435 {strides = array<i32>} : memref<2048xf32, #tpu.memory_space<vmem>>, vector<16xf32>,
      %gt3A_438 = arith.cmpf ogt, %mul3A_435, %select_n3A_428 : vector<16xf32>
      %add3A_439 = arith.constant 64 : i32
      %add3A_440 = vector.broadcast %add3A_439 : i32 to vector<16xi32>
      %add3A_441 = arith.addi %add3A_440, %iota3A : vector<16xi32>
      %select_n3A_442 = arith.select %gt3A_438, %add3A_441, %select_n3A_427 : vector<16xi1>, vector<16xi32>
      %select_n3A_443 = arith.select %gt3A_438, %mul3A_435, %select_n3A_428 : vector<16xi1>, vector<16xf32>
      %get3A_444 = arith.constant 208 : index
      %get3A_445 = tpu.vector_load %arg7[%get3A_444] {strides = array<i32>} : memref<2048xf32, #tpu.memory_space<vmem>>, vector<16xf32>,
      %get3A_446 = arith.constant 1 : i32
      %get3A_447 = arith.index_cast %get3A_446 : i32 to index
      %get3A_448 = arith.constant 80 : index
      %get3A_449 = tpu.vector_load %arg8[%get3A_447, %get3A_448] {strides = array<i32>} : memref<16x128xf32, #tpu.memory_space<vmem>>, vector<16xf32>,
      %mul3A_450 = arith.mulf %get3A_445, %get3A_449 : vector<16xf32>
      %swap3A_451 = arith.constant 208 : index
      %swap3A_452 = tpu.vector_load %arg9[%swap3A_451] {strides = array<i32>} : memref<2048xf32, #tpu.memory_space<vmem>>, vector<16xf32>,
      tpu.vector_store %arg9[%swap3A_451], %mul3A_450 {strides = array<i32>} : memref<2048xf32, #tpu.memory_space<vmem>>, vector<16xf32>,
      %gt3A_453 = arith.cmpf ogt, %mul3A_450, %select_n3A_443 : vector<16xf32>
      %add3A_454 = arith.constant 80 : i32
      %add3A_455 = vector.broadcast %add3A_454 : i32 to vector<16xi32>
      %add3A_456 = arith.addi %add3A_455, %iota3A : vector<16xi32>
      %select_n3A_457 = arith.select %gt3A_453, %add3A_456, %select_n3A_442 : vector<16xi1>, vector<16xi32>
      %select_n3A_458 = arith.select %gt3A_453, %mul3A_450, %select_n3A_443 : vector<16xi1>, vector<16xf32>
      %get3A_459 = arith.constant 224 : index
      %get3A_460 = tpu.vector_load %arg7[%get3A_459] {strides = array<i32>} : memref<2048xf32, #tpu.memory_space<vmem>>, vector<16xf32>,
      %get3A_461 = arith.constant 1 : i32
      %get3A_462 = arith.index_cast %get3A_461 : i32 to index
      %get3A_463 = arith.constant 96 : index
      %get3A_464 = tpu.vector_load %arg8[%get3A_462, %get3A_463] {strides = array<i32>} : memref<16x128xf32, #tpu.memory_space<vmem>>, vector<16xf32>,
      %mul3A_465 = arith.mulf %get3A_460, %get3A_464 : vector<16xf32>
      %swap3A_466 = arith.constant 224 : index
      %swap3A_467 = tpu.vector_load %arg9[%swap3A_466] {strides = array<i32>} : memref<2048xf32, #tpu.memory_space<vmem>>, vector<16xf32>,
      tpu.vector_store %arg9[%swap3A_466], %mul3A_465 {strides = array<i32>} : memref<2048xf32, #tpu.memory_space<vmem>>, vector<16xf32>,
      %gt3A_468 = arith.cmpf ogt, %mul3A_465, %select_n3A_458 : vector<16xf32>
      %add3A_469 = arith.constant 96 : i32
      %add3A_470 = vector.broadcast %add3A_469 : i32 to vector<16xi32>
      %add3A_471 = arith.addi %add3A_470, %iota3A : vector<16xi32>
      %select_n3A_472 = arith.select %gt3A_468, %add3A_471, %select_n3A_457 : vector<16xi1>, vector<16xi32>
      %select_n3A_473 = arith.select %gt3A_468, %mul3A_465, %select_n3A_458 : vector<16xi1>, vector<16xf32>
      %get3A_474 = arith.constant 240 : index
      %get3A_475 = tpu.vector_load %arg7[%get3A_474] {strides = array<i32>} : memref<2048xf32, #tpu.memory_space<vmem>>, vector<16xf32>,
      %get3A_476 = arith.constant 1 : i32
      %get3A_477 = arith.index_cast %get3A_476 : i32 to index
      %get3A_478 = arith.constant 112 : index
      %get3A_479 = tpu.vector_load %arg8[%get3A_477, %get3A_478] {strides = array<i32>} : memref<16x128xf32, #tpu.memory_space<vmem>>, vector<16xf32>,
      %mul3A_480 = arith.mulf %get3A_475, %get3A_479 : vector<16xf32>
      %swap3A_481 = arith.constant 240 : index
      %swap3A_482 = tpu.vector_load %arg9[%swap3A_481] {strides = array<i32>} : memref<2048xf32, #tpu.memory_space<vmem>>, vector<16xf32>,
      tpu.vector_store %arg9[%swap3A_481], %mul3A_480 {strides = array<i32>} : memref<2048xf32, #tpu.memory_space<vmem>>, vector<16xf32>,
      %gt3A_483 = arith.cmpf ogt, %mul3A_480, %select_n3A_473 : vector<16xf32>
      %add3A_484 = arith.constant 112 : i32
      %add3A_485 = vector.broadcast %add3A_484 : i32 to vector<16xi32>
      %add3A_486 = arith.addi %add3A_485, %iota3A : vector<16xi32>
      %select_n3A_487 = arith.select %gt3A_483, %add3A_486, %select_n3A_472 : vector<16xi1>, vector<16xi32>
      %select_n3A_488 = arith.select %gt3A_483, %mul3A_480, %select_n3A_473 : vector<16xi1>, vector<16xf32>
      %reduce_max3A_489 = arith.constant true
      %reduce_max3A_490 = vector.broadcast %reduce_max3A_489 : i1 to vector<16xi1>
      %reduce_max3A_491 = tpu.scan <max>, %select_n3A_488 masked %reduce_max3A_490 : vector<16xf32>, vector<16xi1> -> vector<16xf32>
      %reduce_max3A_492 = vector.extract %reduce_max3A_491[15] : f32 from vector<16xf32>
      %eq3A_493 = vector.broadcast %reduce_max3A_492 : f32 to vector<16xf32>
      %eq3A_494 = arith.cmpf oeq, %select_n3A_488, %eq3A_493 : vector<16xf32>
      %jit3A_495 = arith.constant 2048 : i32
      %broadcast_in_dim3A_496 = vector.broadcast %jit3A_495 : i32 to vector<16xi32>
      %select_n3A_497 = arith.select %eq3A_494, %select_n3A_487, %broadcast_in_dim3A_496 : vector<16xi1>, vector<16xi32>
      %reduce_min3A_498 = arith.constant true
      %reduce_min3A_499 = vector.broadcast %reduce_min3A_498 : i1 to vector<16xi1>
      %reduce_min3A_500 = arith.constant -2147483648 : i32
      %reduce_min3A_501 = vector.broadcast %reduce_min3A_500 : i32 to vector<16xi32>
      %reduce_min3A_502 = arith.xori %select_n3A_497, %reduce_min3A_501 : vector<16xi32>
      %reduce_min3A_503 = tpu.scan <min>, %reduce_min3A_502 masked %reduce_min3A_499 : vector<16xi32>, vector<16xi1> -> vector<16xi32>
      %reduce_min3A_504 = arith.xori %reduce_min3A_503, %reduce_min3A_501 : vector<16xi32>
      %reduce_min3A_505 = vector.extract %reduce_min3A_504[15] : i32 from vector<16xi32>
      %get3A_506 = arith.constant 256 : index
      %get3A_507 = tpu.vector_load %arg7[%get3A_506] {strides = array<i32>} : memref<2048xf32, #tpu.memory_space<vmem>>, vector<16xf32>,
      %get3A_508 = arith.constant 2 : i32
      %get3A_509 = arith.index_cast %get3A_508 : i32 to index
      %get3A_510 = arith.constant 0 : index
      %get3A_511 = tpu.vector_load %arg8[%get3A_509, %get3A_510] {strides = array<i32>} : memref<16x128xf32, #tpu.memory_space<vmem>>, vector<16xf32>,
      %eq3A_512 = arith.constant 1 : i32
      %eq3A_513 = vector.broadcast %eq3A_512 : i32 to vector<16xi32>
      %eq3A_514 = arith.cmpi eq, %iota3A, %eq3A_513 : vector<16xi32>
      %jit3A_515 = arith.constant 0.000000e+00 : f32
      %broadcast_in_dim3A_516 = vector.broadcast %jit3A_515 : f32 to vector<16xf32>
      %select_n3A_517 = arith.select %eq3A_514, %broadcast_in_dim3A_516, %get3A_511 : vector<16xi1>, vector<16xf32>
      %mul3A_518 = arith.mulf %get3A_507, %select_n3A_517 : vector<16xf32>
      %swap3A_519 = arith.constant 256 : index
      %swap3A_520 = tpu.vector_load %arg9[%swap3A_519] {strides = array<i32>} : memref<2048xf32, #tpu.memory_space<vmem>>, vector<16xf32>,
      tpu.vector_store %arg9[%swap3A_519], %mul3A_518 {strides = array<i32>} : memref<2048xf32, #tpu.memory_space<vmem>>, vector<16xf32>,
      %get3A_521 = arith.constant 272 : index
      %get3A_522 = tpu.vector_load %arg7[%get3A_521] {strides = array<i32>} : memref<2048xf32, #tpu.memory_space<vmem>>, vector<16xf32>,
      %get3A_523 = arith.constant 2 : i32
      %get3A_524 = arith.index_cast %get3A_523 : i32 to index
      %get3A_525 = arith.constant 16 : index
      %get3A_526 = tpu.vector_load %arg8[%get3A_524, %get3A_525] {strides = array<i32>} : memref<16x128xf32, #tpu.memory_space<vmem>>, vector<16xf32>,
      %mul3A_527 = arith.mulf %get3A_522, %get3A_526 : vector<16xf32>
      %swap3A_528 = arith.constant 272 : index
      %swap3A_529 = tpu.vector_load %arg9[%swap3A_528] {strides = array<i32>} : memref<2048xf32, #tpu.memory_space<vmem>>, vector<16xf32>,
      tpu.vector_store %arg9[%swap3A_528], %mul3A_527 {strides = array<i32>} : memref<2048xf32, #tpu.memory_space<vmem>>, vector<16xf32>,
      %gt3A_530 = arith.cmpf ogt, %mul3A_527, %mul3A_518 : vector<16xf32>
      %add3A_531 = arith.constant 16 : i32
      %add3A_532 = vector.broadcast %add3A_531 : i32 to vector<16xi32>
      %add3A_533 = arith.addi %add3A_532, %iota3A : vector<16xi32>
      %select_n3A_534 = arith.select %gt3A_530, %add3A_533, %iota3A : vector<16xi1>, vector<16xi32>
      %select_n3A_535 = arith.select %gt3A_530, %mul3A_527, %mul3A_518 : vector<16xi1>, vector<16xf32>
      %get3A_536 = arith.constant 288 : index
      %get3A_537 = tpu.vector_load %arg7[%get3A_536] {strides = array<i32>} : memref<2048xf32, #tpu.memory_space<vmem>>, vector<16xf32>,
      %get3A_538 = arith.constant 2 : i32
      %get3A_539 = arith.index_cast %get3A_538 : i32 to index
      %get3A_540 = arith.constant 32 : index
      %get3A_541 = tpu.vector_load %arg8[%get3A_539, %get3A_540] {strides = array<i32>} : memref<16x128xf32, #tpu.memory_space<vmem>>, vector<16xf32>,
      %mul3A_542 = arith.mulf %get3A_537, %get3A_541 : vector<16xf32>
      %swap3A_543 = arith.constant 288 : index
      %swap3A_544 = tpu.vector_load %arg9[%swap3A_543] {strides = array<i32>} : memref<2048xf32, #tpu.memory_space<vmem>>, vector<16xf32>,
      tpu.vector_store %arg9[%swap3A_543], %mul3A_542 {strides = array<i32>} : memref<2048xf32, #tpu.memory_space<vmem>>, vector<16xf32>,
      %gt3A_545 = arith.cmpf ogt, %mul3A_542, %select_n3A_535 : vector<16xf32>
      %add3A_546 = arith.constant 32 : i32
      %add3A_547 = vector.broadcast %add3A_546 : i32 to vector<16xi32>
      %add3A_548 = arith.addi %add3A_547, %iota3A : vector<16xi32>
      %select_n3A_549 = arith.select %gt3A_545, %add3A_548, %select_n3A_534 : vector<16xi1>, vector<16xi32>
      %select_n3A_550 = arith.select %gt3A_545, %mul3A_542, %select_n3A_535 : vector<16xi1>, vector<16xf32>
      %get3A_551 = arith.constant 304 : index
      %get3A_552 = tpu.vector_load %arg7[%get3A_551] {strides = array<i32>} : memref<2048xf32, #tpu.memory_space<vmem>>, vector<16xf32>,
      %get3A_553 = arith.constant 2 : i32
      %get3A_554 = arith.index_cast %get3A_553 : i32 to index
      %get3A_555 = arith.constant 48 : index
      %get3A_556 = tpu.vector_load %arg8[%get3A_554, %get3A_555] {strides = array<i32>} : memref<16x128xf32, #tpu.memory_space<vmem>>, vector<16xf32>,
      %mul3A_557 = arith.mulf %get3A_552, %get3A_556 : vector<16xf32>
      %swap3A_558 = arith.constant 304 : index
      %swap3A_559 = tpu.vector_load %arg9[%swap3A_558] {strides = array<i32>} : memref<2048xf32, #tpu.memory_space<vmem>>, vector<16xf32>,
      tpu.vector_store %arg9[%swap3A_558], %mul3A_557 {strides = array<i32>} : memref<2048xf32, #tpu.memory_space<vmem>>, vector<16xf32>,
      %gt3A_560 = arith.cmpf ogt, %mul3A_557, %select_n3A_550 : vector<16xf32>
      %add3A_561 = arith.constant 48 : i32
      %add3A_562 = vector.broadcast %add3A_561 : i32 to vector<16xi32>
      %add3A_563 = arith.addi %add3A_562, %iota3A : vector<16xi32>
      %select_n3A_564 = arith.select %gt3A_560, %add3A_563, %select_n3A_549 : vector<16xi1>, vector<16xi32>
      %select_n3A_565 = arith.select %gt3A_560, %mul3A_557, %select_n3A_550 : vector<16xi1>, vector<16xf32>
      %get3A_566 = arith.constant 320 : index
      %get3A_567 = tpu.vector_load %arg7[%get3A_566] {strides = array<i32>} : memref<2048xf32, #tpu.memory_space<vmem>>, vector<16xf32>,
      %get3A_568 = arith.constant 2 : i32
      %get3A_569 = arith.index_cast %get3A_568 : i32 to index
      %get3A_570 = arith.constant 64 : index
      %get3A_571 = tpu.vector_load %arg8[%get3A_569, %get3A_570] {strides = array<i32>} : memref<16x128xf32, #tpu.memory_space<vmem>>, vector<16xf32>,
      %mul3A_572 = arith.mulf %get3A_567, %get3A_571 : vector<16xf32>
      %swap3A_573 = arith.constant 320 : index
      %swap3A_574 = tpu.vector_load %arg9[%swap3A_573] {strides = array<i32>} : memref<2048xf32, #tpu.memory_space<vmem>>, vector<16xf32>,
      tpu.vector_store %arg9[%swap3A_573], %mul3A_572 {strides = array<i32>} : memref<2048xf32, #tpu.memory_space<vmem>>, vector<16xf32>,
      %gt3A_575 = arith.cmpf ogt, %mul3A_572, %select_n3A_565 : vector<16xf32>
      %add3A_576 = arith.constant 64 : i32
      %add3A_577 = vector.broadcast %add3A_576 : i32 to vector<16xi32>
      %add3A_578 = arith.addi %add3A_577, %iota3A : vector<16xi32>
      %select_n3A_579 = arith.select %gt3A_575, %add3A_578, %select_n3A_564 : vector<16xi1>, vector<16xi32>
      %select_n3A_580 = arith.select %gt3A_575, %mul3A_572, %select_n3A_565 : vector<16xi1>, vector<16xf32>
      %get3A_581 = arith.constant 336 : index
      %get3A_582 = tpu.vector_load %arg7[%get3A_581] {strides = array<i32>} : memref<2048xf32, #tpu.memory_space<vmem>>, vector<16xf32>,
      %get3A_583 = arith.constant 2 : i32
      %get3A_584 = arith.index_cast %get3A_583 : i32 to index
      %get3A_585 = arith.constant 80 : index
      %get3A_586 = tpu.vector_load %arg8[%get3A_584, %get3A_585] {strides = array<i32>} : memref<16x128xf32, #tpu.memory_space<vmem>>, vector<16xf32>,
      %mul3A_587 = arith.mulf %get3A_582, %get3A_586 : vector<16xf32>
      %swap3A_588 = arith.constant 336 : index
      %swap3A_589 = tpu.vector_load %arg9[%swap3A_588] {strides = array<i32>} : memref<2048xf32, #tpu.memory_space<vmem>>, vector<16xf32>,
      tpu.vector_store %arg9[%swap3A_588], %mul3A_587 {strides = array<i32>} : memref<2048xf32, #tpu.memory_space<vmem>>, vector<16xf32>,
      %gt3A_590 = arith.cmpf ogt, %mul3A_587, %select_n3A_580 : vector<16xf32>
      %add3A_591 = arith.constant 80 : i32
      %add3A_592 = vector.broadcast %add3A_591 : i32 to vector<16xi32>
      %add3A_593 = arith.addi %add3A_592, %iota3A : vector<16xi32>
      %select_n3A_594 = arith.select %gt3A_590, %add3A_593, %select_n3A_579 : vector<16xi1>, vector<16xi32>
      %select_n3A_595 = arith.select %gt3A_590, %mul3A_587, %select_n3A_580 : vector<16xi1>, vector<16xf32>
      %get3A_596 = arith.constant 352 : index
      %get3A_597 = tpu.vector_load %arg7[%get3A_596] {strides = array<i32>} : memref<2048xf32, #tpu.memory_space<vmem>>, vector<16xf32>,
      %get3A_598 = arith.constant 2 : i32
      %get3A_599 = arith.index_cast %get3A_598 : i32 to index
      %get3A_600 = arith.constant 96 : index
      %get3A_601 = tpu.vector_load %arg8[%get3A_599, %get3A_600] {strides = array<i32>} : memref<16x128xf32, #tpu.memory_space<vmem>>, vector<16xf32>,
      %mul3A_602 = arith.mulf %get3A_597, %get3A_601 : vector<16xf32>
      %swap3A_603 = arith.constant 352 : index
      %swap3A_604 = tpu.vector_load %arg9[%swap3A_603] {strides = array<i32>} : memref<2048xf32, #tpu.memory_space<vmem>>, vector<16xf32>,
      tpu.vector_store %arg9[%swap3A_603], %mul3A_602 {strides = array<i32>} : memref<2048xf32, #tpu.memory_space<vmem>>, vector<16xf32>,
      %gt3A_605 = arith.cmpf ogt, %mul3A_602, %select_n3A_595 : vector<16xf32>
      %add3A_606 = arith.constant 96 : i32
      %add3A_607 = vector.broadcast %add3A_606 : i32 to vector<16xi32>
      %add3A_608 = arith.addi %add3A_607, %iota3A : vector<16xi32>
      %select_n3A_609 = arith.select %gt3A_605, %add3A_608, %select_n3A_594 : vector<16xi1>, vector<16xi32>
      %select_n3A_610 = arith.select %gt3A_605, %mul3A_602, %select_n3A_595 : vector<16xi1>, vector<16xf32>
      %get3A_611 = arith.constant 368 : index
      %get3A_612 = tpu.vector_load %arg7[%get3A_611] {strides = array<i32>} : memref<2048xf32, #tpu.memory_space<vmem>>, vector<16xf32>,
      %get3A_613 = arith.constant 2 : i32
      %get3A_614 = arith.index_cast %get3A_613 : i32 to index
      %get3A_615 = arith.constant 112 : index
      %get3A_616 = tpu.vector_load %arg8[%get3A_614, %get3A_615] {strides = array<i32>} : memref<16x128xf32, #tpu.memory_space<vmem>>, vector<16xf32>,
      %mul3A_617 = arith.mulf %get3A_612, %get3A_616 : vector<16xf32>
      %swap3A_618 = arith.constant 368 : index
      %swap3A_619 = tpu.vector_load %arg9[%swap3A_618] {strides = array<i32>} : memref<2048xf32, #tpu.memory_space<vmem>>, vector<16xf32>,
      tpu.vector_store %arg9[%swap3A_618], %mul3A_617 {strides = array<i32>} : memref<2048xf32, #tpu.memory_space<vmem>>, vector<16xf32>,
      %gt3A_620 = arith.cmpf ogt, %mul3A_617, %select_n3A_610 : vector<16xf32>
      %add3A_621 = arith.constant 112 : i32
      %add3A_622 = vector.broadcast %add3A_621 : i32 to vector<16xi32>
      %add3A_623 = arith.addi %add3A_622, %iota3A : vector<16xi32>
      %select_n3A_624 = arith.select %gt3A_620, %add3A_623, %select_n3A_609 : vector<16xi1>, vector<16xi32>
      %select_n3A_625 = arith.select %gt3A_620, %mul3A_617, %select_n3A_610 : vector<16xi1>, vector<16xf32>
      %reduce_max3A_626 = arith.constant true
      %reduce_max3A_627 = vector.broadcast %reduce_max3A_626 : i1 to vector<16xi1>
      %reduce_max3A_628 = tpu.scan <max>, %select_n3A_625 masked %reduce_max3A_627 : vector<16xf32>, vector<16xi1> -> vector<16xf32>
      %reduce_max3A_629 = vector.extract %reduce_max3A_628[15] : f32 from vector<16xf32>
      %eq3A_630 = vector.broadcast %reduce_max3A_629 : f32 to vector<16xf32>
      %eq3A_631 = arith.cmpf oeq, %select_n3A_625, %eq3A_630 : vector<16xf32>
      %jit3A_632 = arith.constant 2048 : i32
      %broadcast_in_dim3A_633 = vector.broadcast %jit3A_632 : i32 to vector<16xi32>
      %select_n3A_634 = arith.select %eq3A_631, %select_n3A_624, %broadcast_in_dim3A_633 : vector<16xi1>, vector<16xi32>
      %reduce_min3A_635 = arith.constant true
      %reduce_min3A_636 = vector.broadcast %reduce_min3A_635 : i1 to vector<16xi1>
      %reduce_min3A_637 = arith.constant -2147483648 : i32
      %reduce_min3A_638 = vector.broadcast %reduce_min3A_637 : i32 to vector<16xi32>
      %reduce_min3A_639 = arith.xori %select_n3A_634, %reduce_min3A_638 : vector<16xi32>
      %reduce_min3A_640 = tpu.scan <min>, %reduce_min3A_639 masked %reduce_min3A_636 : vector<16xi32>, vector<16xi1> -> vector<16xi32>
      %reduce_min3A_641 = arith.xori %reduce_min3A_640, %reduce_min3A_638 : vector<16xi32>
      %reduce_min3A_642 = vector.extract %reduce_min3A_641[15] : i32 from vector<16xi32>
      %get3A_643 = arith.constant 384 : index
      %get3A_644 = tpu.vector_load %arg7[%get3A_643] {strides = array<i32>} : memref<2048xf32, #tpu.memory_space<vmem>>, vector<16xf32>,
      %get3A_645 = arith.constant 3 : i32
      %get3A_646 = arith.index_cast %get3A_645 : i32 to index
      %get3A_647 = arith.constant 0 : index
      %get3A_648 = tpu.vector_load %arg8[%get3A_646, %get3A_647] {strides = array<i32>} : memref<16x128xf32, #tpu.memory_space<vmem>>, vector<16xf32>,
      %eq3A_649 = arith.constant 0 : i32
      %eq3A_650 = vector.broadcast %eq3A_649 : i32 to vector<16xi32>
      %eq3A_651 = arith.cmpi eq, %iota3A, %eq3A_650 : vector<16xi32>
      %jit3A_652 = arith.constant 0.000000e+00 : f32
      %broadcast_in_dim3A_653 = vector.broadcast %jit3A_652 : f32 to vector<16xf32>
      %select_n3A_654 = arith.select %eq3A_651, %broadcast_in_dim3A_653, %get3A_648 : vector<16xi1>, vector<16xf32>
      %mul3A_655 = arith.mulf %get3A_644, %select_n3A_654 : vector<16xf32>
      %swap3A_656 = arith.constant 384 : index
      %swap3A_657 = tpu.vector_load %arg9[%swap3A_656] {strides = array<i32>} : memref<2048xf32, #tpu.memory_space<vmem>>, vector<16xf32>,
      tpu.vector_store %arg9[%swap3A_656], %mul3A_655 {strides = array<i32>} : memref<2048xf32, #tpu.memory_space<vmem>>, vector<16xf32>,
      %get3A_658 = arith.constant 400 : index
      %get3A_659 = tpu.vector_load %arg7[%get3A_658] {strides = array<i32>} : memref<2048xf32, #tpu.memory_space<vmem>>, vector<16xf32>,
      %get3A_660 = arith.constant 3 : i32
      %get3A_661 = arith.index_cast %get3A_660 : i32 to index
      %get3A_662 = arith.constant 16 : index
      %get3A_663 = tpu.vector_load %arg8[%get3A_661, %get3A_662] {strides = array<i32>} : memref<16x128xf32, #tpu.memory_space<vmem>>, vector<16xf32>,
      %mul3A_664 = arith.mulf %get3A_659, %get3A_663 : vector<16xf32>
      %swap3A_665 = arith.constant 400 : index
      %swap3A_666 = tpu.vector_load %arg9[%swap3A_665] {strides = array<i32>} : memref<2048xf32, #tpu.memory_space<vmem>>, vector<16xf32>,
      tpu.vector_store %arg9[%swap3A_665], %mul3A_664 {strides = array<i32>} : memref<2048xf32, #tpu.memory_space<vmem>>, vector<16xf32>,
      %gt3A_667 = arith.cmpf ogt, %mul3A_664, %mul3A_655 : vector<16xf32>
      %add3A_668 = arith.constant 16 : i32
      %add3A_669 = vector.broadcast %add3A_668 : i32 to vector<16xi32>
      %add3A_670 = arith.addi %add3A_669, %iota3A : vector<16xi32>
      %select_n3A_671 = arith.select %gt3A_667, %add3A_670, %iota3A : vector<16xi1>, vector<16xi32>
      %select_n3A_672 = arith.select %gt3A_667, %mul3A_664, %mul3A_655 : vector<16xi1>, vector<16xf32>
      %get3A_673 = arith.constant 416 : index
      %get3A_674 = tpu.vector_load %arg7[%get3A_673] {strides = array<i32>} : memref<2048xf32, #tpu.memory_space<vmem>>, vector<16xf32>,
      %get3A_675 = arith.constant 3 : i32
      %get3A_676 = arith.index_cast %get3A_675 : i32 to index
      %get3A_677 = arith.constant 32 : index
      %get3A_678 = tpu.vector_load %arg8[%get3A_676, %get3A_677] {strides = array<i32>} : memref<16x128xf32, #tpu.memory_space<vmem>>, vector<16xf32>,
      %mul3A_679 = arith.mulf %get3A_674, %get3A_678 : vector<16xf32>
      %swap3A_680 = arith.constant 416 : index
      %swap3A_681 = tpu.vector_load %arg9[%swap3A_680] {strides = array<i32>} : memref<2048xf32, #tpu.memory_space<vmem>>, vector<16xf32>,
      tpu.vector_store %arg9[%swap3A_680], %mul3A_679 {strides = array<i32>} : memref<2048xf32, #tpu.memory_space<vmem>>, vector<16xf32>,
      %gt3A_682 = arith.cmpf ogt, %mul3A_679, %select_n3A_672 : vector<16xf32>
      %add3A_683 = arith.constant 32 : i32
      %add3A_684 = vector.broadcast %add3A_683 : i32 to vector<16xi32>
      %add3A_685 = arith.addi %add3A_684, %iota3A : vector<16xi32>
      %select_n3A_686 = arith.select %gt3A_682, %add3A_685, %select_n3A_671 : vector<16xi1>, vector<16xi32>
      %select_n3A_687 = arith.select %gt3A_682, %mul3A_679, %select_n3A_672 : vector<16xi1>, vector<16xf32>
      %get3A_688 = arith.constant 432 : index
      %get3A_689 = tpu.vector_load %arg7[%get3A_688] {strides = array<i32>} : memref<2048xf32, #tpu.memory_space<vmem>>, vector<16xf32>,
      %get3A_690 = arith.constant 3 : i32
      %get3A_691 = arith.index_cast %get3A_690 : i32 to index
      %get3A_692 = arith.constant 48 : index
      %get3A_693 = tpu.vector_load %arg8[%get3A_691, %get3A_692] {strides = array<i32>} : memref<16x128xf32, #tpu.memory_space<vmem>>, vector<16xf32>,
      %mul3A_694 = arith.mulf %get3A_689, %get3A_693 : vector<16xf32>
      %swap3A_695 = arith.constant 432 : index
      %swap3A_696 = tpu.vector_load %arg9[%swap3A_695] {strides = array<i32>} : memref<2048xf32, #tpu.memory_space<vmem>>, vector<16xf32>,
      tpu.vector_store %arg9[%swap3A_695], %mul3A_694 {strides = array<i32>} : memref<2048xf32, #tpu.memory_space<vmem>>, vector<16xf32>,
      %gt3A_697 = arith.cmpf ogt, %mul3A_694, %select_n3A_687 : vector<16xf32>
      %add3A_698 = arith.constant 48 : i32
      %add3A_699 = vector.broadcast %add3A_698 : i32 to vector<16xi32>
      %add3A_700 = arith.addi %add3A_699, %iota3A : vector<16xi32>
      %select_n3A_701 = arith.select %gt3A_697, %add3A_700, %select_n3A_686 : vector<16xi1>, vector<16xi32>
      %select_n3A_702 = arith.select %gt3A_697, %mul3A_694, %select_n3A_687 : vector<16xi1>, vector<16xf32>
      %get3A_703 = arith.constant 448 : index
      %get3A_704 = tpu.vector_load %arg7[%get3A_703] {strides = array<i32>} : memref<2048xf32, #tpu.memory_space<vmem>>, vector<16xf32>,
      %get3A_705 = arith.constant 3 : i32
      %get3A_706 = arith.index_cast %get3A_705 : i32 to index
      %get3A_707 = arith.constant 64 : index
      %get3A_708 = tpu.vector_load %arg8[%get3A_706, %get3A_707] {strides = array<i32>} : memref<16x128xf32, #tpu.memory_space<vmem>>, vector<16xf32>,
      %mul3A_709 = arith.mulf %get3A_704, %get3A_708 : vector<16xf32>
      %swap3A_710 = arith.constant 448 : index
      %swap3A_711 = tpu.vector_load %arg9[%swap3A_710] {strides = array<i32>} : memref<2048xf32, #tpu.memory_space<vmem>>, vector<16xf32>,
      tpu.vector_store %arg9[%swap3A_710], %mul3A_709 {strides = array<i32>} : memref<2048xf32, #tpu.memory_space<vmem>>, vector<16xf32>,
      %gt3A_712 = arith.cmpf ogt, %mul3A_709, %select_n3A_702 : vector<16xf32>
      %add3A_713 = arith.constant 64 : i32
      %add3A_714 = vector.broadcast %add3A_713 : i32 to vector<16xi32>
      %add3A_715 = arith.addi %add3A_714, %iota3A : vector<16xi32>
      %select_n3A_716 = arith.select %gt3A_712, %add3A_715, %select_n3A_701 : vector<16xi1>, vector<16xi32>
      %select_n3A_717 = arith.select %gt3A_712, %mul3A_709, %select_n3A_702 : vector<16xi1>, vector<16xf32>
      %get3A_718 = arith.constant 464 : index
      %get3A_719 = tpu.vector_load %arg7[%get3A_718] {strides = array<i32>} : memref<2048xf32, #tpu.memory_space<vmem>>, vector<16xf32>,
      %get3A_720 = arith.constant 3 : i32
      %get3A_721 = arith.index_cast %get3A_720 : i32 to index
      %get3A_722 = arith.constant 80 : index
      %get3A_723 = tpu.vector_load %arg8[%get3A_721, %get3A_722] {strides = array<i32>} : memref<16x128xf32, #tpu.memory_space<vmem>>, vector<16xf32>,
      %mul3A_724 = arith.mulf %get3A_719, %get3A_723 : vector<16xf32>
      %swap3A_725 = arith.constant 464 : index
      %swap3A_726 = tpu.vector_load %arg9[%swap3A_725] {strides = array<i32>} : memref<2048xf32, #tpu.memory_space<vmem>>, vector<16xf32>,
      tpu.vector_store %arg9[%swap3A_725], %mul3A_724 {strides = array<i32>} : memref<2048xf32, #tpu.memory_space<vmem>>, vector<16xf32>,
      %gt3A_727 = arith.cmpf ogt, %mul3A_724, %select_n3A_717 : vector<16xf32>
      %add3A_728 = arith.constant 80 : i32
      %add3A_729 = vector.broadcast %add3A_728 : i32 to vector<16xi32>
      %add3A_730 = arith.addi %add3A_729, %iota3A : vector<16xi32>
      %select_n3A_731 = arith.select %gt3A_727, %add3A_730, %select_n3A_716 : vector<16xi1>, vector<16xi32>
      %select_n3A_732 = arith.select %gt3A_727, %mul3A_724, %select_n3A_717 : vector<16xi1>, vector<16xf32>
      %get3A_733 = arith.constant 480 : index
      %get3A_734 = tpu.vector_load %arg7[%get3A_733] {strides = array<i32>} : memref<2048xf32, #tpu.memory_space<vmem>>, vector<16xf32>,
      %get3A_735 = arith.constant 3 : i32
      %get3A_736 = arith.index_cast %get3A_735 : i32 to index
      %get3A_737 = arith.constant 96 : index
      %get3A_738 = tpu.vector_load %arg8[%get3A_736, %get3A_737] {strides = array<i32>} : memref<16x128xf32, #tpu.memory_space<vmem>>, vector<16xf32>,
      %mul3A_739 = arith.mulf %get3A_734, %get3A_738 : vector<16xf32>
      %swap3A_740 = arith.constant 480 : index
      %swap3A_741 = tpu.vector_load %arg9[%swap3A_740] {strides = array<i32>} : memref<2048xf32, #tpu.memory_space<vmem>>, vector<16xf32>,
      tpu.vector_store %arg9[%swap3A_740], %mul3A_739 {strides = array<i32>} : memref<2048xf32, #tpu.memory_space<vmem>>, vector<16xf32>,
      %gt3A_742 = arith.cmpf ogt, %mul3A_739, %select_n3A_732 : vector<16xf32>
      %add3A_743 = arith.constant 96 : i32
      %add3A_744 = vector.broadcast %add3A_743 : i32 to vector<16xi32>
      %add3A_745 = arith.addi %add3A_744, %iota3A : vector<16xi32>
      %select_n3A_746 = arith.select %gt3A_742, %add3A_745, %select_n3A_731 : vector<16xi1>, vector<16xi32>
      %select_n3A_747 = arith.select %gt3A_742, %mul3A_739, %select_n3A_732 : vector<16xi1>, vector<16xf32>
      %get3A_748 = arith.constant 496 : index
      %get3A_749 = tpu.vector_load %arg7[%get3A_748] {strides = array<i32>} : memref<2048xf32, #tpu.memory_space<vmem>>, vector<16xf32>,
      %get3A_750 = arith.constant 3 : i32
      %get3A_751 = arith.index_cast %get3A_750 : i32 to index
      %get3A_752 = arith.constant 112 : index
      %get3A_753 = tpu.vector_load %arg8[%get3A_751, %get3A_752] {strides = array<i32>} : memref<16x128xf32, #tpu.memory_space<vmem>>, vector<16xf32>,
      %mul3A_754 = arith.mulf %get3A_749, %get3A_753 : vector<16xf32>
      %swap3A_755 = arith.constant 496 : index
      %swap3A_756 = tpu.vector_load %arg9[%swap3A_755] {strides = array<i32>} : memref<2048xf32, #tpu.memory_space<vmem>>, vector<16xf32>,
      tpu.vector_store %arg9[%swap3A_755], %mul3A_754 {strides = array<i32>} : memref<2048xf32, #tpu.memory_space<vmem>>, vector<16xf32>,
      %gt3A_757 = arith.cmpf ogt, %mul3A_754, %select_n3A_747 : vector<16xf32>
      %add3A_758 = arith.constant 112 : i32
      %add3A_759 = vector.broadcast %add3A_758 : i32 to vector<16xi32>
      %add3A_760 = arith.addi %add3A_759, %iota3A : vector<16xi32>
      %select_n3A_761 = arith.select %gt3A_757, %add3A_760, %select_n3A_746 : vector<16xi1>, vector<16xi32>
      %select_n3A_762 = arith.select %gt3A_757, %mul3A_754, %select_n3A_747 : vector<16xi1>, vector<16xf32>
      %reduce_max3A_763 = arith.constant true
      %reduce_max3A_764 = vector.broadcast %reduce_max3A_763 : i1 to vector<16xi1>
      %reduce_max3A_765 = tpu.scan <max>, %select_n3A_762 masked %reduce_max3A_764 : vector<16xf32>, vector<16xi1> -> vector<16xf32>
      %reduce_max3A_766 = vector.extract %reduce_max3A_765[15] : f32 from vector<16xf32>
      %eq3A_767 = vector.broadcast %reduce_max3A_766 : f32 to vector<16xf32>
      %eq3A_768 = arith.cmpf oeq, %select_n3A_762, %eq3A_767 : vector<16xf32>
      %jit3A_769 = arith.constant 2048 : i32
      %broadcast_in_dim3A_770 = vector.broadcast %jit3A_769 : i32 to vector<16xi32>
      %select_n3A_771 = arith.select %eq3A_768, %select_n3A_761, %broadcast_in_dim3A_770 : vector<16xi1>, vector<16xi32>
      %reduce_min3A_772 = arith.constant true
      %reduce_min3A_773 = vector.broadcast %reduce_min3A_772 : i1 to vector<16xi1>
      %reduce_min3A_774 = arith.constant -2147483648 : i32
      %reduce_min3A_775 = vector.broadcast %reduce_min3A_774 : i32 to vector<16xi32>
      %reduce_min3A_776 = arith.xori %select_n3A_771, %reduce_min3A_775 : vector<16xi32>
      %reduce_min3A_777 = tpu.scan <min>, %reduce_min3A_776 masked %reduce_min3A_773 : vector<16xi32>, vector<16xi1> -> vector<16xi32>
      %reduce_min3A_778 = arith.xori %reduce_min3A_777, %reduce_min3A_775 : vector<16xi32>
      %reduce_min3A_779 = vector.extract %reduce_min3A_778[15] : i32 from vector<16xi32>
      %get3A_780 = arith.constant 512 : index
      %get3A_781 = tpu.vector_load %arg7[%get3A_780] {strides = array<i32>} : memref<2048xf32, #tpu.memory_space<vmem>>, vector<16xf32>,
      %get3A_782 = arith.constant 4 : i32
      %get3A_783 = arith.index_cast %get3A_782 : i32 to index
      %get3A_784 = arith.constant 0 : index
      %get3A_785 = tpu.vector_load %arg8[%get3A_783, %get3A_784] {strides = array<i32>} : memref<16x128xf32, #tpu.memory_space<vmem>>, vector<16xf32>,
      %eq3A_786 = arith.constant 1 : i32
      %eq3A_787 = vector.broadcast %eq3A_786 : i32 to vector<16xi32>
      %eq3A_788 = arith.cmpi eq, %iota3A, %eq3A_787 : vector<16xi32>
      %jit3A_789 = arith.constant 0.000000e+00 : f32
      %broadcast_in_dim3A_790 = vector.broadcast %jit3A_789 : f32 to vector<16xf32>
      %select_n3A_791 = arith.select %eq3A_788, %broadcast_in_dim3A_790, %get3A_785 : vector<16xi1>, vector<16xf32>
      %mul3A_792 = arith.mulf %get3A_781, %select_n3A_791 : vector<16xf32>
      %swap3A_793 = arith.constant 512 : index
      %swap3A_794 = tpu.vector_load %arg9[%swap3A_793] {strides = array<i32>} : memref<2048xf32, #tpu.memory_space<vmem>>, vector<16xf32>,
      tpu.vector_store %arg9[%swap3A_793], %mul3A_792 {strides = array<i32>} : memref<2048xf32, #tpu.memory_space<vmem>>, vector<16xf32>,
      %get3A_795 = arith.constant 528 : index
      %get3A_796 = tpu.vector_load %arg7[%get3A_795] {strides = array<i32>} : memref<2048xf32, #tpu.memory_space<vmem>>, vector<16xf32>,
      %get3A_797 = arith.constant 4 : i32
      %get3A_798 = arith.index_cast %get3A_797 : i32 to index
      %get3A_799 = arith.constant 16 : index
      %get3A_800 = tpu.vector_load %arg8[%get3A_798, %get3A_799] {strides = array<i32>} : memref<16x128xf32, #tpu.memory_space<vmem>>, vector<16xf32>,
      %mul3A_801 = arith.mulf %get3A_796, %get3A_800 : vector<16xf32>
      %swap3A_802 = arith.constant 528 : index
      %swap3A_803 = tpu.vector_load %arg9[%swap3A_802] {strides = array<i32>} : memref<2048xf32, #tpu.memory_space<vmem>>, vector<16xf32>,
      tpu.vector_store %arg9[%swap3A_802], %mul3A_801 {strides = array<i32>} : memref<2048xf32, #tpu.memory_space<vmem>>, vector<16xf32>,
      %gt3A_804 = arith.cmpf ogt, %mul3A_801, %mul3A_792 : vector<16xf32>
      %add3A_805 = arith.constant 16 : i32
      %add3A_806 = vector.broadcast %add3A_805 : i32 to vector<16xi32>
      %add3A_807 = arith.addi %add3A_806, %iota3A : vector<16xi32>
      %select_n3A_808 = arith.select %gt3A_804, %add3A_807, %iota3A : vector<16xi1>, vector<16xi32>
      %select_n3A_809 = arith.select %gt3A_804, %mul3A_801, %mul3A_792 : vector<16xi1>, vector<16xf32>
      %get3A_810 = arith.constant 544 : index
      %get3A_811 = tpu.vector_load %arg7[%get3A_810] {strides = array<i32>} : memref<2048xf32, #tpu.memory_space<vmem>>, vector<16xf32>,
      %get3A_812 = arith.constant 4 : i32
      %get3A_813 = arith.index_cast %get3A_812 : i32 to index
      %get3A_814 = arith.constant 32 : index
      %get3A_815 = tpu.vector_load %arg8[%get3A_813, %get3A_814] {strides = array<i32>} : memref<16x128xf32, #tpu.memory_space<vmem>>, vector<16xf32>,
      %mul3A_816 = arith.mulf %get3A_811, %get3A_815 : vector<16xf32>
      %swap3A_817 = arith.constant 544 : index
      %swap3A_818 = tpu.vector_load %arg9[%swap3A_817] {strides = array<i32>} : memref<2048xf32, #tpu.memory_space<vmem>>, vector<16xf32>,
      tpu.vector_store %arg9[%swap3A_817], %mul3A_816 {strides = array<i32>} : memref<2048xf32, #tpu.memory_space<vmem>>, vector<16xf32>,
      %gt3A_819 = arith.cmpf ogt, %mul3A_816, %select_n3A_809 : vector<16xf32>
      %add3A_820 = arith.constant 32 : i32
      %add3A_821 = vector.broadcast %add3A_820 : i32 to vector<16xi32>
      %add3A_822 = arith.addi %add3A_821, %iota3A : vector<16xi32>
      %select_n3A_823 = arith.select %gt3A_819, %add3A_822, %select_n3A_808 : vector<16xi1>, vector<16xi32>
      %select_n3A_824 = arith.select %gt3A_819, %mul3A_816, %select_n3A_809 : vector<16xi1>, vector<16xf32>
      %get3A_825 = arith.constant 560 : index
      %get3A_826 = tpu.vector_load %arg7[%get3A_825] {strides = array<i32>} : memref<2048xf32, #tpu.memory_space<vmem>>, vector<16xf32>,
      %get3A_827 = arith.constant 4 : i32
      %get3A_828 = arith.index_cast %get3A_827 : i32 to index
      %get3A_829 = arith.constant 48 : index
      %get3A_830 = tpu.vector_load %arg8[%get3A_828, %get3A_829] {strides = array<i32>} : memref<16x128xf32, #tpu.memory_space<vmem>>, vector<16xf32>,
      %mul3A_831 = arith.mulf %get3A_826, %get3A_830 : vector<16xf32>
      %swap3A_832 = arith.constant 560 : index
      %swap3A_833 = tpu.vector_load %arg9[%swap3A_832] {strides = array<i32>} : memref<2048xf32, #tpu.memory_space<vmem>>, vector<16xf32>,
      tpu.vector_store %arg9[%swap3A_832], %mul3A_831 {strides = array<i32>} : memref<2048xf32, #tpu.memory_space<vmem>>, vector<16xf32>,
      %gt3A_834 = arith.cmpf ogt, %mul3A_831, %select_n3A_824 : vector<16xf32>
      %add3A_835 = arith.constant 48 : i32
      %add3A_836 = vector.broadcast %add3A_835 : i32 to vector<16xi32>
      %add3A_837 = arith.addi %add3A_836, %iota3A : vector<16xi32>
      %select_n3A_838 = arith.select %gt3A_834, %add3A_837, %select_n3A_823 : vector<16xi1>, vector<16xi32>
      %select_n3A_839 = arith.select %gt3A_834, %mul3A_831, %select_n3A_824 : vector<16xi1>, vector<16xf32>
      %get3A_840 = arith.constant 576 : index
      %get3A_841 = tpu.vector_load %arg7[%get3A_840] {strides = array<i32>} : memref<2048xf32, #tpu.memory_space<vmem>>, vector<16xf32>,
      %get3A_842 = arith.constant 4 : i32
      %get3A_843 = arith.index_cast %get3A_842 : i32 to index
      %get3A_844 = arith.constant 64 : index
      %get3A_845 = tpu.vector_load %arg8[%get3A_843, %get3A_844] {strides = array<i32>} : memref<16x128xf32, #tpu.memory_space<vmem>>, vector<16xf32>,
      %mul3A_846 = arith.mulf %get3A_841, %get3A_845 : vector<16xf32>
      %swap3A_847 = arith.constant 576 : index
      %swap3A_848 = tpu.vector_load %arg9[%swap3A_847] {strides = array<i32>} : memref<2048xf32, #tpu.memory_space<vmem>>, vector<16xf32>,
      tpu.vector_store %arg9[%swap3A_847], %mul3A_846 {strides = array<i32>} : memref<2048xf32, #tpu.memory_space<vmem>>, vector<16xf32>,
      %gt3A_849 = arith.cmpf ogt, %mul3A_846, %select_n3A_839 : vector<16xf32>
      %add3A_850 = arith.constant 64 : i32
      %add3A_851 = vector.broadcast %add3A_850 : i32 to vector<16xi32>
      %add3A_852 = arith.addi %add3A_851, %iota3A : vector<16xi32>
      %select_n3A_853 = arith.select %gt3A_849, %add3A_852, %select_n3A_838 : vector<16xi1>, vector<16xi32>
      %select_n3A_854 = arith.select %gt3A_849, %mul3A_846, %select_n3A_839 : vector<16xi1>, vector<16xf32>
      %get3A_855 = arith.constant 592 : index
      %get3A_856 = tpu.vector_load %arg7[%get3A_855] {strides = array<i32>} : memref<2048xf32, #tpu.memory_space<vmem>>, vector<16xf32>,
      %get3A_857 = arith.constant 4 : i32
      %get3A_858 = arith.index_cast %get3A_857 : i32 to index
      %get3A_859 = arith.constant 80 : index
      %get3A_860 = tpu.vector_load %arg8[%get3A_858, %get3A_859] {strides = array<i32>} : memref<16x128xf32, #tpu.memory_space<vmem>>, vector<16xf32>,
      %mul3A_861 = arith.mulf %get3A_856, %get3A_860 : vector<16xf32>
      %swap3A_862 = arith.constant 592 : index
      %swap3A_863 = tpu.vector_load %arg9[%swap3A_862] {strides = array<i32>} : memref<2048xf32, #tpu.memory_space<vmem>>, vector<16xf32>,
      tpu.vector_store %arg9[%swap3A_862], %mul3A_861 {strides = array<i32>} : memref<2048xf32, #tpu.memory_space<vmem>>, vector<16xf32>,
      %gt3A_864 = arith.cmpf ogt, %mul3A_861, %select_n3A_854 : vector<16xf32>
      %add3A_865 = arith.constant 80 : i32
      %add3A_866 = vector.broadcast %add3A_865 : i32 to vector<16xi32>
      %add3A_867 = arith.addi %add3A_866, %iota3A : vector<16xi32>
      %select_n3A_868 = arith.select %gt3A_864, %add3A_867, %select_n3A_853 : vector<16xi1>, vector<16xi32>
      %select_n3A_869 = arith.select %gt3A_864, %mul3A_861, %select_n3A_854 : vector<16xi1>, vector<16xf32>
      %get3A_870 = arith.constant 608 : index
      %get3A_871 = tpu.vector_load %arg7[%get3A_870] {strides = array<i32>} : memref<2048xf32, #tpu.memory_space<vmem>>, vector<16xf32>,
      %get3A_872 = arith.constant 4 : i32
      %get3A_873 = arith.index_cast %get3A_872 : i32 to index
      %get3A_874 = arith.constant 96 : index
      %get3A_875 = tpu.vector_load %arg8[%get3A_873, %get3A_874] {strides = array<i32>} : memref<16x128xf32, #tpu.memory_space<vmem>>, vector<16xf32>,
      %mul3A_876 = arith.mulf %get3A_871, %get3A_875 : vector<16xf32>
      %swap3A_877 = arith.constant 608 : index
      %swap3A_878 = tpu.vector_load %arg9[%swap3A_877] {strides = array<i32>} : memref<2048xf32, #tpu.memory_space<vmem>>, vector<16xf32>,
      tpu.vector_store %arg9[%swap3A_877], %mul3A_876 {strides = array<i32>} : memref<2048xf32, #tpu.memory_space<vmem>>, vector<16xf32>,
      %gt3A_879 = arith.cmpf ogt, %mul3A_876, %select_n3A_869 : vector<16xf32>
      %add3A_880 = arith.constant 96 : i32
      %add3A_881 = vector.broadcast %add3A_880 : i32 to vector<16xi32>
      %add3A_882 = arith.addi %add3A_881, %iota3A : vector<16xi32>
      %select_n3A_883 = arith.select %gt3A_879, %add3A_882, %select_n3A_868 : vector<16xi1>, vector<16xi32>
      %select_n3A_884 = arith.select %gt3A_879, %mul3A_876, %select_n3A_869 : vector<16xi1>, vector<16xf32>
      %get3A_885 = arith.constant 624 : index
      %get3A_886 = tpu.vector_load %arg7[%get3A_885] {strides = array<i32>} : memref<2048xf32, #tpu.memory_space<vmem>>, vector<16xf32>,
      %get3A_887 = arith.constant 4 : i32
      %get3A_888 = arith.index_cast %get3A_887 : i32 to index
      %get3A_889 = arith.constant 112 : index
      %get3A_890 = tpu.vector_load %arg8[%get3A_888, %get3A_889] {strides = array<i32>} : memref<16x128xf32, #tpu.memory_space<vmem>>, vector<16xf32>,
      %mul3A_891 = arith.mulf %get3A_886, %get3A_890 : vector<16xf32>
      %swap3A_892 = arith.constant 624 : index
      %swap3A_893 = tpu.vector_load %arg9[%swap3A_892] {strides = array<i32>} : memref<2048xf32, #tpu.memory_space<vmem>>, vector<16xf32>,
      tpu.vector_store %arg9[%swap3A_892], %mul3A_891 {strides = array<i32>} : memref<2048xf32, #tpu.memory_space<vmem>>, vector<16xf32>,
      %gt3A_894 = arith.cmpf ogt, %mul3A_891, %select_n3A_884 : vector<16xf32>
      %add3A_895 = arith.constant 112 : i32
      %add3A_896 = vector.broadcast %add3A_895 : i32 to vector<16xi32>
      %add3A_897 = arith.addi %add3A_896, %iota3A : vector<16xi32>
      %select_n3A_898 = arith.select %gt3A_894, %add3A_897, %select_n3A_883 : vector<16xi1>, vector<16xi32>
      %select_n3A_899 = arith.select %gt3A_894, %mul3A_891, %select_n3A_884 : vector<16xi1>, vector<16xf32>
      %reduce_max3A_900 = arith.constant true
      %reduce_max3A_901 = vector.broadcast %reduce_max3A_900 : i1 to vector<16xi1>
      %reduce_max3A_902 = tpu.scan <max>, %select_n3A_899 masked %reduce_max3A_901 : vector<16xf32>, vector<16xi1> -> vector<16xf32>
      %reduce_max3A_903 = vector.extract %reduce_max3A_902[15] : f32 from vector<16xf32>
      %eq3A_904 = vector.broadcast %reduce_max3A_903 : f32 to vector<16xf32>
      %eq3A_905 = arith.cmpf oeq, %select_n3A_899, %eq3A_904 : vector<16xf32>
      %jit3A_906 = arith.constant 2048 : i32
      %broadcast_in_dim3A_907 = vector.broadcast %jit3A_906 : i32 to vector<16xi32>
      %select_n3A_908 = arith.select %eq3A_905, %select_n3A_898, %broadcast_in_dim3A_907 : vector<16xi1>, vector<16xi32>
      %reduce_min3A_909 = arith.constant true
      %reduce_min3A_910 = vector.broadcast %reduce_min3A_909 : i1 to vector<16xi1>
      %reduce_min3A_911 = arith.constant -2147483648 : i32
      %reduce_min3A_912 = vector.broadcast %reduce_min3A_911 : i32 to vector<16xi32>
      %reduce_min3A_913 = arith.xori %select_n3A_908, %reduce_min3A_912 : vector<16xi32>
      %reduce_min3A_914 = tpu.scan <min>, %reduce_min3A_913 masked %reduce_min3A_910 : vector<16xi32>, vector<16xi1> -> vector<16xi32>
      %reduce_min3A_915 = arith.xori %reduce_min3A_914, %reduce_min3A_912 : vector<16xi32>
      %reduce_min3A_916 = vector.extract %reduce_min3A_915[15] : i32 from vector<16xi32>
      %get3A_917 = arith.constant 640 : index
      %get3A_918 = tpu.vector_load %arg7[%get3A_917] {strides = array<i32>} : memref<2048xf32, #tpu.memory_space<vmem>>, vector<16xf32>,
      %get3A_919 = arith.constant 5 : i32
      %get3A_920 = arith.index_cast %get3A_919 : i32 to index
      %get3A_921 = arith.constant 0 : index
      %get3A_922 = tpu.vector_load %arg8[%get3A_920, %get3A_921] {strides = array<i32>} : memref<16x128xf32, #tpu.memory_space<vmem>>, vector<16xf32>,
      %eq3A_923 = arith.constant 0 : i32
      %eq3A_924 = vector.broadcast %eq3A_923 : i32 to vector<16xi32>
      %eq3A_925 = arith.cmpi eq, %iota3A, %eq3A_924 : vector<16xi32>
      %jit3A_926 = arith.constant 0.000000e+00 : f32
      %broadcast_in_dim3A_927 = vector.broadcast %jit3A_926 : f32 to vector<16xf32>
      %select_n3A_928 = arith.select %eq3A_925, %broadcast_in_dim3A_927, %get3A_922 : vector<16xi1>, vector<16xf32>
      %mul3A_929 = arith.mulf %get3A_918, %select_n3A_928 : vector<16xf32>
      %swap3A_930 = arith.constant 640 : index
      %swap3A_931 = tpu.vector_load %arg9[%swap3A_930] {strides = array<i32>} : memref<2048xf32, #tpu.memory_space<vmem>>, vector<16xf32>,
      tpu.vector_store %arg9[%swap3A_930], %mul3A_929 {strides = array<i32>} : memref<2048xf32, #tpu.memory_space<vmem>>, vector<16xf32>,
      %get3A_932 = arith.constant 656 : index
      %get3A_933 = tpu.vector_load %arg7[%get3A_932] {strides = array<i32>} : memref<2048xf32, #tpu.memory_space<vmem>>, vector<16xf32>,
      %get3A_934 = arith.constant 5 : i32
      %get3A_935 = arith.index_cast %get3A_934 : i32 to index
      %get3A_936 = arith.constant 16 : index
      %get3A_937 = tpu.vector_load %arg8[%get3A_935, %get3A_936] {strides = array<i32>} : memref<16x128xf32, #tpu.memory_space<vmem>>, vector<16xf32>,
      %mul3A_938 = arith.mulf %get3A_933, %get3A_937 : vector<16xf32>
      %swap3A_939 = arith.constant 656 : index
      %swap3A_940 = tpu.vector_load %arg9[%swap3A_939] {strides = array<i32>} : memref<2048xf32, #tpu.memory_space<vmem>>, vector<16xf32>,
      tpu.vector_store %arg9[%swap3A_939], %mul3A_938 {strides = array<i32>} : memref<2048xf32, #tpu.memory_space<vmem>>, vector<16xf32>,
      %gt3A_941 = arith.cmpf ogt, %mul3A_938, %mul3A_929 : vector<16xf32>
      %add3A_942 = arith.constant 16 : i32
      %add3A_943 = vector.broadcast %add3A_942 : i32 to vector<16xi32>
      %add3A_944 = arith.addi %add3A_943, %iota3A : vector<16xi32>
      %select_n3A_945 = arith.select %gt3A_941, %add3A_944, %iota3A : vector<16xi1>, vector<16xi32>
      %select_n3A_946 = arith.select %gt3A_941, %mul3A_938, %mul3A_929 : vector<16xi1>, vector<16xf32>
      %get3A_947 = arith.constant 672 : index
      %get3A_948 = tpu.vector_load %arg7[%get3A_947] {strides = array<i32>} : memref<2048xf32, #tpu.memory_space<vmem>>, vector<16xf32>,
      %get3A_949 = arith.constant 5 : i32
      %get3A_950 = arith.index_cast %get3A_949 : i32 to index
      %get3A_951 = arith.constant 32 : index
      %get3A_952 = tpu.vector_load %arg8[%get3A_950, %get3A_951] {strides = array<i32>} : memref<16x128xf32, #tpu.memory_space<vmem>>, vector<16xf32>,
      %mul3A_953 = arith.mulf %get3A_948, %get3A_952 : vector<16xf32>
      %swap3A_954 = arith.constant 672 : index
      %swap3A_955 = tpu.vector_load %arg9[%swap3A_954] {strides = array<i32>} : memref<2048xf32, #tpu.memory_space<vmem>>, vector<16xf32>,
      tpu.vector_store %arg9[%swap3A_954], %mul3A_953 {strides = array<i32>} : memref<2048xf32, #tpu.memory_space<vmem>>, vector<16xf32>,
      %gt3A_956 = arith.cmpf ogt, %mul3A_953, %select_n3A_946 : vector<16xf32>
      %add3A_957 = arith.constant 32 : i32
      %add3A_958 = vector.broadcast %add3A_957 : i32 to vector<16xi32>
      %add3A_959 = arith.addi %add3A_958, %iota3A : vector<16xi32>
      %select_n3A_960 = arith.select %gt3A_956, %add3A_959, %select_n3A_945 : vector<16xi1>, vector<16xi32>
      %select_n3A_961 = arith.select %gt3A_956, %mul3A_953, %select_n3A_946 : vector<16xi1>, vector<16xf32>
      %get3A_962 = arith.constant 688 : index
      %get3A_963 = tpu.vector_load %arg7[%get3A_962] {strides = array<i32>} : memref<2048xf32, #tpu.memory_space<vmem>>, vector<16xf32>,
      %get3A_964 = arith.constant 5 : i32
      %get3A_965 = arith.index_cast %get3A_964 : i32 to index
      %get3A_966 = arith.constant 48 : index
      %get3A_967 = tpu.vector_load %arg8[%get3A_965, %get3A_966] {strides = array<i32>} : memref<16x128xf32, #tpu.memory_space<vmem>>, vector<16xf32>,
      %mul3A_968 = arith.mulf %get3A_963, %get3A_967 : vector<16xf32>
      %swap3A_969 = arith.constant 688 : index
      %swap3A_970 = tpu.vector_load %arg9[%swap3A_969] {strides = array<i32>} : memref<2048xf32, #tpu.memory_space<vmem>>, vector<16xf32>,
      tpu.vector_store %arg9[%swap3A_969], %mul3A_968 {strides = array<i32>} : memref<2048xf32, #tpu.memory_space<vmem>>, vector<16xf32>,
      %gt3A_971 = arith.cmpf ogt, %mul3A_968, %select_n3A_961 : vector<16xf32>
      %add3A_972 = arith.constant 48 : i32
      %add3A_973 = vector.broadcast %add3A_972 : i32 to vector<16xi32>
      %add3A_974 = arith.addi %add3A_973, %iota3A : vector<16xi32>
      %select_n3A_975 = arith.select %gt3A_971, %add3A_974, %select_n3A_960 : vector<16xi1>, vector<16xi32>
      %select_n3A_976 = arith.select %gt3A_971, %mul3A_968, %select_n3A_961 : vector<16xi1>, vector<16xf32>
      %get3A_977 = arith.constant 704 : index
      %get3A_978 = tpu.vector_load %arg7[%get3A_977] {strides = array<i32>} : memref<2048xf32, #tpu.memory_space<vmem>>, vector<16xf32>,
      %get3A_979 = arith.constant 5 : i32
      %get3A_980 = arith.index_cast %get3A_979 : i32 to index
      %get3A_981 = arith.constant 64 : index
      %get3A_982 = tpu.vector_load %arg8[%get3A_980, %get3A_981] {strides = array<i32>} : memref<16x128xf32, #tpu.memory_space<vmem>>, vector<16xf32>,
      %mul3A_983 = arith.mulf %get3A_978, %get3A_982 : vector<16xf32>
      %swap3A_984 = arith.constant 704 : index
      %swap3A_985 = tpu.vector_load %arg9[%swap3A_984] {strides = array<i32>} : memref<2048xf32, #tpu.memory_space<vmem>>, vector<16xf32>,
      tpu.vector_store %arg9[%swap3A_984], %mul3A_983 {strides = array<i32>} : memref<2048xf32, #tpu.memory_space<vmem>>, vector<16xf32>,
      %gt3A_986 = arith.cmpf ogt, %mul3A_983, %select_n3A_976 : vector<16xf32>
      %add3A_987 = arith.constant 64 : i32
      %add3A_988 = vector.broadcast %add3A_987 : i32 to vector<16xi32>
      %add3A_989 = arith.addi %add3A_988, %iota3A : vector<16xi32>
      %select_n3A_990 = arith.select %gt3A_986, %add3A_989, %select_n3A_975 : vector<16xi1>, vector<16xi32>
      %select_n3A_991 = arith.select %gt3A_986, %mul3A_983, %select_n3A_976 : vector<16xi1>, vector<16xf32>
      %get3A_992 = arith.constant 720 : index
      %get3A_993 = tpu.vector_load %arg7[%get3A_992] {strides = array<i32>} : memref<2048xf32, #tpu.memory_space<vmem>>, vector<16xf32>,
      %get3A_994 = arith.constant 5 : i32
      %get3A_995 = arith.index_cast %get3A_994 : i32 to index
      %get3A_996 = arith.constant 80 : index
      %get3A_997 = tpu.vector_load %arg8[%get3A_995, %get3A_996] {strides = array<i32>} : memref<16x128xf32, #tpu.memory_space<vmem>>, vector<16xf32>,
      %mul3A_998 = arith.mulf %get3A_993, %get3A_997 : vector<16xf32>
      %swap3A_999 = arith.constant 720 : index
      %swap3A_1000 = tpu.vector_load %arg9[%swap3A_999] {strides = array<i32>} : memref<2048xf32, #tpu.memory_space<vmem>>, vector<16xf32>,
      tpu.vector_store %arg9[%swap3A_999], %mul3A_998 {strides = array<i32>} : memref<2048xf32, #tpu.memory_space<vmem>>, vector<16xf32>,
      %gt3A_1001 = arith.cmpf ogt, %mul3A_998, %select_n3A_991 : vector<16xf32>
      %add3A_1002 = arith.constant 80 : i32
      %add3A_1003 = vector.broadcast %add3A_1002 : i32 to vector<16xi32>
      %add3A_1004 = arith.addi %add3A_1003, %iota3A : vector<16xi32>
      %select_n3A_1005 = arith.select %gt3A_1001, %add3A_1004, %select_n3A_990 : vector<16xi1>, vector<16xi32>
      %select_n3A_1006 = arith.select %gt3A_1001, %mul3A_998, %select_n3A_991 : vector<16xi1>, vector<16xf32>
      %get3A_1007 = arith.constant 736 : index
      %get3A_1008 = tpu.vector_load %arg7[%get3A_1007] {strides = array<i32>} : memref<2048xf32, #tpu.memory_space<vmem>>, vector<16xf32>,
      %get3A_1009 = arith.constant 5 : i32
      %get3A_1010 = arith.index_cast %get3A_1009 : i32 to index
      %get3A_1011 = arith.constant 96 : index
      %get3A_1012 = tpu.vector_load %arg8[%get3A_1010, %get3A_1011] {strides = array<i32>} : memref<16x128xf32, #tpu.memory_space<vmem>>, vector<16xf32>,
      %mul3A_1013 = arith.mulf %get3A_1008, %get3A_1012 : vector<16xf32>
      %swap3A_1014 = arith.constant 736 : index
      %swap3A_1015 = tpu.vector_load %arg9[%swap3A_1014] {strides = array<i32>} : memref<2048xf32, #tpu.memory_space<vmem>>, vector<16xf32>,
      tpu.vector_store %arg9[%swap3A_1014], %mul3A_1013 {strides = array<i32>} : memref<2048xf32, #tpu.memory_space<vmem>>, vector<16xf32>,
      %gt3A_1016 = arith.cmpf ogt, %mul3A_1013, %select_n3A_1006 : vector<16xf32>
      %add3A_1017 = arith.constant 96 : i32
      %add3A_1018 = vector.broadcast %add3A_1017 : i32 to vector<16xi32>
      %add3A_1019 = arith.addi %add3A_1018, %iota3A : vector<16xi32>
      %select_n3A_1020 = arith.select %gt3A_1016, %add3A_1019, %select_n3A_1005 : vector<16xi1>, vector<16xi32>
      %select_n3A_1021 = arith.select %gt3A_1016, %mul3A_1013, %select_n3A_1006 : vector<16xi1>, vector<16xf32>
      %get3A_1022 = arith.constant 752 : index
      %get3A_1023 = tpu.vector_load %arg7[%get3A_1022] {strides = array<i32>} : memref<2048xf32, #tpu.memory_space<vmem>>, vector<16xf32>,
      %get3A_1024 = arith.constant 5 : i32
      %get3A_1025 = arith.index_cast %get3A_1024 : i32 to index
      %get3A_1026 = arith.constant 112 : index
      %get3A_1027 = tpu.vector_load %arg8[%get3A_1025, %get3A_1026] {strides = array<i32>} : memref<16x128xf32, #tpu.memory_space<vmem>>, vector<16xf32>,
      %mul3A_1028 = arith.mulf %get3A_1023, %get3A_1027 : vector<16xf32>
      %swap3A_1029 = arith.constant 752 : index
      %swap3A_1030 = tpu.vector_load %arg9[%swap3A_1029] {strides = array<i32>} : memref<2048xf32, #tpu.memory_space<vmem>>, vector<16xf32>,
      tpu.vector_store %arg9[%swap3A_1029], %mul3A_1028 {strides = array<i32>} : memref<2048xf32, #tpu.memory_space<vmem>>, vector<16xf32>,
      %gt3A_1031 = arith.cmpf ogt, %mul3A_1028, %select_n3A_1021 : vector<16xf32>
      %add3A_1032 = arith.constant 112 : i32
      %add3A_1033 = vector.broadcast %add3A_1032 : i32 to vector<16xi32>
      %add3A_1034 = arith.addi %add3A_1033, %iota3A : vector<16xi32>
      %select_n3A_1035 = arith.select %gt3A_1031, %add3A_1034, %select_n3A_1020 : vector<16xi1>, vector<16xi32>
      %select_n3A_1036 = arith.select %gt3A_1031, %mul3A_1028, %select_n3A_1021 : vector<16xi1>, vector<16xf32>
      %reduce_max3A_1037 = arith.constant true
      %reduce_max3A_1038 = vector.broadcast %reduce_max3A_1037 : i1 to vector<16xi1>
      %reduce_max3A_1039 = tpu.scan <max>, %select_n3A_1036 masked %reduce_max3A_1038 : vector<16xf32>, vector<16xi1> -> vector<16xf32>
      %reduce_max3A_1040 = vector.extract %reduce_max3A_1039[15] : f32 from vector<16xf32>
      %eq3A_1041 = vector.broadcast %reduce_max3A_1040 : f32 to vector<16xf32>
      %eq3A_1042 = arith.cmpf oeq, %select_n3A_1036, %eq3A_1041 : vector<16xf32>
      %jit3A_1043 = arith.constant 2048 : i32
      %broadcast_in_dim3A_1044 = vector.broadcast %jit3A_1043 : i32 to vector<16xi32>
      %select_n3A_1045 = arith.select %eq3A_1042, %select_n3A_1035, %broadcast_in_dim3A_1044 : vector<16xi1>, vector<16xi32>
      %reduce_min3A_1046 = arith.constant true
      %reduce_min3A_1047 = vector.broadcast %reduce_min3A_1046 : i1 to vector<16xi1>
      %reduce_min3A_1048 = arith.constant -2147483648 : i32
      %reduce_min3A_1049 = vector.broadcast %reduce_min3A_1048 : i32 to vector<16xi32>
      %reduce_min3A_1050 = arith.xori %select_n3A_1045, %reduce_min3A_1049 : vector<16xi32>
      %reduce_min3A_1051 = tpu.scan <min>, %reduce_min3A_1050 masked %reduce_min3A_1047 : vector<16xi32>, vector<16xi1> -> vector<16xi32>
      %reduce_min3A_1052 = arith.xori %reduce_min3A_1051, %reduce_min3A_1049 : vector<16xi32>
      %reduce_min3A_1053 = vector.extract %reduce_min3A_1052[15] : i32 from vector<16xi32>
      %get3A_1054 = arith.constant 768 : index
      %get3A_1055 = tpu.vector_load %arg7[%get3A_1054] {strides = array<i32>} : memref<2048xf32, #tpu.memory_space<vmem>>, vector<16xf32>,
      %get3A_1056 = arith.constant 6 : i32
      %get3A_1057 = arith.index_cast %get3A_1056 : i32 to index
      %get3A_1058 = arith.constant 0 : index
      %get3A_1059 = tpu.vector_load %arg8[%get3A_1057, %get3A_1058] {strides = array<i32>} : memref<16x128xf32, #tpu.memory_space<vmem>>, vector<16xf32>,
      %eq3A_1060 = arith.constant 1 : i32
      %eq3A_1061 = vector.broadcast %eq3A_1060 : i32 to vector<16xi32>
      %eq3A_1062 = arith.cmpi eq, %iota3A, %eq3A_1061 : vector<16xi32>
      %jit3A_1063 = arith.constant 0.000000e+00 : f32
      %broadcast_in_dim3A_1064 = vector.broadcast %jit3A_1063 : f32 to vector<16xf32>
      %select_n3A_1065 = arith.select %eq3A_1062, %broadcast_in_dim3A_1064, %get3A_1059 : vector<16xi1>, vector<16xf32>
      %mul3A_1066 = arith.mulf %get3A_1055, %select_n3A_1065 : vector<16xf32>
      %swap3A_1067 = arith.constant 768 : index
      %swap3A_1068 = tpu.vector_load %arg9[%swap3A_1067] {strides = array<i32>} : memref<2048xf32, #tpu.memory_space<vmem>>, vector<16xf32>,
      tpu.vector_store %arg9[%swap3A_1067], %mul3A_1066 {strides = array<i32>} : memref<2048xf32, #tpu.memory_space<vmem>>, vector<16xf32>,
      %get3A_1069 = arith.constant 784 : index
      %get3A_1070 = tpu.vector_load %arg7[%get3A_1069] {strides = array<i32>} : memref<2048xf32, #tpu.memory_space<vmem>>, vector<16xf32>,
      %get3A_1071 = arith.constant 6 : i32
      %get3A_1072 = arith.index_cast %get3A_1071 : i32 to index
      %get3A_1073 = arith.constant 16 : index
      %get3A_1074 = tpu.vector_load %arg8[%get3A_1072, %get3A_1073] {strides = array<i32>} : memref<16x128xf32, #tpu.memory_space<vmem>>, vector<16xf32>,
      %mul3A_1075 = arith.mulf %get3A_1070, %get3A_1074 : vector<16xf32>
      %swap3A_1076 = arith.constant 784 : index
      %swap3A_1077 = tpu.vector_load %arg9[%swap3A_1076] {strides = array<i32>} : memref<2048xf32, #tpu.memory_space<vmem>>, vector<16xf32>,
      tpu.vector_store %arg9[%swap3A_1076], %mul3A_1075 {strides = array<i32>} : memref<2048xf32, #tpu.memory_space<vmem>>, vector<16xf32>,
      %gt3A_1078 = arith.cmpf ogt, %mul3A_1075, %mul3A_1066 : vector<16xf32>
      %add3A_1079 = arith.constant 16 : i32
      %add3A_1080 = vector.broadcast %add3A_1079 : i32 to vector<16xi32>
      %add3A_1081 = arith.addi %add3A_1080, %iota3A : vector<16xi32>
      %select_n3A_1082 = arith.select %gt3A_1078, %add3A_1081, %iota3A : vector<16xi1>, vector<16xi32>
      %select_n3A_1083 = arith.select %gt3A_1078, %mul3A_1075, %mul3A_1066 : vector<16xi1>, vector<16xf32>
      %get3A_1084 = arith.constant 800 : index
      %get3A_1085 = tpu.vector_load %arg7[%get3A_1084] {strides = array<i32>} : memref<2048xf32, #tpu.memory_space<vmem>>, vector<16xf32>,
      %get3A_1086 = arith.constant 6 : i32
      %get3A_1087 = arith.index_cast %get3A_1086 : i32 to index
      %get3A_1088 = arith.constant 32 : index
      %get3A_1089 = tpu.vector_load %arg8[%get3A_1087, %get3A_1088] {strides = array<i32>} : memref<16x128xf32, #tpu.memory_space<vmem>>, vector<16xf32>,
      %mul3A_1090 = arith.mulf %get3A_1085, %get3A_1089 : vector<16xf32>
      %swap3A_1091 = arith.constant 800 : index
      %swap3A_1092 = tpu.vector_load %arg9[%swap3A_1091] {strides = array<i32>} : memref<2048xf32, #tpu.memory_space<vmem>>, vector<16xf32>,
      tpu.vector_store %arg9[%swap3A_1091], %mul3A_1090 {strides = array<i32>} : memref<2048xf32, #tpu.memory_space<vmem>>, vector<16xf32>,
      %gt3A_1093 = arith.cmpf ogt, %mul3A_1090, %select_n3A_1083 : vector<16xf32>
      %add3A_1094 = arith.constant 32 : i32
      %add3A_1095 = vector.broadcast %add3A_1094 : i32 to vector<16xi32>
      %add3A_1096 = arith.addi %add3A_1095, %iota3A : vector<16xi32>
      %select_n3A_1097 = arith.select %gt3A_1093, %add3A_1096, %select_n3A_1082 : vector<16xi1>, vector<16xi32>
      %select_n3A_1098 = arith.select %gt3A_1093, %mul3A_1090, %select_n3A_1083 : vector<16xi1>, vector<16xf32>
      %get3A_1099 = arith.constant 816 : index
      %get3A_1100 = tpu.vector_load %arg7[%get3A_1099] {strides = array<i32>} : memref<2048xf32, #tpu.memory_space<vmem>>, vector<16xf32>,
      %get3A_1101 = arith.constant 6 : i32
      %get3A_1102 = arith.index_cast %get3A_1101 : i32 to index
      %get3A_1103 = arith.constant 48 : index
      %get3A_1104 = tpu.vector_load %arg8[%get3A_1102, %get3A_1103] {strides = array<i32>} : memref<16x128xf32, #tpu.memory_space<vmem>>, vector<16xf32>,
      %mul3A_1105 = arith.mulf %get3A_1100, %get3A_1104 : vector<16xf32>
      %swap3A_1106 = arith.constant 816 : index
      %swap3A_1107 = tpu.vector_load %arg9[%swap3A_1106] {strides = array<i32>} : memref<2048xf32, #tpu.memory_space<vmem>>, vector<16xf32>,
      tpu.vector_store %arg9[%swap3A_1106], %mul3A_1105 {strides = array<i32>} : memref<2048xf32, #tpu.memory_space<vmem>>, vector<16xf32>,
      %gt3A_1108 = arith.cmpf ogt, %mul3A_1105, %select_n3A_1098 : vector<16xf32>
      %add3A_1109 = arith.constant 48 : i32
      %add3A_1110 = vector.broadcast %add3A_1109 : i32 to vector<16xi32>
      %add3A_1111 = arith.addi %add3A_1110, %iota3A : vector<16xi32>
      %select_n3A_1112 = arith.select %gt3A_1108, %add3A_1111, %select_n3A_1097 : vector<16xi1>, vector<16xi32>
      %select_n3A_1113 = arith.select %gt3A_1108, %mul3A_1105, %select_n3A_1098 : vector<16xi1>, vector<16xf32>
      %get3A_1114 = arith.constant 832 : index
      %get3A_1115 = tpu.vector_load %arg7[%get3A_1114] {strides = array<i32>} : memref<2048xf32, #tpu.memory_space<vmem>>, vector<16xf32>,
      %get3A_1116 = arith.constant 6 : i32
      %get3A_1117 = arith.index_cast %get3A_1116 : i32 to index
      %get3A_1118 = arith.constant 64 : index
      %get3A_1119 = tpu.vector_load %arg8[%get3A_1117, %get3A_1118] {strides = array<i32>} : memref<16x128xf32, #tpu.memory_space<vmem>>, vector<16xf32>,
      %mul3A_1120 = arith.mulf %get3A_1115, %get3A_1119 : vector<16xf32>
      %swap3A_1121 = arith.constant 832 : index
      %swap3A_1122 = tpu.vector_load %arg9[%swap3A_1121] {strides = array<i32>} : memref<2048xf32, #tpu.memory_space<vmem>>, vector<16xf32>,
      tpu.vector_store %arg9[%swap3A_1121], %mul3A_1120 {strides = array<i32>} : memref<2048xf32, #tpu.memory_space<vmem>>, vector<16xf32>,
      %gt3A_1123 = arith.cmpf ogt, %mul3A_1120, %select_n3A_1113 : vector<16xf32>
      %add3A_1124 = arith.constant 64 : i32
      %add3A_1125 = vector.broadcast %add3A_1124 : i32 to vector<16xi32>
      %add3A_1126 = arith.addi %add3A_1125, %iota3A : vector<16xi32>
      %select_n3A_1127 = arith.select %gt3A_1123, %add3A_1126, %select_n3A_1112 : vector<16xi1>, vector<16xi32>
      %select_n3A_1128 = arith.select %gt3A_1123, %mul3A_1120, %select_n3A_1113 : vector<16xi1>, vector<16xf32>
      %get3A_1129 = arith.constant 848 : index
      %get3A_1130 = tpu.vector_load %arg7[%get3A_1129] {strides = array<i32>} : memref<2048xf32, #tpu.memory_space<vmem>>, vector<16xf32>,
      %get3A_1131 = arith.constant 6 : i32
      %get3A_1132 = arith.index_cast %get3A_1131 : i32 to index
      %get3A_1133 = arith.constant 80 : index
      %get3A_1134 = tpu.vector_load %arg8[%get3A_1132, %get3A_1133] {strides = array<i32>} : memref<16x128xf32, #tpu.memory_space<vmem>>, vector<16xf32>,
      %mul3A_1135 = arith.mulf %get3A_1130, %get3A_1134 : vector<16xf32>
      %swap3A_1136 = arith.constant 848 : index
      %swap3A_1137 = tpu.vector_load %arg9[%swap3A_1136] {strides = array<i32>} : memref<2048xf32, #tpu.memory_space<vmem>>, vector<16xf32>,
      tpu.vector_store %arg9[%swap3A_1136], %mul3A_1135 {strides = array<i32>} : memref<2048xf32, #tpu.memory_space<vmem>>, vector<16xf32>,
      %gt3A_1138 = arith.cmpf ogt, %mul3A_1135, %select_n3A_1128 : vector<16xf32>
      %add3A_1139 = arith.constant 80 : i32
      %add3A_1140 = vector.broadcast %add3A_1139 : i32 to vector<16xi32>
      %add3A_1141 = arith.addi %add3A_1140, %iota3A : vector<16xi32>
      %select_n3A_1142 = arith.select %gt3A_1138, %add3A_1141, %select_n3A_1127 : vector<16xi1>, vector<16xi32>
      %select_n3A_1143 = arith.select %gt3A_1138, %mul3A_1135, %select_n3A_1128 : vector<16xi1>, vector<16xf32>
      %get3A_1144 = arith.constant 864 : index
      %get3A_1145 = tpu.vector_load %arg7[%get3A_1144] {strides = array<i32>} : memref<2048xf32, #tpu.memory_space<vmem>>, vector<16xf32>,
      %get3A_1146 = arith.constant 6 : i32
      %get3A_1147 = arith.index_cast %get3A_1146 : i32 to index
      %get3A_1148 = arith.constant 96 : index
      %get3A_1149 = tpu.vector_load %arg8[%get3A_1147, %get3A_1148] {strides = array<i32>} : memref<16x128xf32, #tpu.memory_space<vmem>>, vector<16xf32>,
      %mul3A_1150 = arith.mulf %get3A_1145, %get3A_1149 : vector<16xf32>
      %swap3A_1151 = arith.constant 864 : index
      %swap3A_1152 = tpu.vector_load %arg9[%swap3A_1151] {strides = array<i32>} : memref<2048xf32, #tpu.memory_space<vmem>>, vector<16xf32>,
      tpu.vector_store %arg9[%swap3A_1151], %mul3A_1150 {strides = array<i32>} : memref<2048xf32, #tpu.memory_space<vmem>>, vector<16xf32>,
      %gt3A_1153 = arith.cmpf ogt, %mul3A_1150, %select_n3A_1143 : vector<16xf32>
      %add3A_1154 = arith.constant 96 : i32
      %add3A_1155 = vector.broadcast %add3A_1154 : i32 to vector<16xi32>
      %add3A_1156 = arith.addi %add3A_1155, %iota3A : vector<16xi32>
      %select_n3A_1157 = arith.select %gt3A_1153, %add3A_1156, %select_n3A_1142 : vector<16xi1>, vector<16xi32>
      %select_n3A_1158 = arith.select %gt3A_1153, %mul3A_1150, %select_n3A_1143 : vector<16xi1>, vector<16xf32>
      %get3A_1159 = arith.constant 880 : index
      %get3A_1160 = tpu.vector_load %arg7[%get3A_1159] {strides = array<i32>} : memref<2048xf32, #tpu.memory_space<vmem>>, vector<16xf32>,
      %get3A_1161 = arith.constant 6 : i32
      %get3A_1162 = arith.index_cast %get3A_1161 : i32 to index
      %get3A_1163 = arith.constant 112 : index
      %get3A_1164 = tpu.vector_load %arg8[%get3A_1162, %get3A_1163] {strides = array<i32>} : memref<16x128xf32, #tpu.memory_space<vmem>>, vector<16xf32>,
      %mul3A_1165 = arith.mulf %get3A_1160, %get3A_1164 : vector<16xf32>
      %swap3A_1166 = arith.constant 880 : index
      %swap3A_1167 = tpu.vector_load %arg9[%swap3A_1166] {strides = array<i32>} : memref<2048xf32, #tpu.memory_space<vmem>>, vector<16xf32>,
      tpu.vector_store %arg9[%swap3A_1166], %mul3A_1165 {strides = array<i32>} : memref<2048xf32, #tpu.memory_space<vmem>>, vector<16xf32>,
      %gt3A_1168 = arith.cmpf ogt, %mul3A_1165, %select_n3A_1158 : vector<16xf32>
      %add3A_1169 = arith.constant 112 : i32
      %add3A_1170 = vector.broadcast %add3A_1169 : i32 to vector<16xi32>
      %add3A_1171 = arith.addi %add3A_1170, %iota3A : vector<16xi32>
      %select_n3A_1172 = arith.select %gt3A_1168, %add3A_1171, %select_n3A_1157 : vector<16xi1>, vector<16xi32>
      %select_n3A_1173 = arith.select %gt3A_1168, %mul3A_1165, %select_n3A_1158 : vector<16xi1>, vector<16xf32>
      %reduce_max3A_1174 = arith.constant true
      %reduce_max3A_1175 = vector.broadcast %reduce_max3A_1174 : i1 to vector<16xi1>
      %reduce_max3A_1176 = tpu.scan <max>, %select_n3A_1173 masked %reduce_max3A_1175 : vector<16xf32>, vector<16xi1> -> vector<16xf32>
      %reduce_max3A_1177 = vector.extract %reduce_max3A_1176[15] : f32 from vector<16xf32>
      %eq3A_1178 = vector.broadcast %reduce_max3A_1177 : f32 to vector<16xf32>
      %eq3A_1179 = arith.cmpf oeq, %select_n3A_1173, %eq3A_1178 : vector<16xf32>
      %jit3A_1180 = arith.constant 2048 : i32
      %broadcast_in_dim3A_1181 = vector.broadcast %jit3A_1180 : i32 to vector<16xi32>
      %select_n3A_1182 = arith.select %eq3A_1179, %select_n3A_1172, %broadcast_in_dim3A_1181 : vector<16xi1>, vector<16xi32>
      %reduce_min3A_1183 = arith.constant true
      %reduce_min3A_1184 = vector.broadcast %reduce_min3A_1183 : i1 to vector<16xi1>
      %reduce_min3A_1185 = arith.constant -2147483648 : i32
      %reduce_min3A_1186 = vector.broadcast %reduce_min3A_1185 : i32 to vector<16xi32>
      %reduce_min3A_1187 = arith.xori %select_n3A_1182, %reduce_min3A_1186 : vector<16xi32>
      %reduce_min3A_1188 = tpu.scan <min>, %reduce_min3A_1187 masked %reduce_min3A_1184 : vector<16xi32>, vector<16xi1> -> vector<16xi32>
      %reduce_min3A_1189 = arith.xori %reduce_min3A_1188, %reduce_min3A_1186 : vector<16xi32>
      %reduce_min3A_1190 = vector.extract %reduce_min3A_1189[15] : i32 from vector<16xi32>
      %get3A_1191 = arith.constant 896 : index
      %get3A_1192 = tpu.vector_load %arg7[%get3A_1191] {strides = array<i32>} : memref<2048xf32, #tpu.memory_space<vmem>>, vector<16xf32>,
      %get3A_1193 = arith.constant 7 : i32
      %get3A_1194 = arith.index_cast %get3A_1193 : i32 to index
      %get3A_1195 = arith.constant 0 : index
      %get3A_1196 = tpu.vector_load %arg8[%get3A_1194, %get3A_1195] {strides = array<i32>} : memref<16x128xf32, #tpu.memory_space<vmem>>, vector<16xf32>,
      %eq3A_1197 = arith.constant 0 : i32
      %eq3A_1198 = vector.broadcast %eq3A_1197 : i32 to vector<16xi32>
      %eq3A_1199 = arith.cmpi eq, %iota3A, %eq3A_1198 : vector<16xi32>
      %jit3A_1200 = arith.constant 0.000000e+00 : f32
      %broadcast_in_dim3A_1201 = vector.broadcast %jit3A_1200 : f32 to vector<16xf32>
      %select_n3A_1202 = arith.select %eq3A_1199, %broadcast_in_dim3A_1201, %get3A_1196 : vector<16xi1>, vector<16xf32>
      %mul3A_1203 = arith.mulf %get3A_1192, %select_n3A_1202 : vector<16xf32>
      %swap3A_1204 = arith.constant 896 : index
      %swap3A_1205 = tpu.vector_load %arg9[%swap3A_1204] {strides = array<i32>} : memref<2048xf32, #tpu.memory_space<vmem>>, vector<16xf32>,
      tpu.vector_store %arg9[%swap3A_1204], %mul3A_1203 {strides = array<i32>} : memref<2048xf32, #tpu.memory_space<vmem>>, vector<16xf32>,
      %get3A_1206 = arith.constant 912 : index
      %get3A_1207 = tpu.vector_load %arg7[%get3A_1206] {strides = array<i32>} : memref<2048xf32, #tpu.memory_space<vmem>>, vector<16xf32>,
      %get3A_1208 = arith.constant 7 : i32
      %get3A_1209 = arith.index_cast %get3A_1208 : i32 to index
      %get3A_1210 = arith.constant 16 : index
      %get3A_1211 = tpu.vector_load %arg8[%get3A_1209, %get3A_1210] {strides = array<i32>} : memref<16x128xf32, #tpu.memory_space<vmem>>, vector<16xf32>,
      %mul3A_1212 = arith.mulf %get3A_1207, %get3A_1211 : vector<16xf32>
      %swap3A_1213 = arith.constant 912 : index
      %swap3A_1214 = tpu.vector_load %arg9[%swap3A_1213] {strides = array<i32>} : memref<2048xf32, #tpu.memory_space<vmem>>, vector<16xf32>,
      tpu.vector_store %arg9[%swap3A_1213], %mul3A_1212 {strides = array<i32>} : memref<2048xf32, #tpu.memory_space<vmem>>, vector<16xf32>,
      %gt3A_1215 = arith.cmpf ogt, %mul3A_1212, %mul3A_1203 : vector<16xf32>
      %add3A_1216 = arith.constant 16 : i32
      %add3A_1217 = vector.broadcast %add3A_1216 : i32 to vector<16xi32>
      %add3A_1218 = arith.addi %add3A_1217, %iota3A : vector<16xi32>
      %select_n3A_1219 = arith.select %gt3A_1215, %add3A_1218, %iota3A : vector<16xi1>, vector<16xi32>
      %select_n3A_1220 = arith.select %gt3A_1215, %mul3A_1212, %mul3A_1203 : vector<16xi1>, vector<16xf32>
      %get3A_1221 = arith.constant 928 : index
      %get3A_1222 = tpu.vector_load %arg7[%get3A_1221] {strides = array<i32>} : memref<2048xf32, #tpu.memory_space<vmem>>, vector<16xf32>,
      %get3A_1223 = arith.constant 7 : i32
      %get3A_1224 = arith.index_cast %get3A_1223 : i32 to index
      %get3A_1225 = arith.constant 32 : index
      %get3A_1226 = tpu.vector_load %arg8[%get3A_1224, %get3A_1225] {strides = array<i32>} : memref<16x128xf32, #tpu.memory_space<vmem>>, vector<16xf32>,
      %mul3A_1227 = arith.mulf %get3A_1222, %get3A_1226 : vector<16xf32>
      %swap3A_1228 = arith.constant 928 : index
      %swap3A_1229 = tpu.vector_load %arg9[%swap3A_1228] {strides = array<i32>} : memref<2048xf32, #tpu.memory_space<vmem>>, vector<16xf32>,
      tpu.vector_store %arg9[%swap3A_1228], %mul3A_1227 {strides = array<i32>} : memref<2048xf32, #tpu.memory_space<vmem>>, vector<16xf32>,
      %gt3A_1230 = arith.cmpf ogt, %mul3A_1227, %select_n3A_1220 : vector<16xf32>
      %add3A_1231 = arith.constant 32 : i32
      %add3A_1232 = vector.broadcast %add3A_1231 : i32 to vector<16xi32>
      %add3A_1233 = arith.addi %add3A_1232, %iota3A : vector<16xi32>
      %select_n3A_1234 = arith.select %gt3A_1230, %add3A_1233, %select_n3A_1219 : vector<16xi1>, vector<16xi32>
      %select_n3A_1235 = arith.select %gt3A_1230, %mul3A_1227, %select_n3A_1220 : vector<16xi1>, vector<16xf32>
      %get3A_1236 = arith.constant 944 : index
      %get3A_1237 = tpu.vector_load %arg7[%get3A_1236] {strides = array<i32>} : memref<2048xf32, #tpu.memory_space<vmem>>, vector<16xf32>,
      %get3A_1238 = arith.constant 7 : i32
      %get3A_1239 = arith.index_cast %get3A_1238 : i32 to index
      %get3A_1240 = arith.constant 48 : index
      %get3A_1241 = tpu.vector_load %arg8[%get3A_1239, %get3A_1240] {strides = array<i32>} : memref<16x128xf32, #tpu.memory_space<vmem>>, vector<16xf32>,
      %mul3A_1242 = arith.mulf %get3A_1237, %get3A_1241 : vector<16xf32>
      %swap3A_1243 = arith.constant 944 : index
      %swap3A_1244 = tpu.vector_load %arg9[%swap3A_1243] {strides = array<i32>} : memref<2048xf32, #tpu.memory_space<vmem>>, vector<16xf32>,
      tpu.vector_store %arg9[%swap3A_1243], %mul3A_1242 {strides = array<i32>} : memref<2048xf32, #tpu.memory_space<vmem>>, vector<16xf32>,
      %gt3A_1245 = arith.cmpf ogt, %mul3A_1242, %select_n3A_1235 : vector<16xf32>
      %add3A_1246 = arith.constant 48 : i32
      %add3A_1247 = vector.broadcast %add3A_1246 : i32 to vector<16xi32>
      %add3A_1248 = arith.addi %add3A_1247, %iota3A : vector<16xi32>
      %select_n3A_1249 = arith.select %gt3A_1245, %add3A_1248, %select_n3A_1234 : vector<16xi1>, vector<16xi32>
      %select_n3A_1250 = arith.select %gt3A_1245, %mul3A_1242, %select_n3A_1235 : vector<16xi1>, vector<16xf32>
      %get3A_1251 = arith.constant 960 : index
      %get3A_1252 = tpu.vector_load %arg7[%get3A_1251] {strides = array<i32>} : memref<2048xf32, #tpu.memory_space<vmem>>, vector<16xf32>,
      %get3A_1253 = arith.constant 7 : i32
      %get3A_1254 = arith.index_cast %get3A_1253 : i32 to index
      %get3A_1255 = arith.constant 64 : index
      %get3A_1256 = tpu.vector_load %arg8[%get3A_1254, %get3A_1255] {strides = array<i32>} : memref<16x128xf32, #tpu.memory_space<vmem>>, vector<16xf32>,
      %mul3A_1257 = arith.mulf %get3A_1252, %get3A_1256 : vector<16xf32>
      %swap3A_1258 = arith.constant 960 : index
      %swap3A_1259 = tpu.vector_load %arg9[%swap3A_1258] {strides = array<i32>} : memref<2048xf32, #tpu.memory_space<vmem>>, vector<16xf32>,
      tpu.vector_store %arg9[%swap3A_1258], %mul3A_1257 {strides = array<i32>} : memref<2048xf32, #tpu.memory_space<vmem>>, vector<16xf32>,
      %gt3A_1260 = arith.cmpf ogt, %mul3A_1257, %select_n3A_1250 : vector<16xf32>
      %add3A_1261 = arith.constant 64 : i32
      %add3A_1262 = vector.broadcast %add3A_1261 : i32 to vector<16xi32>
      %add3A_1263 = arith.addi %add3A_1262, %iota3A : vector<16xi32>
      %select_n3A_1264 = arith.select %gt3A_1260, %add3A_1263, %select_n3A_1249 : vector<16xi1>, vector<16xi32>
      %select_n3A_1265 = arith.select %gt3A_1260, %mul3A_1257, %select_n3A_1250 : vector<16xi1>, vector<16xf32>
      %get3A_1266 = arith.constant 976 : index
      %get3A_1267 = tpu.vector_load %arg7[%get3A_1266] {strides = array<i32>} : memref<2048xf32, #tpu.memory_space<vmem>>, vector<16xf32>,
      %get3A_1268 = arith.constant 7 : i32
      %get3A_1269 = arith.index_cast %get3A_1268 : i32 to index
      %get3A_1270 = arith.constant 80 : index
      %get3A_1271 = tpu.vector_load %arg8[%get3A_1269, %get3A_1270] {strides = array<i32>} : memref<16x128xf32, #tpu.memory_space<vmem>>, vector<16xf32>,
      %mul3A_1272 = arith.mulf %get3A_1267, %get3A_1271 : vector<16xf32>
      %swap3A_1273 = arith.constant 976 : index
      %swap3A_1274 = tpu.vector_load %arg9[%swap3A_1273] {strides = array<i32>} : memref<2048xf32, #tpu.memory_space<vmem>>, vector<16xf32>,
      tpu.vector_store %arg9[%swap3A_1273], %mul3A_1272 {strides = array<i32>} : memref<2048xf32, #tpu.memory_space<vmem>>, vector<16xf32>,
      %gt3A_1275 = arith.cmpf ogt, %mul3A_1272, %select_n3A_1265 : vector<16xf32>
      %add3A_1276 = arith.constant 80 : i32
      %add3A_1277 = vector.broadcast %add3A_1276 : i32 to vector<16xi32>
      %add3A_1278 = arith.addi %add3A_1277, %iota3A : vector<16xi32>
      %select_n3A_1279 = arith.select %gt3A_1275, %add3A_1278, %select_n3A_1264 : vector<16xi1>, vector<16xi32>
      %select_n3A_1280 = arith.select %gt3A_1275, %mul3A_1272, %select_n3A_1265 : vector<16xi1>, vector<16xf32>
      %get3A_1281 = arith.constant 992 : index
      %get3A_1282 = tpu.vector_load %arg7[%get3A_1281] {strides = array<i32>} : memref<2048xf32, #tpu.memory_space<vmem>>, vector<16xf32>,
      %get3A_1283 = arith.constant 7 : i32
      %get3A_1284 = arith.index_cast %get3A_1283 : i32 to index
      %get3A_1285 = arith.constant 96 : index
      %get3A_1286 = tpu.vector_load %arg8[%get3A_1284, %get3A_1285] {strides = array<i32>} : memref<16x128xf32, #tpu.memory_space<vmem>>, vector<16xf32>,
      %mul3A_1287 = arith.mulf %get3A_1282, %get3A_1286 : vector<16xf32>
      %swap3A_1288 = arith.constant 992 : index
      %swap3A_1289 = tpu.vector_load %arg9[%swap3A_1288] {strides = array<i32>} : memref<2048xf32, #tpu.memory_space<vmem>>, vector<16xf32>,
      tpu.vector_store %arg9[%swap3A_1288], %mul3A_1287 {strides = array<i32>} : memref<2048xf32, #tpu.memory_space<vmem>>, vector<16xf32>,
      %gt3A_1290 = arith.cmpf ogt, %mul3A_1287, %select_n3A_1280 : vector<16xf32>
      %add3A_1291 = arith.constant 96 : i32
      %add3A_1292 = vector.broadcast %add3A_1291 : i32 to vector<16xi32>
      %add3A_1293 = arith.addi %add3A_1292, %iota3A : vector<16xi32>
      %select_n3A_1294 = arith.select %gt3A_1290, %add3A_1293, %select_n3A_1279 : vector<16xi1>, vector<16xi32>
      %select_n3A_1295 = arith.select %gt3A_1290, %mul3A_1287, %select_n3A_1280 : vector<16xi1>, vector<16xf32>
      %get3A_1296 = arith.constant 1008 : index
      %get3A_1297 = tpu.vector_load %arg7[%get3A_1296] {strides = array<i32>} : memref<2048xf32, #tpu.memory_space<vmem>>, vector<16xf32>,
      %get3A_1298 = arith.constant 7 : i32
      %get3A_1299 = arith.index_cast %get3A_1298 : i32 to index
      %get3A_1300 = arith.constant 112 : index
      %get3A_1301 = tpu.vector_load %arg8[%get3A_1299, %get3A_1300] {strides = array<i32>} : memref<16x128xf32, #tpu.memory_space<vmem>>, vector<16xf32>,
      %mul3A_1302 = arith.mulf %get3A_1297, %get3A_1301 : vector<16xf32>
      %swap3A_1303 = arith.constant 1008 : index
      %swap3A_1304 = tpu.vector_load %arg9[%swap3A_1303] {strides = array<i32>} : memref<2048xf32, #tpu.memory_space<vmem>>, vector<16xf32>,
      tpu.vector_store %arg9[%swap3A_1303], %mul3A_1302 {strides = array<i32>} : memref<2048xf32, #tpu.memory_space<vmem>>, vector<16xf32>,
      %gt3A_1305 = arith.cmpf ogt, %mul3A_1302, %select_n3A_1295 : vector<16xf32>
      %add3A_1306 = arith.constant 112 : i32
      %add3A_1307 = vector.broadcast %add3A_1306 : i32 to vector<16xi32>
      %add3A_1308 = arith.addi %add3A_1307, %iota3A : vector<16xi32>
      %select_n3A_1309 = arith.select %gt3A_1305, %add3A_1308, %select_n3A_1294 : vector<16xi1>, vector<16xi32>
      %select_n3A_1310 = arith.select %gt3A_1305, %mul3A_1302, %select_n3A_1295 : vector<16xi1>, vector<16xf32>
      %reduce_max3A_1311 = arith.constant true
      %reduce_max3A_1312 = vector.broadcast %reduce_max3A_1311 : i1 to vector<16xi1>
      %reduce_max3A_1313 = tpu.scan <max>, %select_n3A_1310 masked %reduce_max3A_1312 : vector<16xf32>, vector<16xi1> -> vector<16xf32>
      %reduce_max3A_1314 = vector.extract %reduce_max3A_1313[15] : f32 from vector<16xf32>
      %eq3A_1315 = vector.broadcast %reduce_max3A_1314 : f32 to vector<16xf32>
      %eq3A_1316 = arith.cmpf oeq, %select_n3A_1310, %eq3A_1315 : vector<16xf32>
      %jit3A_1317 = arith.constant 2048 : i32
      %broadcast_in_dim3A_1318 = vector.broadcast %jit3A_1317 : i32 to vector<16xi32>
      %select_n3A_1319 = arith.select %eq3A_1316, %select_n3A_1309, %broadcast_in_dim3A_1318 : vector<16xi1>, vector<16xi32>
      %reduce_min3A_1320 = arith.constant true
      %reduce_min3A_1321 = vector.broadcast %reduce_min3A_1320 : i1 to vector<16xi1>
      %reduce_min3A_1322 = arith.constant -2147483648 : i32
      %reduce_min3A_1323 = vector.broadcast %reduce_min3A_1322 : i32 to vector<16xi32>
      %reduce_min3A_1324 = arith.xori %select_n3A_1319, %reduce_min3A_1323 : vector<16xi32>
      %reduce_min3A_1325 = tpu.scan <min>, %reduce_min3A_1324 masked %reduce_min3A_1321 : vector<16xi32>, vector<16xi1> -> vector<16xi32>
      %reduce_min3A_1326 = arith.xori %reduce_min3A_1325, %reduce_min3A_1323 : vector<16xi32>
      %reduce_min3A_1327 = vector.extract %reduce_min3A_1326[15] : i32 from vector<16xi32>
      %get3A_1328 = arith.constant 1024 : index
      %get3A_1329 = tpu.vector_load %arg7[%get3A_1328] {strides = array<i32>} : memref<2048xf32, #tpu.memory_space<vmem>>, vector<16xf32>,
      %get3A_1330 = arith.constant 8 : i32
      %get3A_1331 = arith.index_cast %get3A_1330 : i32 to index
      %get3A_1332 = arith.constant 0 : index
      %get3A_1333 = tpu.vector_load %arg8[%get3A_1331, %get3A_1332] {strides = array<i32>} : memref<16x128xf32, #tpu.memory_space<vmem>>, vector<16xf32>,
      %eq3A_1334 = arith.constant 1 : i32
      %eq3A_1335 = vector.broadcast %eq3A_1334 : i32 to vector<16xi32>
      %eq3A_1336 = arith.cmpi eq, %iota3A, %eq3A_1335 : vector<16xi32>
      %jit3A_1337 = arith.constant 0.000000e+00 : f32
      %broadcast_in_dim3A_1338 = vector.broadcast %jit3A_1337 : f32 to vector<16xf32>
      %select_n3A_1339 = arith.select %eq3A_1336, %broadcast_in_dim3A_1338, %get3A_1333 : vector<16xi1>, vector<16xf32>
      %mul3A_1340 = arith.mulf %get3A_1329, %select_n3A_1339 : vector<16xf32>
      %swap3A_1341 = arith.constant 1024 : index
      %swap3A_1342 = tpu.vector_load %arg9[%swap3A_1341] {strides = array<i32>} : memref<2048xf32, #tpu.memory_space<vmem>>, vector<16xf32>,
      tpu.vector_store %arg9[%swap3A_1341], %mul3A_1340 {strides = array<i32>} : memref<2048xf32, #tpu.memory_space<vmem>>, vector<16xf32>,
      %get3A_1343 = arith.constant 1040 : index
      %get3A_1344 = tpu.vector_load %arg7[%get3A_1343] {strides = array<i32>} : memref<2048xf32, #tpu.memory_space<vmem>>, vector<16xf32>,
      %get3A_1345 = arith.constant 8 : i32
      %get3A_1346 = arith.index_cast %get3A_1345 : i32 to index
      %get3A_1347 = arith.constant 16 : index
      %get3A_1348 = tpu.vector_load %arg8[%get3A_1346, %get3A_1347] {strides = array<i32>} : memref<16x128xf32, #tpu.memory_space<vmem>>, vector<16xf32>,
      %mul3A_1349 = arith.mulf %get3A_1344, %get3A_1348 : vector<16xf32>
      %swap3A_1350 = arith.constant 1040 : index
      %swap3A_1351 = tpu.vector_load %arg9[%swap3A_1350] {strides = array<i32>} : memref<2048xf32, #tpu.memory_space<vmem>>, vector<16xf32>,
      tpu.vector_store %arg9[%swap3A_1350], %mul3A_1349 {strides = array<i32>} : memref<2048xf32, #tpu.memory_space<vmem>>, vector<16xf32>,
      %gt3A_1352 = arith.cmpf ogt, %mul3A_1349, %mul3A_1340 : vector<16xf32>
      %add3A_1353 = arith.constant 16 : i32
      %add3A_1354 = vector.broadcast %add3A_1353 : i32 to vector<16xi32>
      %add3A_1355 = arith.addi %add3A_1354, %iota3A : vector<16xi32>
      %select_n3A_1356 = arith.select %gt3A_1352, %add3A_1355, %iota3A : vector<16xi1>, vector<16xi32>
      %select_n3A_1357 = arith.select %gt3A_1352, %mul3A_1349, %mul3A_1340 : vector<16xi1>, vector<16xf32>
      %get3A_1358 = arith.constant 1056 : index
      %get3A_1359 = tpu.vector_load %arg7[%get3A_1358] {strides = array<i32>} : memref<2048xf32, #tpu.memory_space<vmem>>, vector<16xf32>,
      %get3A_1360 = arith.constant 8 : i32
      %get3A_1361 = arith.index_cast %get3A_1360 : i32 to index
      %get3A_1362 = arith.constant 32 : index
      %get3A_1363 = tpu.vector_load %arg8[%get3A_1361, %get3A_1362] {strides = array<i32>} : memref<16x128xf32, #tpu.memory_space<vmem>>, vector<16xf32>,
      %mul3A_1364 = arith.mulf %get3A_1359, %get3A_1363 : vector<16xf32>
      %swap3A_1365 = arith.constant 1056 : index
      %swap3A_1366 = tpu.vector_load %arg9[%swap3A_1365] {strides = array<i32>} : memref<2048xf32, #tpu.memory_space<vmem>>, vector<16xf32>,
      tpu.vector_store %arg9[%swap3A_1365], %mul3A_1364 {strides = array<i32>} : memref<2048xf32, #tpu.memory_space<vmem>>, vector<16xf32>,
      %gt3A_1367 = arith.cmpf ogt, %mul3A_1364, %select_n3A_1357 : vector<16xf32>
      %add3A_1368 = arith.constant 32 : i32
      %add3A_1369 = vector.broadcast %add3A_1368 : i32 to vector<16xi32>
      %add3A_1370 = arith.addi %add3A_1369, %iota3A : vector<16xi32>
      %select_n3A_1371 = arith.select %gt3A_1367, %add3A_1370, %select_n3A_1356 : vector<16xi1>, vector<16xi32>
      %select_n3A_1372 = arith.select %gt3A_1367, %mul3A_1364, %select_n3A_1357 : vector<16xi1>, vector<16xf32>
      %get3A_1373 = arith.constant 1072 : index
      %get3A_1374 = tpu.vector_load %arg7[%get3A_1373] {strides = array<i32>} : memref<2048xf32, #tpu.memory_space<vmem>>, vector<16xf32>,
      %get3A_1375 = arith.constant 8 : i32
      %get3A_1376 = arith.index_cast %get3A_1375 : i32 to index
      %get3A_1377 = arith.constant 48 : index
      %get3A_1378 = tpu.vector_load %arg8[%get3A_1376, %get3A_1377] {strides = array<i32>} : memref<16x128xf32, #tpu.memory_space<vmem>>, vector<16xf32>,
      %mul3A_1379 = arith.mulf %get3A_1374, %get3A_1378 : vector<16xf32>
      %swap3A_1380 = arith.constant 1072 : index
      %swap3A_1381 = tpu.vector_load %arg9[%swap3A_1380] {strides = array<i32>} : memref<2048xf32, #tpu.memory_space<vmem>>, vector<16xf32>,
      tpu.vector_store %arg9[%swap3A_1380], %mul3A_1379 {strides = array<i32>} : memref<2048xf32, #tpu.memory_space<vmem>>, vector<16xf32>,
      %gt3A_1382 = arith.cmpf ogt, %mul3A_1379, %select_n3A_1372 : vector<16xf32>
      %add3A_1383 = arith.constant 48 : i32
      %add3A_1384 = vector.broadcast %add3A_1383 : i32 to vector<16xi32>
      %add3A_1385 = arith.addi %add3A_1384, %iota3A : vector<16xi32>
      %select_n3A_1386 = arith.select %gt3A_1382, %add3A_1385, %select_n3A_1371 : vector<16xi1>, vector<16xi32>
      %select_n3A_1387 = arith.select %gt3A_1382, %mul3A_1379, %select_n3A_1372 : vector<16xi1>, vector<16xf32>
      %get3A_1388 = arith.constant 1088 : index
      %get3A_1389 = tpu.vector_load %arg7[%get3A_1388] {strides = array<i32>} : memref<2048xf32, #tpu.memory_space<vmem>>, vector<16xf32>,
      %get3A_1390 = arith.constant 8 : i32
      %get3A_1391 = arith.index_cast %get3A_1390 : i32 to index
      %get3A_1392 = arith.constant 64 : index
      %get3A_1393 = tpu.vector_load %arg8[%get3A_1391, %get3A_1392] {strides = array<i32>} : memref<16x128xf32, #tpu.memory_space<vmem>>, vector<16xf32>,
      %mul3A_1394 = arith.mulf %get3A_1389, %get3A_1393 : vector<16xf32>
      %swap3A_1395 = arith.constant 1088 : index
      %swap3A_1396 = tpu.vector_load %arg9[%swap3A_1395] {strides = array<i32>} : memref<2048xf32, #tpu.memory_space<vmem>>, vector<16xf32>,
      tpu.vector_store %arg9[%swap3A_1395], %mul3A_1394 {strides = array<i32>} : memref<2048xf32, #tpu.memory_space<vmem>>, vector<16xf32>,
      %gt3A_1397 = arith.cmpf ogt, %mul3A_1394, %select_n3A_1387 : vector<16xf32>
      %add3A_1398 = arith.constant 64 : i32
      %add3A_1399 = vector.broadcast %add3A_1398 : i32 to vector<16xi32>
      %add3A_1400 = arith.addi %add3A_1399, %iota3A : vector<16xi32>
      %select_n3A_1401 = arith.select %gt3A_1397, %add3A_1400, %select_n3A_1386 : vector<16xi1>, vector<16xi32>
      %select_n3A_1402 = arith.select %gt3A_1397, %mul3A_1394, %select_n3A_1387 : vector<16xi1>, vector<16xf32>
      %get3A_1403 = arith.constant 1104 : index
      %get3A_1404 = tpu.vector_load %arg7[%get3A_1403] {strides = array<i32>} : memref<2048xf32, #tpu.memory_space<vmem>>, vector<16xf32>,
      %get3A_1405 = arith.constant 8 : i32
      %get3A_1406 = arith.index_cast %get3A_1405 : i32 to index
      %get3A_1407 = arith.constant 80 : index
      %get3A_1408 = tpu.vector_load %arg8[%get3A_1406, %get3A_1407] {strides = array<i32>} : memref<16x128xf32, #tpu.memory_space<vmem>>, vector<16xf32>,
      %mul3A_1409 = arith.mulf %get3A_1404, %get3A_1408 : vector<16xf32>
      %swap3A_1410 = arith.constant 1104 : index
      %swap3A_1411 = tpu.vector_load %arg9[%swap3A_1410] {strides = array<i32>} : memref<2048xf32, #tpu.memory_space<vmem>>, vector<16xf32>,
      tpu.vector_store %arg9[%swap3A_1410], %mul3A_1409 {strides = array<i32>} : memref<2048xf32, #tpu.memory_space<vmem>>, vector<16xf32>,
      %gt3A_1412 = arith.cmpf ogt, %mul3A_1409, %select_n3A_1402 : vector<16xf32>
      %add3A_1413 = arith.constant 80 : i32
      %add3A_1414 = vector.broadcast %add3A_1413 : i32 to vector<16xi32>
      %add3A_1415 = arith.addi %add3A_1414, %iota3A : vector<16xi32>
      %select_n3A_1416 = arith.select %gt3A_1412, %add3A_1415, %select_n3A_1401 : vector<16xi1>, vector<16xi32>
      %select_n3A_1417 = arith.select %gt3A_1412, %mul3A_1409, %select_n3A_1402 : vector<16xi1>, vector<16xf32>
      %get3A_1418 = arith.constant 1120 : index
      %get3A_1419 = tpu.vector_load %arg7[%get3A_1418] {strides = array<i32>} : memref<2048xf32, #tpu.memory_space<vmem>>, vector<16xf32>,
      %get3A_1420 = arith.constant 8 : i32
      %get3A_1421 = arith.index_cast %get3A_1420 : i32 to index
      %get3A_1422 = arith.constant 96 : index
      %get3A_1423 = tpu.vector_load %arg8[%get3A_1421, %get3A_1422] {strides = array<i32>} : memref<16x128xf32, #tpu.memory_space<vmem>>, vector<16xf32>,
      %mul3A_1424 = arith.mulf %get3A_1419, %get3A_1423 : vector<16xf32>
      %swap3A_1425 = arith.constant 1120 : index
      %swap3A_1426 = tpu.vector_load %arg9[%swap3A_1425] {strides = array<i32>} : memref<2048xf32, #tpu.memory_space<vmem>>, vector<16xf32>,
      tpu.vector_store %arg9[%swap3A_1425], %mul3A_1424 {strides = array<i32>} : memref<2048xf32, #tpu.memory_space<vmem>>, vector<16xf32>,
      %gt3A_1427 = arith.cmpf ogt, %mul3A_1424, %select_n3A_1417 : vector<16xf32>
      %add3A_1428 = arith.constant 96 : i32
      %add3A_1429 = vector.broadcast %add3A_1428 : i32 to vector<16xi32>
      %add3A_1430 = arith.addi %add3A_1429, %iota3A : vector<16xi32>
      %select_n3A_1431 = arith.select %gt3A_1427, %add3A_1430, %select_n3A_1416 : vector<16xi1>, vector<16xi32>
      %select_n3A_1432 = arith.select %gt3A_1427, %mul3A_1424, %select_n3A_1417 : vector<16xi1>, vector<16xf32>
      %get3A_1433 = arith.constant 1136 : index
      %get3A_1434 = tpu.vector_load %arg7[%get3A_1433] {strides = array<i32>} : memref<2048xf32, #tpu.memory_space<vmem>>, vector<16xf32>,
      %get3A_1435 = arith.constant 8 : i32
      %get3A_1436 = arith.index_cast %get3A_1435 : i32 to index
      %get3A_1437 = arith.constant 112 : index
      %get3A_1438 = tpu.vector_load %arg8[%get3A_1436, %get3A_1437] {strides = array<i32>} : memref<16x128xf32, #tpu.memory_space<vmem>>, vector<16xf32>,
      %mul3A_1439 = arith.mulf %get3A_1434, %get3A_1438 : vector<16xf32>
      %swap3A_1440 = arith.constant 1136 : index
      %swap3A_1441 = tpu.vector_load %arg9[%swap3A_1440] {strides = array<i32>} : memref<2048xf32, #tpu.memory_space<vmem>>, vector<16xf32>,
      tpu.vector_store %arg9[%swap3A_1440], %mul3A_1439 {strides = array<i32>} : memref<2048xf32, #tpu.memory_space<vmem>>, vector<16xf32>,
      %gt3A_1442 = arith.cmpf ogt, %mul3A_1439, %select_n3A_1432 : vector<16xf32>
      %add3A_1443 = arith.constant 112 : i32
      %add3A_1444 = vector.broadcast %add3A_1443 : i32 to vector<16xi32>
      %add3A_1445 = arith.addi %add3A_1444, %iota3A : vector<16xi32>
      %select_n3A_1446 = arith.select %gt3A_1442, %add3A_1445, %select_n3A_1431 : vector<16xi1>, vector<16xi32>
      %select_n3A_1447 = arith.select %gt3A_1442, %mul3A_1439, %select_n3A_1432 : vector<16xi1>, vector<16xf32>
      %reduce_max3A_1448 = arith.constant true
      %reduce_max3A_1449 = vector.broadcast %reduce_max3A_1448 : i1 to vector<16xi1>
      %reduce_max3A_1450 = tpu.scan <max>, %select_n3A_1447 masked %reduce_max3A_1449 : vector<16xf32>, vector<16xi1> -> vector<16xf32>
      %reduce_max3A_1451 = vector.extract %reduce_max3A_1450[15] : f32 from vector<16xf32>
      %eq3A_1452 = vector.broadcast %reduce_max3A_1451 : f32 to vector<16xf32>
      %eq3A_1453 = arith.cmpf oeq, %select_n3A_1447, %eq3A_1452 : vector<16xf32>
      %jit3A_1454 = arith.constant 2048 : i32
      %broadcast_in_dim3A_1455 = vector.broadcast %jit3A_1454 : i32 to vector<16xi32>
      %select_n3A_1456 = arith.select %eq3A_1453, %select_n3A_1446, %broadcast_in_dim3A_1455 : vector<16xi1>, vector<16xi32>
      %reduce_min3A_1457 = arith.constant true
      %reduce_min3A_1458 = vector.broadcast %reduce_min3A_1457 : i1 to vector<16xi1>
      %reduce_min3A_1459 = arith.constant -2147483648 : i32
      %reduce_min3A_1460 = vector.broadcast %reduce_min3A_1459 : i32 to vector<16xi32>
      %reduce_min3A_1461 = arith.xori %select_n3A_1456, %reduce_min3A_1460 : vector<16xi32>
      %reduce_min3A_1462 = tpu.scan <min>, %reduce_min3A_1461 masked %reduce_min3A_1458 : vector<16xi32>, vector<16xi1> -> vector<16xi32>
      %reduce_min3A_1463 = arith.xori %reduce_min3A_1462, %reduce_min3A_1460 : vector<16xi32>
      %reduce_min3A_1464 = vector.extract %reduce_min3A_1463[15] : i32 from vector<16xi32>
      %get3A_1465 = arith.constant 1152 : index
      %get3A_1466 = tpu.vector_load %arg7[%get3A_1465] {strides = array<i32>} : memref<2048xf32, #tpu.memory_space<vmem>>, vector<16xf32>,
      %get3A_1467 = arith.constant 9 : i32
      %get3A_1468 = arith.index_cast %get3A_1467 : i32 to index
      %get3A_1469 = arith.constant 0 : index
      %get3A_1470 = tpu.vector_load %arg8[%get3A_1468, %get3A_1469] {strides = array<i32>} : memref<16x128xf32, #tpu.memory_space<vmem>>, vector<16xf32>,
      %eq3A_1471 = arith.constant 0 : i32
      %eq3A_1472 = vector.broadcast %eq3A_1471 : i32 to vector<16xi32>
      %eq3A_1473 = arith.cmpi eq, %iota3A, %eq3A_1472 : vector<16xi32>
      %jit3A_1474 = arith.constant 0.000000e+00 : f32
      %broadcast_in_dim3A_1475 = vector.broadcast %jit3A_1474 : f32 to vector<16xf32>
      %select_n3A_1476 = arith.select %eq3A_1473, %broadcast_in_dim3A_1475, %get3A_1470 : vector<16xi1>, vector<16xf32>
      %mul3A_1477 = arith.mulf %get3A_1466, %select_n3A_1476 : vector<16xf32>
      %swap3A_1478 = arith.constant 1152 : index
      %swap3A_1479 = tpu.vector_load %arg9[%swap3A_1478] {strides = array<i32>} : memref<2048xf32, #tpu.memory_space<vmem>>, vector<16xf32>,
      tpu.vector_store %arg9[%swap3A_1478], %mul3A_1477 {strides = array<i32>} : memref<2048xf32, #tpu.memory_space<vmem>>, vector<16xf32>,
      %get3A_1480 = arith.constant 1168 : index
      %get3A_1481 = tpu.vector_load %arg7[%get3A_1480] {strides = array<i32>} : memref<2048xf32, #tpu.memory_space<vmem>>, vector<16xf32>,
      %get3A_1482 = arith.constant 9 : i32
      %get3A_1483 = arith.index_cast %get3A_1482 : i32 to index
      %get3A_1484 = arith.constant 16 : index
      %get3A_1485 = tpu.vector_load %arg8[%get3A_1483, %get3A_1484] {strides = array<i32>} : memref<16x128xf32, #tpu.memory_space<vmem>>, vector<16xf32>,
      %mul3A_1486 = arith.mulf %get3A_1481, %get3A_1485 : vector<16xf32>
      %swap3A_1487 = arith.constant 1168 : index
      %swap3A_1488 = tpu.vector_load %arg9[%swap3A_1487] {strides = array<i32>} : memref<2048xf32, #tpu.memory_space<vmem>>, vector<16xf32>,
      tpu.vector_store %arg9[%swap3A_1487], %mul3A_1486 {strides = array<i32>} : memref<2048xf32, #tpu.memory_space<vmem>>, vector<16xf32>,
      %gt3A_1489 = arith.cmpf ogt, %mul3A_1486, %mul3A_1477 : vector<16xf32>
      %add3A_1490 = arith.constant 16 : i32
      %add3A_1491 = vector.broadcast %add3A_1490 : i32 to vector<16xi32>
      %add3A_1492 = arith.addi %add3A_1491, %iota3A : vector<16xi32>
      %select_n3A_1493 = arith.select %gt3A_1489, %add3A_1492, %iota3A : vector<16xi1>, vector<16xi32>
      %select_n3A_1494 = arith.select %gt3A_1489, %mul3A_1486, %mul3A_1477 : vector<16xi1>, vector<16xf32>
      %get3A_1495 = arith.constant 1184 : index
      %get3A_1496 = tpu.vector_load %arg7[%get3A_1495] {strides = array<i32>} : memref<2048xf32, #tpu.memory_space<vmem>>, vector<16xf32>,
      %get3A_1497 = arith.constant 9 : i32
      %get3A_1498 = arith.index_cast %get3A_1497 : i32 to index
      %get3A_1499 = arith.constant 32 : index
      %get3A_1500 = tpu.vector_load %arg8[%get3A_1498, %get3A_1499] {strides = array<i32>} : memref<16x128xf32, #tpu.memory_space<vmem>>, vector<16xf32>,
      %mul3A_1501 = arith.mulf %get3A_1496, %get3A_1500 : vector<16xf32>
      %swap3A_1502 = arith.constant 1184 : index
      %swap3A_1503 = tpu.vector_load %arg9[%swap3A_1502] {strides = array<i32>} : memref<2048xf32, #tpu.memory_space<vmem>>, vector<16xf32>,
      tpu.vector_store %arg9[%swap3A_1502], %mul3A_1501 {strides = array<i32>} : memref<2048xf32, #tpu.memory_space<vmem>>, vector<16xf32>,
      %gt3A_1504 = arith.cmpf ogt, %mul3A_1501, %select_n3A_1494 : vector<16xf32>
      %add3A_1505 = arith.constant 32 : i32
      %add3A_1506 = vector.broadcast %add3A_1505 : i32 to vector<16xi32>
      %add3A_1507 = arith.addi %add3A_1506, %iota3A : vector<16xi32>
      %select_n3A_1508 = arith.select %gt3A_1504, %add3A_1507, %select_n3A_1493 : vector<16xi1>, vector<16xi32>
      %select_n3A_1509 = arith.select %gt3A_1504, %mul3A_1501, %select_n3A_1494 : vector<16xi1>, vector<16xf32>
      %get3A_1510 = arith.constant 1200 : index
      %get3A_1511 = tpu.vector_load %arg7[%get3A_1510] {strides = array<i32>} : memref<2048xf32, #tpu.memory_space<vmem>>, vector<16xf32>,
      %get3A_1512 = arith.constant 9 : i32
      %get3A_1513 = arith.index_cast %get3A_1512 : i32 to index
      %get3A_1514 = arith.constant 48 : index
      %get3A_1515 = tpu.vector_load %arg8[%get3A_1513, %get3A_1514] {strides = array<i32>} : memref<16x128xf32, #tpu.memory_space<vmem>>, vector<16xf32>,
      %mul3A_1516 = arith.mulf %get3A_1511, %get3A_1515 : vector<16xf32>
      %swap3A_1517 = arith.constant 1200 : index
      %swap3A_1518 = tpu.vector_load %arg9[%swap3A_1517] {strides = array<i32>} : memref<2048xf32, #tpu.memory_space<vmem>>, vector<16xf32>,
      tpu.vector_store %arg9[%swap3A_1517], %mul3A_1516 {strides = array<i32>} : memref<2048xf32, #tpu.memory_space<vmem>>, vector<16xf32>,
      %gt3A_1519 = arith.cmpf ogt, %mul3A_1516, %select_n3A_1509 : vector<16xf32>
      %add3A_1520 = arith.constant 48 : i32
      %add3A_1521 = vector.broadcast %add3A_1520 : i32 to vector<16xi32>
      %add3A_1522 = arith.addi %add3A_1521, %iota3A : vector<16xi32>
      %select_n3A_1523 = arith.select %gt3A_1519, %add3A_1522, %select_n3A_1508 : vector<16xi1>, vector<16xi32>
      %select_n3A_1524 = arith.select %gt3A_1519, %mul3A_1516, %select_n3A_1509 : vector<16xi1>, vector<16xf32>
      %get3A_1525 = arith.constant 1216 : index
      %get3A_1526 = tpu.vector_load %arg7[%get3A_1525] {strides = array<i32>} : memref<2048xf32, #tpu.memory_space<vmem>>, vector<16xf32>,
      %get3A_1527 = arith.constant 9 : i32
      %get3A_1528 = arith.index_cast %get3A_1527 : i32 to index
      %get3A_1529 = arith.constant 64 : index
      %get3A_1530 = tpu.vector_load %arg8[%get3A_1528, %get3A_1529] {strides = array<i32>} : memref<16x128xf32, #tpu.memory_space<vmem>>, vector<16xf32>,
      %mul3A_1531 = arith.mulf %get3A_1526, %get3A_1530 : vector<16xf32>
      %swap3A_1532 = arith.constant 1216 : index
      %swap3A_1533 = tpu.vector_load %arg9[%swap3A_1532] {strides = array<i32>} : memref<2048xf32, #tpu.memory_space<vmem>>, vector<16xf32>,
      tpu.vector_store %arg9[%swap3A_1532], %mul3A_1531 {strides = array<i32>} : memref<2048xf32, #tpu.memory_space<vmem>>, vector<16xf32>,
      %gt3A_1534 = arith.cmpf ogt, %mul3A_1531, %select_n3A_1524 : vector<16xf32>
      %add3A_1535 = arith.constant 64 : i32
      %add3A_1536 = vector.broadcast %add3A_1535 : i32 to vector<16xi32>
      %add3A_1537 = arith.addi %add3A_1536, %iota3A : vector<16xi32>
      %select_n3A_1538 = arith.select %gt3A_1534, %add3A_1537, %select_n3A_1523 : vector<16xi1>, vector<16xi32>
      %select_n3A_1539 = arith.select %gt3A_1534, %mul3A_1531, %select_n3A_1524 : vector<16xi1>, vector<16xf32>
      %get3A_1540 = arith.constant 1232 : index
      %get3A_1541 = tpu.vector_load %arg7[%get3A_1540] {strides = array<i32>} : memref<2048xf32, #tpu.memory_space<vmem>>, vector<16xf32>,
      %get3A_1542 = arith.constant 9 : i32
      %get3A_1543 = arith.index_cast %get3A_1542 : i32 to index
      %get3A_1544 = arith.constant 80 : index
      %get3A_1545 = tpu.vector_load %arg8[%get3A_1543, %get3A_1544] {strides = array<i32>} : memref<16x128xf32, #tpu.memory_space<vmem>>, vector<16xf32>,
      %mul3A_1546 = arith.mulf %get3A_1541, %get3A_1545 : vector<16xf32>
      %swap3A_1547 = arith.constant 1232 : index
      %swap3A_1548 = tpu.vector_load %arg9[%swap3A_1547] {strides = array<i32>} : memref<2048xf32, #tpu.memory_space<vmem>>, vector<16xf32>,
      tpu.vector_store %arg9[%swap3A_1547], %mul3A_1546 {strides = array<i32>} : memref<2048xf32, #tpu.memory_space<vmem>>, vector<16xf32>,
      %gt3A_1549 = arith.cmpf ogt, %mul3A_1546, %select_n3A_1539 : vector<16xf32>
      %add3A_1550 = arith.constant 80 : i32
      %add3A_1551 = vector.broadcast %add3A_1550 : i32 to vector<16xi32>
      %add3A_1552 = arith.addi %add3A_1551, %iota3A : vector<16xi32>
      %select_n3A_1553 = arith.select %gt3A_1549, %add3A_1552, %select_n3A_1538 : vector<16xi1>, vector<16xi32>
      %select_n3A_1554 = arith.select %gt3A_1549, %mul3A_1546, %select_n3A_1539 : vector<16xi1>, vector<16xf32>
      %get3A_1555 = arith.constant 1248 : index
      %get3A_1556 = tpu.vector_load %arg7[%get3A_1555] {strides = array<i32>} : memref<2048xf32, #tpu.memory_space<vmem>>, vector<16xf32>,
      %get3A_1557 = arith.constant 9 : i32
      %get3A_1558 = arith.index_cast %get3A_1557 : i32 to index
      %get3A_1559 = arith.constant 96 : index
      %get3A_1560 = tpu.vector_load %arg8[%get3A_1558, %get3A_1559] {strides = array<i32>} : memref<16x128xf32, #tpu.memory_space<vmem>>, vector<16xf32>,
      %mul3A_1561 = arith.mulf %get3A_1556, %get3A_1560 : vector<16xf32>
      %swap3A_1562 = arith.constant 1248 : index
      %swap3A_1563 = tpu.vector_load %arg9[%swap3A_1562] {strides = array<i32>} : memref<2048xf32, #tpu.memory_space<vmem>>, vector<16xf32>,
      tpu.vector_store %arg9[%swap3A_1562], %mul3A_1561 {strides = array<i32>} : memref<2048xf32, #tpu.memory_space<vmem>>, vector<16xf32>,
      %gt3A_1564 = arith.cmpf ogt, %mul3A_1561, %select_n3A_1554 : vector<16xf32>
      %add3A_1565 = arith.constant 96 : i32
      %add3A_1566 = vector.broadcast %add3A_1565 : i32 to vector<16xi32>
      %add3A_1567 = arith.addi %add3A_1566, %iota3A : vector<16xi32>
      %select_n3A_1568 = arith.select %gt3A_1564, %add3A_1567, %select_n3A_1553 : vector<16xi1>, vector<16xi32>
      %select_n3A_1569 = arith.select %gt3A_1564, %mul3A_1561, %select_n3A_1554 : vector<16xi1>, vector<16xf32>
      %get3A_1570 = arith.constant 1264 : index
      %get3A_1571 = tpu.vector_load %arg7[%get3A_1570] {strides = array<i32>} : memref<2048xf32, #tpu.memory_space<vmem>>, vector<16xf32>,
      %get3A_1572 = arith.constant 9 : i32
      %get3A_1573 = arith.index_cast %get3A_1572 : i32 to index
      %get3A_1574 = arith.constant 112 : index
      %get3A_1575 = tpu.vector_load %arg8[%get3A_1573, %get3A_1574] {strides = array<i32>} : memref<16x128xf32, #tpu.memory_space<vmem>>, vector<16xf32>,
      %mul3A_1576 = arith.mulf %get3A_1571, %get3A_1575 : vector<16xf32>
      %swap3A_1577 = arith.constant 1264 : index
      %swap3A_1578 = tpu.vector_load %arg9[%swap3A_1577] {strides = array<i32>} : memref<2048xf32, #tpu.memory_space<vmem>>, vector<16xf32>,
      tpu.vector_store %arg9[%swap3A_1577], %mul3A_1576 {strides = array<i32>} : memref<2048xf32, #tpu.memory_space<vmem>>, vector<16xf32>,
      %gt3A_1579 = arith.cmpf ogt, %mul3A_1576, %select_n3A_1569 : vector<16xf32>
      %add3A_1580 = arith.constant 112 : i32
      %add3A_1581 = vector.broadcast %add3A_1580 : i32 to vector<16xi32>
      %add3A_1582 = arith.addi %add3A_1581, %iota3A : vector<16xi32>
      %select_n3A_1583 = arith.select %gt3A_1579, %add3A_1582, %select_n3A_1568 : vector<16xi1>, vector<16xi32>
      %select_n3A_1584 = arith.select %gt3A_1579, %mul3A_1576, %select_n3A_1569 : vector<16xi1>, vector<16xf32>
      %reduce_max3A_1585 = arith.constant true
      %reduce_max3A_1586 = vector.broadcast %reduce_max3A_1585 : i1 to vector<16xi1>
      %reduce_max3A_1587 = tpu.scan <max>, %select_n3A_1584 masked %reduce_max3A_1586 : vector<16xf32>, vector<16xi1> -> vector<16xf32>
      %reduce_max3A_1588 = vector.extract %reduce_max3A_1587[15] : f32 from vector<16xf32>
      %eq3A_1589 = vector.broadcast %reduce_max3A_1588 : f32 to vector<16xf32>
      %eq3A_1590 = arith.cmpf oeq, %select_n3A_1584, %eq3A_1589 : vector<16xf32>
      %jit3A_1591 = arith.constant 2048 : i32
      %broadcast_in_dim3A_1592 = vector.broadcast %jit3A_1591 : i32 to vector<16xi32>
      %select_n3A_1593 = arith.select %eq3A_1590, %select_n3A_1583, %broadcast_in_dim3A_1592 : vector<16xi1>, vector<16xi32>
      %reduce_min3A_1594 = arith.constant true
      %reduce_min3A_1595 = vector.broadcast %reduce_min3A_1594 : i1 to vector<16xi1>
      %reduce_min3A_1596 = arith.constant -2147483648 : i32
      %reduce_min3A_1597 = vector.broadcast %reduce_min3A_1596 : i32 to vector<16xi32>
      %reduce_min3A_1598 = arith.xori %select_n3A_1593, %reduce_min3A_1597 : vector<16xi32>
      %reduce_min3A_1599 = tpu.scan <min>, %reduce_min3A_1598 masked %reduce_min3A_1595 : vector<16xi32>, vector<16xi1> -> vector<16xi32>
      %reduce_min3A_1600 = arith.xori %reduce_min3A_1599, %reduce_min3A_1597 : vector<16xi32>
      %reduce_min3A_1601 = vector.extract %reduce_min3A_1600[15] : i32 from vector<16xi32>
      %get3A_1602 = arith.constant 1280 : index
      %get3A_1603 = tpu.vector_load %arg7[%get3A_1602] {strides = array<i32>} : memref<2048xf32, #tpu.memory_space<vmem>>, vector<16xf32>,
      %get3A_1604 = arith.constant 10 : i32
      %get3A_1605 = arith.index_cast %get3A_1604 : i32 to index
      %get3A_1606 = arith.constant 0 : index
      %get3A_1607 = tpu.vector_load %arg8[%get3A_1605, %get3A_1606] {strides = array<i32>} : memref<16x128xf32, #tpu.memory_space<vmem>>, vector<16xf32>,
      %eq3A_1608 = arith.constant 1 : i32
      %eq3A_1609 = vector.broadcast %eq3A_1608 : i32 to vector<16xi32>
      %eq3A_1610 = arith.cmpi eq, %iota3A, %eq3A_1609 : vector<16xi32>
      %jit3A_1611 = arith.constant 0.000000e+00 : f32
      %broadcast_in_dim3A_1612 = vector.broadcast %jit3A_1611 : f32 to vector<16xf32>
      %select_n3A_1613 = arith.select %eq3A_1610, %broadcast_in_dim3A_1612, %get3A_1607 : vector<16xi1>, vector<16xf32>
      %mul3A_1614 = arith.mulf %get3A_1603, %select_n3A_1613 : vector<16xf32>
      %swap3A_1615 = arith.constant 1280 : index
      %swap3A_1616 = tpu.vector_load %arg9[%swap3A_1615] {strides = array<i32>} : memref<2048xf32, #tpu.memory_space<vmem>>, vector<16xf32>,
      tpu.vector_store %arg9[%swap3A_1615], %mul3A_1614 {strides = array<i32>} : memref<2048xf32, #tpu.memory_space<vmem>>, vector<16xf32>,
      %get3A_1617 = arith.constant 1296 : index
      %get3A_1618 = tpu.vector_load %arg7[%get3A_1617] {strides = array<i32>} : memref<2048xf32, #tpu.memory_space<vmem>>, vector<16xf32>,
      %get3A_1619 = arith.constant 10 : i32
      %get3A_1620 = arith.index_cast %get3A_1619 : i32 to index
      %get3A_1621 = arith.constant 16 : index
      %get3A_1622 = tpu.vector_load %arg8[%get3A_1620, %get3A_1621] {strides = array<i32>} : memref<16x128xf32, #tpu.memory_space<vmem>>, vector<16xf32>,
      %mul3A_1623 = arith.mulf %get3A_1618, %get3A_1622 : vector<16xf32>
      %swap3A_1624 = arith.constant 1296 : index
      %swap3A_1625 = tpu.vector_load %arg9[%swap3A_1624] {strides = array<i32>} : memref<2048xf32, #tpu.memory_space<vmem>>, vector<16xf32>,
      tpu.vector_store %arg9[%swap3A_1624], %mul3A_1623 {strides = array<i32>} : memref<2048xf32, #tpu.memory_space<vmem>>, vector<16xf32>,
      %gt3A_1626 = arith.cmpf ogt, %mul3A_1623, %mul3A_1614 : vector<16xf32>
      %add3A_1627 = arith.constant 16 : i32
      %add3A_1628 = vector.broadcast %add3A_1627 : i32 to vector<16xi32>
      %add3A_1629 = arith.addi %add3A_1628, %iota3A : vector<16xi32>
      %select_n3A_1630 = arith.select %gt3A_1626, %add3A_1629, %iota3A : vector<16xi1>, vector<16xi32>
      %select_n3A_1631 = arith.select %gt3A_1626, %mul3A_1623, %mul3A_1614 : vector<16xi1>, vector<16xf32>
      %get3A_1632 = arith.constant 1312 : index
      %get3A_1633 = tpu.vector_load %arg7[%get3A_1632] {strides = array<i32>} : memref<2048xf32, #tpu.memory_space<vmem>>, vector<16xf32>,
      %get3A_1634 = arith.constant 10 : i32
      %get3A_1635 = arith.index_cast %get3A_1634 : i32 to index
      %get3A_1636 = arith.constant 32 : index
      %get3A_1637 = tpu.vector_load %arg8[%get3A_1635, %get3A_1636] {strides = array<i32>} : memref<16x128xf32, #tpu.memory_space<vmem>>, vector<16xf32>,
      %mul3A_1638 = arith.mulf %get3A_1633, %get3A_1637 : vector<16xf32>
      %swap3A_1639 = arith.constant 1312 : index
      %swap3A_1640 = tpu.vector_load %arg9[%swap3A_1639] {strides = array<i32>} : memref<2048xf32, #tpu.memory_space<vmem>>, vector<16xf32>,
      tpu.vector_store %arg9[%swap3A_1639], %mul3A_1638 {strides = array<i32>} : memref<2048xf32, #tpu.memory_space<vmem>>, vector<16xf32>,
      %gt3A_1641 = arith.cmpf ogt, %mul3A_1638, %select_n3A_1631 : vector<16xf32>
      %add3A_1642 = arith.constant 32 : i32
      %add3A_1643 = vector.broadcast %add3A_1642 : i32 to vector<16xi32>
      %add3A_1644 = arith.addi %add3A_1643, %iota3A : vector<16xi32>
      %select_n3A_1645 = arith.select %gt3A_1641, %add3A_1644, %select_n3A_1630 : vector<16xi1>, vector<16xi32>
      %select_n3A_1646 = arith.select %gt3A_1641, %mul3A_1638, %select_n3A_1631 : vector<16xi1>, vector<16xf32>
      %get3A_1647 = arith.constant 1328 : index
      %get3A_1648 = tpu.vector_load %arg7[%get3A_1647] {strides = array<i32>} : memref<2048xf32, #tpu.memory_space<vmem>>, vector<16xf32>,
      %get3A_1649 = arith.constant 10 : i32
      %get3A_1650 = arith.index_cast %get3A_1649 : i32 to index
      %get3A_1651 = arith.constant 48 : index
      %get3A_1652 = tpu.vector_load %arg8[%get3A_1650, %get3A_1651] {strides = array<i32>} : memref<16x128xf32, #tpu.memory_space<vmem>>, vector<16xf32>,
      %mul3A_1653 = arith.mulf %get3A_1648, %get3A_1652 : vector<16xf32>
      %swap3A_1654 = arith.constant 1328 : index
      %swap3A_1655 = tpu.vector_load %arg9[%swap3A_1654] {strides = array<i32>} : memref<2048xf32, #tpu.memory_space<vmem>>, vector<16xf32>,
      tpu.vector_store %arg9[%swap3A_1654], %mul3A_1653 {strides = array<i32>} : memref<2048xf32, #tpu.memory_space<vmem>>, vector<16xf32>,
      %gt3A_1656 = arith.cmpf ogt, %mul3A_1653, %select_n3A_1646 : vector<16xf32>
      %add3A_1657 = arith.constant 48 : i32
      %add3A_1658 = vector.broadcast %add3A_1657 : i32 to vector<16xi32>
      %add3A_1659 = arith.addi %add3A_1658, %iota3A : vector<16xi32>
      %select_n3A_1660 = arith.select %gt3A_1656, %add3A_1659, %select_n3A_1645 : vector<16xi1>, vector<16xi32>
      %select_n3A_1661 = arith.select %gt3A_1656, %mul3A_1653, %select_n3A_1646 : vector<16xi1>, vector<16xf32>
      %get3A_1662 = arith.constant 1344 : index
      %get3A_1663 = tpu.vector_load %arg7[%get3A_1662] {strides = array<i32>} : memref<2048xf32, #tpu.memory_space<vmem>>, vector<16xf32>,
      %get3A_1664 = arith.constant 10 : i32
      %get3A_1665 = arith.index_cast %get3A_1664 : i32 to index
      %get3A_1666 = arith.constant 64 : index
      %get3A_1667 = tpu.vector_load %arg8[%get3A_1665, %get3A_1666] {strides = array<i32>} : memref<16x128xf32, #tpu.memory_space<vmem>>, vector<16xf32>,
      %mul3A_1668 = arith.mulf %get3A_1663, %get3A_1667 : vector<16xf32>
      %swap3A_1669 = arith.constant 1344 : index
      %swap3A_1670 = tpu.vector_load %arg9[%swap3A_1669] {strides = array<i32>} : memref<2048xf32, #tpu.memory_space<vmem>>, vector<16xf32>,
      tpu.vector_store %arg9[%swap3A_1669], %mul3A_1668 {strides = array<i32>} : memref<2048xf32, #tpu.memory_space<vmem>>, vector<16xf32>,
      %gt3A_1671 = arith.cmpf ogt, %mul3A_1668, %select_n3A_1661 : vector<16xf32>
      %add3A_1672 = arith.constant 64 : i32
      %add3A_1673 = vector.broadcast %add3A_1672 : i32 to vector<16xi32>
      %add3A_1674 = arith.addi %add3A_1673, %iota3A : vector<16xi32>
      %select_n3A_1675 = arith.select %gt3A_1671, %add3A_1674, %select_n3A_1660 : vector<16xi1>, vector<16xi32>
      %select_n3A_1676 = arith.select %gt3A_1671, %mul3A_1668, %select_n3A_1661 : vector<16xi1>, vector<16xf32>
      %get3A_1677 = arith.constant 1360 : index
      %get3A_1678 = tpu.vector_load %arg7[%get3A_1677] {strides = array<i32>} : memref<2048xf32, #tpu.memory_space<vmem>>, vector<16xf32>,
      %get3A_1679 = arith.constant 10 : i32
      %get3A_1680 = arith.index_cast %get3A_1679 : i32 to index
      %get3A_1681 = arith.constant 80 : index
      %get3A_1682 = tpu.vector_load %arg8[%get3A_1680, %get3A_1681] {strides = array<i32>} : memref<16x128xf32, #tpu.memory_space<vmem>>, vector<16xf32>,
      %mul3A_1683 = arith.mulf %get3A_1678, %get3A_1682 : vector<16xf32>
      %swap3A_1684 = arith.constant 1360 : index
      %swap3A_1685 = tpu.vector_load %arg9[%swap3A_1684] {strides = array<i32>} : memref<2048xf32, #tpu.memory_space<vmem>>, vector<16xf32>,
      tpu.vector_store %arg9[%swap3A_1684], %mul3A_1683 {strides = array<i32>} : memref<2048xf32, #tpu.memory_space<vmem>>, vector<16xf32>,
      %gt3A_1686 = arith.cmpf ogt, %mul3A_1683, %select_n3A_1676 : vector<16xf32>
      %add3A_1687 = arith.constant 80 : i32
      %add3A_1688 = vector.broadcast %add3A_1687 : i32 to vector<16xi32>
      %add3A_1689 = arith.addi %add3A_1688, %iota3A : vector<16xi32>
      %select_n3A_1690 = arith.select %gt3A_1686, %add3A_1689, %select_n3A_1675 : vector<16xi1>, vector<16xi32>
      %select_n3A_1691 = arith.select %gt3A_1686, %mul3A_1683, %select_n3A_1676 : vector<16xi1>, vector<16xf32>
      %get3A_1692 = arith.constant 1376 : index
      %get3A_1693 = tpu.vector_load %arg7[%get3A_1692] {strides = array<i32>} : memref<2048xf32, #tpu.memory_space<vmem>>, vector<16xf32>,
      %get3A_1694 = arith.constant 10 : i32
      %get3A_1695 = arith.index_cast %get3A_1694 : i32 to index
      %get3A_1696 = arith.constant 96 : index
      %get3A_1697 = tpu.vector_load %arg8[%get3A_1695, %get3A_1696] {strides = array<i32>} : memref<16x128xf32, #tpu.memory_space<vmem>>, vector<16xf32>,
      %mul3A_1698 = arith.mulf %get3A_1693, %get3A_1697 : vector<16xf32>
      %swap3A_1699 = arith.constant 1376 : index
      %swap3A_1700 = tpu.vector_load %arg9[%swap3A_1699] {strides = array<i32>} : memref<2048xf32, #tpu.memory_space<vmem>>, vector<16xf32>,
      tpu.vector_store %arg9[%swap3A_1699], %mul3A_1698 {strides = array<i32>} : memref<2048xf32, #tpu.memory_space<vmem>>, vector<16xf32>,
      %gt3A_1701 = arith.cmpf ogt, %mul3A_1698, %select_n3A_1691 : vector<16xf32>
      %add3A_1702 = arith.constant 96 : i32
      %add3A_1703 = vector.broadcast %add3A_1702 : i32 to vector<16xi32>
      %add3A_1704 = arith.addi %add3A_1703, %iota3A : vector<16xi32>
      %select_n3A_1705 = arith.select %gt3A_1701, %add3A_1704, %select_n3A_1690 : vector<16xi1>, vector<16xi32>
      %select_n3A_1706 = arith.select %gt3A_1701, %mul3A_1698, %select_n3A_1691 : vector<16xi1>, vector<16xf32>
      %get3A_1707 = arith.constant 1392 : index
      %get3A_1708 = tpu.vector_load %arg7[%get3A_1707] {strides = array<i32>} : memref<2048xf32, #tpu.memory_space<vmem>>, vector<16xf32>,
      %get3A_1709 = arith.constant 10 : i32
      %get3A_1710 = arith.index_cast %get3A_1709 : i32 to index
      %get3A_1711 = arith.constant 112 : index
      %get3A_1712 = tpu.vector_load %arg8[%get3A_1710, %get3A_1711] {strides = array<i32>} : memref<16x128xf32, #tpu.memory_space<vmem>>, vector<16xf32>,
      %mul3A_1713 = arith.mulf %get3A_1708, %get3A_1712 : vector<16xf32>
      %swap3A_1714 = arith.constant 1392 : index
      %swap3A_1715 = tpu.vector_load %arg9[%swap3A_1714] {strides = array<i32>} : memref<2048xf32, #tpu.memory_space<vmem>>, vector<16xf32>,
      tpu.vector_store %arg9[%swap3A_1714], %mul3A_1713 {strides = array<i32>} : memref<2048xf32, #tpu.memory_space<vmem>>, vector<16xf32>,
      %gt3A_1716 = arith.cmpf ogt, %mul3A_1713, %select_n3A_1706 : vector<16xf32>
      %add3A_1717 = arith.constant 112 : i32
      %add3A_1718 = vector.broadcast %add3A_1717 : i32 to vector<16xi32>
      %add3A_1719 = arith.addi %add3A_1718, %iota3A : vector<16xi32>
      %select_n3A_1720 = arith.select %gt3A_1716, %add3A_1719, %select_n3A_1705 : vector<16xi1>, vector<16xi32>
      %select_n3A_1721 = arith.select %gt3A_1716, %mul3A_1713, %select_n3A_1706 : vector<16xi1>, vector<16xf32>
      %reduce_max3A_1722 = arith.constant true
      %reduce_max3A_1723 = vector.broadcast %reduce_max3A_1722 : i1 to vector<16xi1>
      %reduce_max3A_1724 = tpu.scan <max>, %select_n3A_1721 masked %reduce_max3A_1723 : vector<16xf32>, vector<16xi1> -> vector<16xf32>
      %reduce_max3A_1725 = vector.extract %reduce_max3A_1724[15] : f32 from vector<16xf32>
      %eq3A_1726 = vector.broadcast %reduce_max3A_1725 : f32 to vector<16xf32>
      %eq3A_1727 = arith.cmpf oeq, %select_n3A_1721, %eq3A_1726 : vector<16xf32>
      %jit3A_1728 = arith.constant 2048 : i32
      %broadcast_in_dim3A_1729 = vector.broadcast %jit3A_1728 : i32 to vector<16xi32>
      %select_n3A_1730 = arith.select %eq3A_1727, %select_n3A_1720, %broadcast_in_dim3A_1729 : vector<16xi1>, vector<16xi32>
      %reduce_min3A_1731 = arith.constant true
      %reduce_min3A_1732 = vector.broadcast %reduce_min3A_1731 : i1 to vector<16xi1>
      %reduce_min3A_1733 = arith.constant -2147483648 : i32
      %reduce_min3A_1734 = vector.broadcast %reduce_min3A_1733 : i32 to vector<16xi32>
      %reduce_min3A_1735 = arith.xori %select_n3A_1730, %reduce_min3A_1734 : vector<16xi32>
      %reduce_min3A_1736 = tpu.scan <min>, %reduce_min3A_1735 masked %reduce_min3A_1732 : vector<16xi32>, vector<16xi1> -> vector<16xi32>
      %reduce_min3A_1737 = arith.xori %reduce_min3A_1736, %reduce_min3A_1734 : vector<16xi32>
      %reduce_min3A_1738 = vector.extract %reduce_min3A_1737[15] : i32 from vector<16xi32>
      %get3A_1739 = arith.constant 1408 : index
      %get3A_1740 = tpu.vector_load %arg7[%get3A_1739] {strides = array<i32>} : memref<2048xf32, #tpu.memory_space<vmem>>, vector<16xf32>,
      %get3A_1741 = arith.constant 11 : i32
      %get3A_1742 = arith.index_cast %get3A_1741 : i32 to index
      %get3A_1743 = arith.constant 0 : index
      %get3A_1744 = tpu.vector_load %arg8[%get3A_1742, %get3A_1743] {strides = array<i32>} : memref<16x128xf32, #tpu.memory_space<vmem>>, vector<16xf32>,
      %eq3A_1745 = arith.constant 0 : i32
      %eq3A_1746 = vector.broadcast %eq3A_1745 : i32 to vector<16xi32>
      %eq3A_1747 = arith.cmpi eq, %iota3A, %eq3A_1746 : vector<16xi32>
      %jit3A_1748 = arith.constant 0.000000e+00 : f32
      %broadcast_in_dim3A_1749 = vector.broadcast %jit3A_1748 : f32 to vector<16xf32>
      %select_n3A_1750 = arith.select %eq3A_1747, %broadcast_in_dim3A_1749, %get3A_1744 : vector<16xi1>, vector<16xf32>
      %mul3A_1751 = arith.mulf %get3A_1740, %select_n3A_1750 : vector<16xf32>
      %swap3A_1752 = arith.constant 1408 : index
      %swap3A_1753 = tpu.vector_load %arg9[%swap3A_1752] {strides = array<i32>} : memref<2048xf32, #tpu.memory_space<vmem>>, vector<16xf32>,
      tpu.vector_store %arg9[%swap3A_1752], %mul3A_1751 {strides = array<i32>} : memref<2048xf32, #tpu.memory_space<vmem>>, vector<16xf32>,
      %get3A_1754 = arith.constant 1424 : index
      %get3A_1755 = tpu.vector_load %arg7[%get3A_1754] {strides = array<i32>} : memref<2048xf32, #tpu.memory_space<vmem>>, vector<16xf32>,
      %get3A_1756 = arith.constant 11 : i32
      %get3A_1757 = arith.index_cast %get3A_1756 : i32 to index
      %get3A_1758 = arith.constant 16 : index
      %get3A_1759 = tpu.vector_load %arg8[%get3A_1757, %get3A_1758] {strides = array<i32>} : memref<16x128xf32, #tpu.memory_space<vmem>>, vector<16xf32>,
      %mul3A_1760 = arith.mulf %get3A_1755, %get3A_1759 : vector<16xf32>
      %swap3A_1761 = arith.constant 1424 : index
      %swap3A_1762 = tpu.vector_load %arg9[%swap3A_1761] {strides = array<i32>} : memref<2048xf32, #tpu.memory_space<vmem>>, vector<16xf32>,
      tpu.vector_store %arg9[%swap3A_1761], %mul3A_1760 {strides = array<i32>} : memref<2048xf32, #tpu.memory_space<vmem>>, vector<16xf32>,
      %gt3A_1763 = arith.cmpf ogt, %mul3A_1760, %mul3A_1751 : vector<16xf32>
      %add3A_1764 = arith.constant 16 : i32
      %add3A_1765 = vector.broadcast %add3A_1764 : i32 to vector<16xi32>
      %add3A_1766 = arith.addi %add3A_1765, %iota3A : vector<16xi32>
      %select_n3A_1767 = arith.select %gt3A_1763, %add3A_1766, %iota3A : vector<16xi1>, vector<16xi32>
      %select_n3A_1768 = arith.select %gt3A_1763, %mul3A_1760, %mul3A_1751 : vector<16xi1>, vector<16xf32>
      %get3A_1769 = arith.constant 1440 : index
      %get3A_1770 = tpu.vector_load %arg7[%get3A_1769] {strides = array<i32>} : memref<2048xf32, #tpu.memory_space<vmem>>, vector<16xf32>,
      %get3A_1771 = arith.constant 11 : i32
      %get3A_1772 = arith.index_cast %get3A_1771 : i32 to index
      %get3A_1773 = arith.constant 32 : index
      %get3A_1774 = tpu.vector_load %arg8[%get3A_1772, %get3A_1773] {strides = array<i32>} : memref<16x128xf32, #tpu.memory_space<vmem>>, vector<16xf32>,
      %mul3A_1775 = arith.mulf %get3A_1770, %get3A_1774 : vector<16xf32>
      %swap3A_1776 = arith.constant 1440 : index
      %swap3A_1777 = tpu.vector_load %arg9[%swap3A_1776] {strides = array<i32>} : memref<2048xf32, #tpu.memory_space<vmem>>, vector<16xf32>,
      tpu.vector_store %arg9[%swap3A_1776], %mul3A_1775 {strides = array<i32>} : memref<2048xf32, #tpu.memory_space<vmem>>, vector<16xf32>,
      %gt3A_1778 = arith.cmpf ogt, %mul3A_1775, %select_n3A_1768 : vector<16xf32>
      %add3A_1779 = arith.constant 32 : i32
      %add3A_1780 = vector.broadcast %add3A_1779 : i32 to vector<16xi32>
      %add3A_1781 = arith.addi %add3A_1780, %iota3A : vector<16xi32>
      %select_n3A_1782 = arith.select %gt3A_1778, %add3A_1781, %select_n3A_1767 : vector<16xi1>, vector<16xi32>
      %select_n3A_1783 = arith.select %gt3A_1778, %mul3A_1775, %select_n3A_1768 : vector<16xi1>, vector<16xf32>
      %get3A_1784 = arith.constant 1456 : index
      %get3A_1785 = tpu.vector_load %arg7[%get3A_1784] {strides = array<i32>} : memref<2048xf32, #tpu.memory_space<vmem>>, vector<16xf32>,
      %get3A_1786 = arith.constant 11 : i32
      %get3A_1787 = arith.index_cast %get3A_1786 : i32 to index
      %get3A_1788 = arith.constant 48 : index
      %get3A_1789 = tpu.vector_load %arg8[%get3A_1787, %get3A_1788] {strides = array<i32>} : memref<16x128xf32, #tpu.memory_space<vmem>>, vector<16xf32>,
      %mul3A_1790 = arith.mulf %get3A_1785, %get3A_1789 : vector<16xf32>
      %swap3A_1791 = arith.constant 1456 : index
      %swap3A_1792 = tpu.vector_load %arg9[%swap3A_1791] {strides = array<i32>} : memref<2048xf32, #tpu.memory_space<vmem>>, vector<16xf32>,
      tpu.vector_store %arg9[%swap3A_1791], %mul3A_1790 {strides = array<i32>} : memref<2048xf32, #tpu.memory_space<vmem>>, vector<16xf32>,
      %gt3A_1793 = arith.cmpf ogt, %mul3A_1790, %select_n3A_1783 : vector<16xf32>
      %add3A_1794 = arith.constant 48 : i32
      %add3A_1795 = vector.broadcast %add3A_1794 : i32 to vector<16xi32>
      %add3A_1796 = arith.addi %add3A_1795, %iota3A : vector<16xi32>
      %select_n3A_1797 = arith.select %gt3A_1793, %add3A_1796, %select_n3A_1782 : vector<16xi1>, vector<16xi32>
      %select_n3A_1798 = arith.select %gt3A_1793, %mul3A_1790, %select_n3A_1783 : vector<16xi1>, vector<16xf32>
      %get3A_1799 = arith.constant 1472 : index
      %get3A_1800 = tpu.vector_load %arg7[%get3A_1799] {strides = array<i32>} : memref<2048xf32, #tpu.memory_space<vmem>>, vector<16xf32>,
      %get3A_1801 = arith.constant 11 : i32
      %get3A_1802 = arith.index_cast %get3A_1801 : i32 to index
      %get3A_1803 = arith.constant 64 : index
      %get3A_1804 = tpu.vector_load %arg8[%get3A_1802, %get3A_1803] {strides = array<i32>} : memref<16x128xf32, #tpu.memory_space<vmem>>, vector<16xf32>,
      %mul3A_1805 = arith.mulf %get3A_1800, %get3A_1804 : vector<16xf32>
      %swap3A_1806 = arith.constant 1472 : index
      %swap3A_1807 = tpu.vector_load %arg9[%swap3A_1806] {strides = array<i32>} : memref<2048xf32, #tpu.memory_space<vmem>>, vector<16xf32>,
      tpu.vector_store %arg9[%swap3A_1806], %mul3A_1805 {strides = array<i32>} : memref<2048xf32, #tpu.memory_space<vmem>>, vector<16xf32>,
      %gt3A_1808 = arith.cmpf ogt, %mul3A_1805, %select_n3A_1798 : vector<16xf32>
      %add3A_1809 = arith.constant 64 : i32
      %add3A_1810 = vector.broadcast %add3A_1809 : i32 to vector<16xi32>
      %add3A_1811 = arith.addi %add3A_1810, %iota3A : vector<16xi32>
      %select_n3A_1812 = arith.select %gt3A_1808, %add3A_1811, %select_n3A_1797 : vector<16xi1>, vector<16xi32>
      %select_n3A_1813 = arith.select %gt3A_1808, %mul3A_1805, %select_n3A_1798 : vector<16xi1>, vector<16xf32>
      %get3A_1814 = arith.constant 1488 : index
      %get3A_1815 = tpu.vector_load %arg7[%get3A_1814] {strides = array<i32>} : memref<2048xf32, #tpu.memory_space<vmem>>, vector<16xf32>,
      %get3A_1816 = arith.constant 11 : i32
      %get3A_1817 = arith.index_cast %get3A_1816 : i32 to index
      %get3A_1818 = arith.constant 80 : index
      %get3A_1819 = tpu.vector_load %arg8[%get3A_1817, %get3A_1818] {strides = array<i32>} : memref<16x128xf32, #tpu.memory_space<vmem>>, vector<16xf32>,
      %mul3A_1820 = arith.mulf %get3A_1815, %get3A_1819 : vector<16xf32>
      %swap3A_1821 = arith.constant 1488 : index
      %swap3A_1822 = tpu.vector_load %arg9[%swap3A_1821] {strides = array<i32>} : memref<2048xf32, #tpu.memory_space<vmem>>, vector<16xf32>,
      tpu.vector_store %arg9[%swap3A_1821], %mul3A_1820 {strides = array<i32>} : memref<2048xf32, #tpu.memory_space<vmem>>, vector<16xf32>,
      %gt3A_1823 = arith.cmpf ogt, %mul3A_1820, %select_n3A_1813 : vector<16xf32>
      %add3A_1824 = arith.constant 80 : i32
      %add3A_1825 = vector.broadcast %add3A_1824 : i32 to vector<16xi32>
      %add3A_1826 = arith.addi %add3A_1825, %iota3A : vector<16xi32>
      %select_n3A_1827 = arith.select %gt3A_1823, %add3A_1826, %select_n3A_1812 : vector<16xi1>, vector<16xi32>
      %select_n3A_1828 = arith.select %gt3A_1823, %mul3A_1820, %select_n3A_1813 : vector<16xi1>, vector<16xf32>
      %get3A_1829 = arith.constant 1504 : index
      %get3A_1830 = tpu.vector_load %arg7[%get3A_1829] {strides = array<i32>} : memref<2048xf32, #tpu.memory_space<vmem>>, vector<16xf32>,
      %get3A_1831 = arith.constant 11 : i32
      %get3A_1832 = arith.index_cast %get3A_1831 : i32 to index
      %get3A_1833 = arith.constant 96 : index
      %get3A_1834 = tpu.vector_load %arg8[%get3A_1832, %get3A_1833] {strides = array<i32>} : memref<16x128xf32, #tpu.memory_space<vmem>>, vector<16xf32>,
      %mul3A_1835 = arith.mulf %get3A_1830, %get3A_1834 : vector<16xf32>
      %swap3A_1836 = arith.constant 1504 : index
      %swap3A_1837 = tpu.vector_load %arg9[%swap3A_1836] {strides = array<i32>} : memref<2048xf32, #tpu.memory_space<vmem>>, vector<16xf32>,
      tpu.vector_store %arg9[%swap3A_1836], %mul3A_1835 {strides = array<i32>} : memref<2048xf32, #tpu.memory_space<vmem>>, vector<16xf32>,
      %gt3A_1838 = arith.cmpf ogt, %mul3A_1835, %select_n3A_1828 : vector<16xf32>
      %add3A_1839 = arith.constant 96 : i32
      %add3A_1840 = vector.broadcast %add3A_1839 : i32 to vector<16xi32>
      %add3A_1841 = arith.addi %add3A_1840, %iota3A : vector<16xi32>
      %select_n3A_1842 = arith.select %gt3A_1838, %add3A_1841, %select_n3A_1827 : vector<16xi1>, vector<16xi32>
      %select_n3A_1843 = arith.select %gt3A_1838, %mul3A_1835, %select_n3A_1828 : vector<16xi1>, vector<16xf32>
      %get3A_1844 = arith.constant 1520 : index
      %get3A_1845 = tpu.vector_load %arg7[%get3A_1844] {strides = array<i32>} : memref<2048xf32, #tpu.memory_space<vmem>>, vector<16xf32>,
      %get3A_1846 = arith.constant 11 : i32
      %get3A_1847 = arith.index_cast %get3A_1846 : i32 to index
      %get3A_1848 = arith.constant 112 : index
      %get3A_1849 = tpu.vector_load %arg8[%get3A_1847, %get3A_1848] {strides = array<i32>} : memref<16x128xf32, #tpu.memory_space<vmem>>, vector<16xf32>,
      %mul3A_1850 = arith.mulf %get3A_1845, %get3A_1849 : vector<16xf32>
      %swap3A_1851 = arith.constant 1520 : index
      %swap3A_1852 = tpu.vector_load %arg9[%swap3A_1851] {strides = array<i32>} : memref<2048xf32, #tpu.memory_space<vmem>>, vector<16xf32>,
      tpu.vector_store %arg9[%swap3A_1851], %mul3A_1850 {strides = array<i32>} : memref<2048xf32, #tpu.memory_space<vmem>>, vector<16xf32>,
      %gt3A_1853 = arith.cmpf ogt, %mul3A_1850, %select_n3A_1843 : vector<16xf32>
      %add3A_1854 = arith.constant 112 : i32
      %add3A_1855 = vector.broadcast %add3A_1854 : i32 to vector<16xi32>
      %add3A_1856 = arith.addi %add3A_1855, %iota3A : vector<16xi32>
      %select_n3A_1857 = arith.select %gt3A_1853, %add3A_1856, %select_n3A_1842 : vector<16xi1>, vector<16xi32>
      %select_n3A_1858 = arith.select %gt3A_1853, %mul3A_1850, %select_n3A_1843 : vector<16xi1>, vector<16xf32>
      %reduce_max3A_1859 = arith.constant true
      %reduce_max3A_1860 = vector.broadcast %reduce_max3A_1859 : i1 to vector<16xi1>
      %reduce_max3A_1861 = tpu.scan <max>, %select_n3A_1858 masked %reduce_max3A_1860 : vector<16xf32>, vector<16xi1> -> vector<16xf32>
      %reduce_max3A_1862 = vector.extract %reduce_max3A_1861[15] : f32 from vector<16xf32>
      %eq3A_1863 = vector.broadcast %reduce_max3A_1862 : f32 to vector<16xf32>
      %eq3A_1864 = arith.cmpf oeq, %select_n3A_1858, %eq3A_1863 : vector<16xf32>
      %jit3A_1865 = arith.constant 2048 : i32
      %broadcast_in_dim3A_1866 = vector.broadcast %jit3A_1865 : i32 to vector<16xi32>
      %select_n3A_1867 = arith.select %eq3A_1864, %select_n3A_1857, %broadcast_in_dim3A_1866 : vector<16xi1>, vector<16xi32>
      %reduce_min3A_1868 = arith.constant true
      %reduce_min3A_1869 = vector.broadcast %reduce_min3A_1868 : i1 to vector<16xi1>
      %reduce_min3A_1870 = arith.constant -2147483648 : i32
      %reduce_min3A_1871 = vector.broadcast %reduce_min3A_1870 : i32 to vector<16xi32>
      %reduce_min3A_1872 = arith.xori %select_n3A_1867, %reduce_min3A_1871 : vector<16xi32>
      %reduce_min3A_1873 = tpu.scan <min>, %reduce_min3A_1872 masked %reduce_min3A_1869 : vector<16xi32>, vector<16xi1> -> vector<16xi32>
      %reduce_min3A_1874 = arith.xori %reduce_min3A_1873, %reduce_min3A_1871 : vector<16xi32>
      %reduce_min3A_1875 = vector.extract %reduce_min3A_1874[15] : i32 from vector<16xi32>
      %get3A_1876 = arith.constant 1536 : index
      %get3A_1877 = tpu.vector_load %arg7[%get3A_1876] {strides = array<i32>} : memref<2048xf32, #tpu.memory_space<vmem>>, vector<16xf32>,
      %get3A_1878 = arith.constant 12 : i32
      %get3A_1879 = arith.index_cast %get3A_1878 : i32 to index
      %get3A_1880 = arith.constant 0 : index
      %get3A_1881 = tpu.vector_load %arg8[%get3A_1879, %get3A_1880] {strides = array<i32>} : memref<16x128xf32, #tpu.memory_space<vmem>>, vector<16xf32>,
      %eq3A_1882 = arith.constant 1 : i32
      %eq3A_1883 = vector.broadcast %eq3A_1882 : i32 to vector<16xi32>
      %eq3A_1884 = arith.cmpi eq, %iota3A, %eq3A_1883 : vector<16xi32>
      %jit3A_1885 = arith.constant 0.000000e+00 : f32
      %broadcast_in_dim3A_1886 = vector.broadcast %jit3A_1885 : f32 to vector<16xf32>
      %select_n3A_1887 = arith.select %eq3A_1884, %broadcast_in_dim3A_1886, %get3A_1881 : vector<16xi1>, vector<16xf32>
      %mul3A_1888 = arith.mulf %get3A_1877, %select_n3A_1887 : vector<16xf32>
      %swap3A_1889 = arith.constant 1536 : index
      %swap3A_1890 = tpu.vector_load %arg9[%swap3A_1889] {strides = array<i32>} : memref<2048xf32, #tpu.memory_space<vmem>>, vector<16xf32>,
      tpu.vector_store %arg9[%swap3A_1889], %mul3A_1888 {strides = array<i32>} : memref<2048xf32, #tpu.memory_space<vmem>>, vector<16xf32>,
      %get3A_1891 = arith.constant 1552 : index
      %get3A_1892 = tpu.vector_load %arg7[%get3A_1891] {strides = array<i32>} : memref<2048xf32, #tpu.memory_space<vmem>>, vector<16xf32>,
      %get3A_1893 = arith.constant 12 : i32
      %get3A_1894 = arith.index_cast %get3A_1893 : i32 to index
      %get3A_1895 = arith.constant 16 : index
      %get3A_1896 = tpu.vector_load %arg8[%get3A_1894, %get3A_1895] {strides = array<i32>} : memref<16x128xf32, #tpu.memory_space<vmem>>, vector<16xf32>,
      %mul3A_1897 = arith.mulf %get3A_1892, %get3A_1896 : vector<16xf32>
      %swap3A_1898 = arith.constant 1552 : index
      %swap3A_1899 = tpu.vector_load %arg9[%swap3A_1898] {strides = array<i32>} : memref<2048xf32, #tpu.memory_space<vmem>>, vector<16xf32>,
      tpu.vector_store %arg9[%swap3A_1898], %mul3A_1897 {strides = array<i32>} : memref<2048xf32, #tpu.memory_space<vmem>>, vector<16xf32>,
      %gt3A_1900 = arith.cmpf ogt, %mul3A_1897, %mul3A_1888 : vector<16xf32>
      %add3A_1901 = arith.constant 16 : i32
      %add3A_1902 = vector.broadcast %add3A_1901 : i32 to vector<16xi32>
      %add3A_1903 = arith.addi %add3A_1902, %iota3A : vector<16xi32>
      %select_n3A_1904 = arith.select %gt3A_1900, %add3A_1903, %iota3A : vector<16xi1>, vector<16xi32>
      %select_n3A_1905 = arith.select %gt3A_1900, %mul3A_1897, %mul3A_1888 : vector<16xi1>, vector<16xf32>
      %get3A_1906 = arith.constant 1568 : index
      %get3A_1907 = tpu.vector_load %arg7[%get3A_1906] {strides = array<i32>} : memref<2048xf32, #tpu.memory_space<vmem>>, vector<16xf32>,
      %get3A_1908 = arith.constant 12 : i32
      %get3A_1909 = arith.index_cast %get3A_1908 : i32 to index
      %get3A_1910 = arith.constant 32 : index
      %get3A_1911 = tpu.vector_load %arg8[%get3A_1909, %get3A_1910] {strides = array<i32>} : memref<16x128xf32, #tpu.memory_space<vmem>>, vector<16xf32>,
      %mul3A_1912 = arith.mulf %get3A_1907, %get3A_1911 : vector<16xf32>
      %swap3A_1913 = arith.constant 1568 : index
      %swap3A_1914 = tpu.vector_load %arg9[%swap3A_1913] {strides = array<i32>} : memref<2048xf32, #tpu.memory_space<vmem>>, vector<16xf32>,
      tpu.vector_store %arg9[%swap3A_1913], %mul3A_1912 {strides = array<i32>} : memref<2048xf32, #tpu.memory_space<vmem>>, vector<16xf32>,
      %gt3A_1915 = arith.cmpf ogt, %mul3A_1912, %select_n3A_1905 : vector<16xf32>
      %add3A_1916 = arith.constant 32 : i32
      %add3A_1917 = vector.broadcast %add3A_1916 : i32 to vector<16xi32>
      %add3A_1918 = arith.addi %add3A_1917, %iota3A : vector<16xi32>
      %select_n3A_1919 = arith.select %gt3A_1915, %add3A_1918, %select_n3A_1904 : vector<16xi1>, vector<16xi32>
      %select_n3A_1920 = arith.select %gt3A_1915, %mul3A_1912, %select_n3A_1905 : vector<16xi1>, vector<16xf32>
      %get3A_1921 = arith.constant 1584 : index
      %get3A_1922 = tpu.vector_load %arg7[%get3A_1921] {strides = array<i32>} : memref<2048xf32, #tpu.memory_space<vmem>>, vector<16xf32>,
      %get3A_1923 = arith.constant 12 : i32
      %get3A_1924 = arith.index_cast %get3A_1923 : i32 to index
      %get3A_1925 = arith.constant 48 : index
      %get3A_1926 = tpu.vector_load %arg8[%get3A_1924, %get3A_1925] {strides = array<i32>} : memref<16x128xf32, #tpu.memory_space<vmem>>, vector<16xf32>,
      %mul3A_1927 = arith.mulf %get3A_1922, %get3A_1926 : vector<16xf32>
      %swap3A_1928 = arith.constant 1584 : index
      %swap3A_1929 = tpu.vector_load %arg9[%swap3A_1928] {strides = array<i32>} : memref<2048xf32, #tpu.memory_space<vmem>>, vector<16xf32>,
      tpu.vector_store %arg9[%swap3A_1928], %mul3A_1927 {strides = array<i32>} : memref<2048xf32, #tpu.memory_space<vmem>>, vector<16xf32>,
      %gt3A_1930 = arith.cmpf ogt, %mul3A_1927, %select_n3A_1920 : vector<16xf32>
      %add3A_1931 = arith.constant 48 : i32
      %add3A_1932 = vector.broadcast %add3A_1931 : i32 to vector<16xi32>
      %add3A_1933 = arith.addi %add3A_1932, %iota3A : vector<16xi32>
      %select_n3A_1934 = arith.select %gt3A_1930, %add3A_1933, %select_n3A_1919 : vector<16xi1>, vector<16xi32>
      %select_n3A_1935 = arith.select %gt3A_1930, %mul3A_1927, %select_n3A_1920 : vector<16xi1>, vector<16xf32>
      %get3A_1936 = arith.constant 1600 : index
      %get3A_1937 = tpu.vector_load %arg7[%get3A_1936] {strides = array<i32>} : memref<2048xf32, #tpu.memory_space<vmem>>, vector<16xf32>,
      %get3A_1938 = arith.constant 12 : i32
      %get3A_1939 = arith.index_cast %get3A_1938 : i32 to index
      %get3A_1940 = arith.constant 64 : index
      %get3A_1941 = tpu.vector_load %arg8[%get3A_1939, %get3A_1940] {strides = array<i32>} : memref<16x128xf32, #tpu.memory_space<vmem>>, vector<16xf32>,
      %mul3A_1942 = arith.mulf %get3A_1937, %get3A_1941 : vector<16xf32>
      %swap3A_1943 = arith.constant 1600 : index
      %swap3A_1944 = tpu.vector_load %arg9[%swap3A_1943] {strides = array<i32>} : memref<2048xf32, #tpu.memory_space<vmem>>, vector<16xf32>,
      tpu.vector_store %arg9[%swap3A_1943], %mul3A_1942 {strides = array<i32>} : memref<2048xf32, #tpu.memory_space<vmem>>, vector<16xf32>,
      %gt3A_1945 = arith.cmpf ogt, %mul3A_1942, %select_n3A_1935 : vector<16xf32>
      %add3A_1946 = arith.constant 64 : i32
      %add3A_1947 = vector.broadcast %add3A_1946 : i32 to vector<16xi32>
      %add3A_1948 = arith.addi %add3A_1947, %iota3A : vector<16xi32>
      %select_n3A_1949 = arith.select %gt3A_1945, %add3A_1948, %select_n3A_1934 : vector<16xi1>, vector<16xi32>
      %select_n3A_1950 = arith.select %gt3A_1945, %mul3A_1942, %select_n3A_1935 : vector<16xi1>, vector<16xf32>
      %get3A_1951 = arith.constant 1616 : index
      %get3A_1952 = tpu.vector_load %arg7[%get3A_1951] {strides = array<i32>} : memref<2048xf32, #tpu.memory_space<vmem>>, vector<16xf32>,
      %get3A_1953 = arith.constant 12 : i32
      %get3A_1954 = arith.index_cast %get3A_1953 : i32 to index
      %get3A_1955 = arith.constant 80 : index
      %get3A_1956 = tpu.vector_load %arg8[%get3A_1954, %get3A_1955] {strides = array<i32>} : memref<16x128xf32, #tpu.memory_space<vmem>>, vector<16xf32>,
      %mul3A_1957 = arith.mulf %get3A_1952, %get3A_1956 : vector<16xf32>
      %swap3A_1958 = arith.constant 1616 : index
      %swap3A_1959 = tpu.vector_load %arg9[%swap3A_1958] {strides = array<i32>} : memref<2048xf32, #tpu.memory_space<vmem>>, vector<16xf32>,
      tpu.vector_store %arg9[%swap3A_1958], %mul3A_1957 {strides = array<i32>} : memref<2048xf32, #tpu.memory_space<vmem>>, vector<16xf32>,
      %gt3A_1960 = arith.cmpf ogt, %mul3A_1957, %select_n3A_1950 : vector<16xf32>
      %add3A_1961 = arith.constant 80 : i32
      %add3A_1962 = vector.broadcast %add3A_1961 : i32 to vector<16xi32>
      %add3A_1963 = arith.addi %add3A_1962, %iota3A : vector<16xi32>
      %select_n3A_1964 = arith.select %gt3A_1960, %add3A_1963, %select_n3A_1949 : vector<16xi1>, vector<16xi32>
      %select_n3A_1965 = arith.select %gt3A_1960, %mul3A_1957, %select_n3A_1950 : vector<16xi1>, vector<16xf32>
      %get3A_1966 = arith.constant 1632 : index
      %get3A_1967 = tpu.vector_load %arg7[%get3A_1966] {strides = array<i32>} : memref<2048xf32, #tpu.memory_space<vmem>>, vector<16xf32>,
      %get3A_1968 = arith.constant 12 : i32
      %get3A_1969 = arith.index_cast %get3A_1968 : i32 to index
      %get3A_1970 = arith.constant 96 : index
      %get3A_1971 = tpu.vector_load %arg8[%get3A_1969, %get3A_1970] {strides = array<i32>} : memref<16x128xf32, #tpu.memory_space<vmem>>, vector<16xf32>,
      %mul3A_1972 = arith.mulf %get3A_1967, %get3A_1971 : vector<16xf32>
      %swap3A_1973 = arith.constant 1632 : index
      %swap3A_1974 = tpu.vector_load %arg9[%swap3A_1973] {strides = array<i32>} : memref<2048xf32, #tpu.memory_space<vmem>>, vector<16xf32>,
      tpu.vector_store %arg9[%swap3A_1973], %mul3A_1972 {strides = array<i32>} : memref<2048xf32, #tpu.memory_space<vmem>>, vector<16xf32>,
      %gt3A_1975 = arith.cmpf ogt, %mul3A_1972, %select_n3A_1965 : vector<16xf32>
      %add3A_1976 = arith.constant 96 : i32
      %add3A_1977 = vector.broadcast %add3A_1976 : i32 to vector<16xi32>
      %add3A_1978 = arith.addi %add3A_1977, %iota3A : vector<16xi32>
      %select_n3A_1979 = arith.select %gt3A_1975, %add3A_1978, %select_n3A_1964 : vector<16xi1>, vector<16xi32>
      %select_n3A_1980 = arith.select %gt3A_1975, %mul3A_1972, %select_n3A_1965 : vector<16xi1>, vector<16xf32>
      %get3A_1981 = arith.constant 1648 : index
      %get3A_1982 = tpu.vector_load %arg7[%get3A_1981] {strides = array<i32>} : memref<2048xf32, #tpu.memory_space<vmem>>, vector<16xf32>,
      %get3A_1983 = arith.constant 12 : i32
      %get3A_1984 = arith.index_cast %get3A_1983 : i32 to index
      %get3A_1985 = arith.constant 112 : index
      %get3A_1986 = tpu.vector_load %arg8[%get3A_1984, %get3A_1985] {strides = array<i32>} : memref<16x128xf32, #tpu.memory_space<vmem>>, vector<16xf32>,
      %mul3A_1987 = arith.mulf %get3A_1982, %get3A_1986 : vector<16xf32>
      %swap3A_1988 = arith.constant 1648 : index
      %swap3A_1989 = tpu.vector_load %arg9[%swap3A_1988] {strides = array<i32>} : memref<2048xf32, #tpu.memory_space<vmem>>, vector<16xf32>,
      tpu.vector_store %arg9[%swap3A_1988], %mul3A_1987 {strides = array<i32>} : memref<2048xf32, #tpu.memory_space<vmem>>, vector<16xf32>,
      %gt3A_1990 = arith.cmpf ogt, %mul3A_1987, %select_n3A_1980 : vector<16xf32>
      %add3A_1991 = arith.constant 112 : i32
      %add3A_1992 = vector.broadcast %add3A_1991 : i32 to vector<16xi32>
      %add3A_1993 = arith.addi %add3A_1992, %iota3A : vector<16xi32>
      %select_n3A_1994 = arith.select %gt3A_1990, %add3A_1993, %select_n3A_1979 : vector<16xi1>, vector<16xi32>
      %select_n3A_1995 = arith.select %gt3A_1990, %mul3A_1987, %select_n3A_1980 : vector<16xi1>, vector<16xf32>
      %reduce_max3A_1996 = arith.constant true
      %reduce_max3A_1997 = vector.broadcast %reduce_max3A_1996 : i1 to vector<16xi1>
      %reduce_max3A_1998 = tpu.scan <max>, %select_n3A_1995 masked %reduce_max3A_1997 : vector<16xf32>, vector<16xi1> -> vector<16xf32>
      %reduce_max3A_1999 = vector.extract %reduce_max3A_1998[15] : f32 from vector<16xf32>
      %eq3A_2000 = vector.broadcast %reduce_max3A_1999 : f32 to vector<16xf32>
      %eq3A_2001 = arith.cmpf oeq, %select_n3A_1995, %eq3A_2000 : vector<16xf32>
      %jit3A_2002 = arith.constant 2048 : i32
      %broadcast_in_dim3A_2003 = vector.broadcast %jit3A_2002 : i32 to vector<16xi32>
      %select_n3A_2004 = arith.select %eq3A_2001, %select_n3A_1994, %broadcast_in_dim3A_2003 : vector<16xi1>, vector<16xi32>
      %reduce_min3A_2005 = arith.constant true
      %reduce_min3A_2006 = vector.broadcast %reduce_min3A_2005 : i1 to vector<16xi1>
      %reduce_min3A_2007 = arith.constant -2147483648 : i32
      %reduce_min3A_2008 = vector.broadcast %reduce_min3A_2007 : i32 to vector<16xi32>
      %reduce_min3A_2009 = arith.xori %select_n3A_2004, %reduce_min3A_2008 : vector<16xi32>
      %reduce_min3A_2010 = tpu.scan <min>, %reduce_min3A_2009 masked %reduce_min3A_2006 : vector<16xi32>, vector<16xi1> -> vector<16xi32>
      %reduce_min3A_2011 = arith.xori %reduce_min3A_2010, %reduce_min3A_2008 : vector<16xi32>
      %reduce_min3A_2012 = vector.extract %reduce_min3A_2011[15] : i32 from vector<16xi32>
      %get3A_2013 = arith.constant 1664 : index
      %get3A_2014 = tpu.vector_load %arg7[%get3A_2013] {strides = array<i32>} : memref<2048xf32, #tpu.memory_space<vmem>>, vector<16xf32>,
      %get3A_2015 = arith.constant 13 : i32
      %get3A_2016 = arith.index_cast %get3A_2015 : i32 to index
      %get3A_2017 = arith.constant 0 : index
      %get3A_2018 = tpu.vector_load %arg8[%get3A_2016, %get3A_2017] {strides = array<i32>} : memref<16x128xf32, #tpu.memory_space<vmem>>, vector<16xf32>,
      %eq3A_2019 = arith.constant 0 : i32
      %eq3A_2020 = vector.broadcast %eq3A_2019 : i32 to vector<16xi32>
      %eq3A_2021 = arith.cmpi eq, %iota3A, %eq3A_2020 : vector<16xi32>
      %jit3A_2022 = arith.constant 0.000000e+00 : f32
      %broadcast_in_dim3A_2023 = vector.broadcast %jit3A_2022 : f32 to vector<16xf32>
      %select_n3A_2024 = arith.select %eq3A_2021, %broadcast_in_dim3A_2023, %get3A_2018 : vector<16xi1>, vector<16xf32>
      %mul3A_2025 = arith.mulf %get3A_2014, %select_n3A_2024 : vector<16xf32>
      %swap3A_2026 = arith.constant 1664 : index
      %swap3A_2027 = tpu.vector_load %arg9[%swap3A_2026] {strides = array<i32>} : memref<2048xf32, #tpu.memory_space<vmem>>, vector<16xf32>,
      tpu.vector_store %arg9[%swap3A_2026], %mul3A_2025 {strides = array<i32>} : memref<2048xf32, #tpu.memory_space<vmem>>, vector<16xf32>,
      %get3A_2028 = arith.constant 1680 : index
      %get3A_2029 = tpu.vector_load %arg7[%get3A_2028] {strides = array<i32>} : memref<2048xf32, #tpu.memory_space<vmem>>, vector<16xf32>,
      %get3A_2030 = arith.constant 13 : i32
      %get3A_2031 = arith.index_cast %get3A_2030 : i32 to index
      %get3A_2032 = arith.constant 16 : index
      %get3A_2033 = tpu.vector_load %arg8[%get3A_2031, %get3A_2032] {strides = array<i32>} : memref<16x128xf32, #tpu.memory_space<vmem>>, vector<16xf32>,
      %mul3A_2034 = arith.mulf %get3A_2029, %get3A_2033 : vector<16xf32>
      %swap3A_2035 = arith.constant 1680 : index
      %swap3A_2036 = tpu.vector_load %arg9[%swap3A_2035] {strides = array<i32>} : memref<2048xf32, #tpu.memory_space<vmem>>, vector<16xf32>,
      tpu.vector_store %arg9[%swap3A_2035], %mul3A_2034 {strides = array<i32>} : memref<2048xf32, #tpu.memory_space<vmem>>, vector<16xf32>,
      %gt3A_2037 = arith.cmpf ogt, %mul3A_2034, %mul3A_2025 : vector<16xf32>
      %add3A_2038 = arith.constant 16 : i32
      %add3A_2039 = vector.broadcast %add3A_2038 : i32 to vector<16xi32>
      %add3A_2040 = arith.addi %add3A_2039, %iota3A : vector<16xi32>
      %select_n3A_2041 = arith.select %gt3A_2037, %add3A_2040, %iota3A : vector<16xi1>, vector<16xi32>
      %select_n3A_2042 = arith.select %gt3A_2037, %mul3A_2034, %mul3A_2025 : vector<16xi1>, vector<16xf32>
      %get3A_2043 = arith.constant 1696 : index
      %get3A_2044 = tpu.vector_load %arg7[%get3A_2043] {strides = array<i32>} : memref<2048xf32, #tpu.memory_space<vmem>>, vector<16xf32>,
      %get3A_2045 = arith.constant 13 : i32
      %get3A_2046 = arith.index_cast %get3A_2045 : i32 to index
      %get3A_2047 = arith.constant 32 : index
      %get3A_2048 = tpu.vector_load %arg8[%get3A_2046, %get3A_2047] {strides = array<i32>} : memref<16x128xf32, #tpu.memory_space<vmem>>, vector<16xf32>,
      %mul3A_2049 = arith.mulf %get3A_2044, %get3A_2048 : vector<16xf32>
      %swap3A_2050 = arith.constant 1696 : index
      %swap3A_2051 = tpu.vector_load %arg9[%swap3A_2050] {strides = array<i32>} : memref<2048xf32, #tpu.memory_space<vmem>>, vector<16xf32>,
      tpu.vector_store %arg9[%swap3A_2050], %mul3A_2049 {strides = array<i32>} : memref<2048xf32, #tpu.memory_space<vmem>>, vector<16xf32>,
      %gt3A_2052 = arith.cmpf ogt, %mul3A_2049, %select_n3A_2042 : vector<16xf32>
      %add3A_2053 = arith.constant 32 : i32
      %add3A_2054 = vector.broadcast %add3A_2053 : i32 to vector<16xi32>
      %add3A_2055 = arith.addi %add3A_2054, %iota3A : vector<16xi32>
      %select_n3A_2056 = arith.select %gt3A_2052, %add3A_2055, %select_n3A_2041 : vector<16xi1>, vector<16xi32>
      %select_n3A_2057 = arith.select %gt3A_2052, %mul3A_2049, %select_n3A_2042 : vector<16xi1>, vector<16xf32>
      %get3A_2058 = arith.constant 1712 : index
      %get3A_2059 = tpu.vector_load %arg7[%get3A_2058] {strides = array<i32>} : memref<2048xf32, #tpu.memory_space<vmem>>, vector<16xf32>,
      %get3A_2060 = arith.constant 13 : i32
      %get3A_2061 = arith.index_cast %get3A_2060 : i32 to index
      %get3A_2062 = arith.constant 48 : index
      %get3A_2063 = tpu.vector_load %arg8[%get3A_2061, %get3A_2062] {strides = array<i32>} : memref<16x128xf32, #tpu.memory_space<vmem>>, vector<16xf32>,
      %mul3A_2064 = arith.mulf %get3A_2059, %get3A_2063 : vector<16xf32>
      %swap3A_2065 = arith.constant 1712 : index
      %swap3A_2066 = tpu.vector_load %arg9[%swap3A_2065] {strides = array<i32>} : memref<2048xf32, #tpu.memory_space<vmem>>, vector<16xf32>,
      tpu.vector_store %arg9[%swap3A_2065], %mul3A_2064 {strides = array<i32>} : memref<2048xf32, #tpu.memory_space<vmem>>, vector<16xf32>,
      %gt3A_2067 = arith.cmpf ogt, %mul3A_2064, %select_n3A_2057 : vector<16xf32>
      %add3A_2068 = arith.constant 48 : i32
      %add3A_2069 = vector.broadcast %add3A_2068 : i32 to vector<16xi32>
      %add3A_2070 = arith.addi %add3A_2069, %iota3A : vector<16xi32>
      %select_n3A_2071 = arith.select %gt3A_2067, %add3A_2070, %select_n3A_2056 : vector<16xi1>, vector<16xi32>
      %select_n3A_2072 = arith.select %gt3A_2067, %mul3A_2064, %select_n3A_2057 : vector<16xi1>, vector<16xf32>
      %get3A_2073 = arith.constant 1728 : index
      %get3A_2074 = tpu.vector_load %arg7[%get3A_2073] {strides = array<i32>} : memref<2048xf32, #tpu.memory_space<vmem>>, vector<16xf32>,
      %get3A_2075 = arith.constant 13 : i32
      %get3A_2076 = arith.index_cast %get3A_2075 : i32 to index
      %get3A_2077 = arith.constant 64 : index
      %get3A_2078 = tpu.vector_load %arg8[%get3A_2076, %get3A_2077] {strides = array<i32>} : memref<16x128xf32, #tpu.memory_space<vmem>>, vector<16xf32>,
      %mul3A_2079 = arith.mulf %get3A_2074, %get3A_2078 : vector<16xf32>
      %swap3A_2080 = arith.constant 1728 : index
      %swap3A_2081 = tpu.vector_load %arg9[%swap3A_2080] {strides = array<i32>} : memref<2048xf32, #tpu.memory_space<vmem>>, vector<16xf32>,
      tpu.vector_store %arg9[%swap3A_2080], %mul3A_2079 {strides = array<i32>} : memref<2048xf32, #tpu.memory_space<vmem>>, vector<16xf32>,
      %gt3A_2082 = arith.cmpf ogt, %mul3A_2079, %select_n3A_2072 : vector<16xf32>
      %add3A_2083 = arith.constant 64 : i32
      %add3A_2084 = vector.broadcast %add3A_2083 : i32 to vector<16xi32>
      %add3A_2085 = arith.addi %add3A_2084, %iota3A : vector<16xi32>
      %select_n3A_2086 = arith.select %gt3A_2082, %add3A_2085, %select_n3A_2071 : vector<16xi1>, vector<16xi32>
      %select_n3A_2087 = arith.select %gt3A_2082, %mul3A_2079, %select_n3A_2072 : vector<16xi1>, vector<16xf32>
      %get3A_2088 = arith.constant 1744 : index
      %get3A_2089 = tpu.vector_load %arg7[%get3A_2088] {strides = array<i32>} : memref<2048xf32, #tpu.memory_space<vmem>>, vector<16xf32>,
      %get3A_2090 = arith.constant 13 : i32
      %get3A_2091 = arith.index_cast %get3A_2090 : i32 to index
      %get3A_2092 = arith.constant 80 : index
      %get3A_2093 = tpu.vector_load %arg8[%get3A_2091, %get3A_2092] {strides = array<i32>} : memref<16x128xf32, #tpu.memory_space<vmem>>, vector<16xf32>,
      %mul3A_2094 = arith.mulf %get3A_2089, %get3A_2093 : vector<16xf32>
      %swap3A_2095 = arith.constant 1744 : index
      %swap3A_2096 = tpu.vector_load %arg9[%swap3A_2095] {strides = array<i32>} : memref<2048xf32, #tpu.memory_space<vmem>>, vector<16xf32>,
      tpu.vector_store %arg9[%swap3A_2095], %mul3A_2094 {strides = array<i32>} : memref<2048xf32, #tpu.memory_space<vmem>>, vector<16xf32>,
      %gt3A_2097 = arith.cmpf ogt, %mul3A_2094, %select_n3A_2087 : vector<16xf32>
      %add3A_2098 = arith.constant 80 : i32
      %add3A_2099 = vector.broadcast %add3A_2098 : i32 to vector<16xi32>
      %add3A_2100 = arith.addi %add3A_2099, %iota3A : vector<16xi32>
      %select_n3A_2101 = arith.select %gt3A_2097, %add3A_2100, %select_n3A_2086 : vector<16xi1>, vector<16xi32>
      %select_n3A_2102 = arith.select %gt3A_2097, %mul3A_2094, %select_n3A_2087 : vector<16xi1>, vector<16xf32>
      %get3A_2103 = arith.constant 1760 : index
      %get3A_2104 = tpu.vector_load %arg7[%get3A_2103] {strides = array<i32>} : memref<2048xf32, #tpu.memory_space<vmem>>, vector<16xf32>,
      %get3A_2105 = arith.constant 13 : i32
      %get3A_2106 = arith.index_cast %get3A_2105 : i32 to index
      %get3A_2107 = arith.constant 96 : index
      %get3A_2108 = tpu.vector_load %arg8[%get3A_2106, %get3A_2107] {strides = array<i32>} : memref<16x128xf32, #tpu.memory_space<vmem>>, vector<16xf32>,
      %mul3A_2109 = arith.mulf %get3A_2104, %get3A_2108 : vector<16xf32>
      %swap3A_2110 = arith.constant 1760 : index
      %swap3A_2111 = tpu.vector_load %arg9[%swap3A_2110] {strides = array<i32>} : memref<2048xf32, #tpu.memory_space<vmem>>, vector<16xf32>,
      tpu.vector_store %arg9[%swap3A_2110], %mul3A_2109 {strides = array<i32>} : memref<2048xf32, #tpu.memory_space<vmem>>, vector<16xf32>,
      %gt3A_2112 = arith.cmpf ogt, %mul3A_2109, %select_n3A_2102 : vector<16xf32>
      %add3A_2113 = arith.constant 96 : i32
      %add3A_2114 = vector.broadcast %add3A_2113 : i32 to vector<16xi32>
      %add3A_2115 = arith.addi %add3A_2114, %iota3A : vector<16xi32>
      %select_n3A_2116 = arith.select %gt3A_2112, %add3A_2115, %select_n3A_2101 : vector<16xi1>, vector<16xi32>
      %select_n3A_2117 = arith.select %gt3A_2112, %mul3A_2109, %select_n3A_2102 : vector<16xi1>, vector<16xf32>
      %get3A_2118 = arith.constant 1776 : index
      %get3A_2119 = tpu.vector_load %arg7[%get3A_2118] {strides = array<i32>} : memref<2048xf32, #tpu.memory_space<vmem>>, vector<16xf32>,
      %get3A_2120 = arith.constant 13 : i32
      %get3A_2121 = arith.index_cast %get3A_2120 : i32 to index
      %get3A_2122 = arith.constant 112 : index
      %get3A_2123 = tpu.vector_load %arg8[%get3A_2121, %get3A_2122] {strides = array<i32>} : memref<16x128xf32, #tpu.memory_space<vmem>>, vector<16xf32>,
      %mul3A_2124 = arith.mulf %get3A_2119, %get3A_2123 : vector<16xf32>
      %swap3A_2125 = arith.constant 1776 : index
      %swap3A_2126 = tpu.vector_load %arg9[%swap3A_2125] {strides = array<i32>} : memref<2048xf32, #tpu.memory_space<vmem>>, vector<16xf32>,
      tpu.vector_store %arg9[%swap3A_2125], %mul3A_2124 {strides = array<i32>} : memref<2048xf32, #tpu.memory_space<vmem>>, vector<16xf32>,
      %gt3A_2127 = arith.cmpf ogt, %mul3A_2124, %select_n3A_2117 : vector<16xf32>
      %add3A_2128 = arith.constant 112 : i32
      %add3A_2129 = vector.broadcast %add3A_2128 : i32 to vector<16xi32>
      %add3A_2130 = arith.addi %add3A_2129, %iota3A : vector<16xi32>
      %select_n3A_2131 = arith.select %gt3A_2127, %add3A_2130, %select_n3A_2116 : vector<16xi1>, vector<16xi32>
      %select_n3A_2132 = arith.select %gt3A_2127, %mul3A_2124, %select_n3A_2117 : vector<16xi1>, vector<16xf32>
      %reduce_max3A_2133 = arith.constant true
      %reduce_max3A_2134 = vector.broadcast %reduce_max3A_2133 : i1 to vector<16xi1>
      %reduce_max3A_2135 = tpu.scan <max>, %select_n3A_2132 masked %reduce_max3A_2134 : vector<16xf32>, vector<16xi1> -> vector<16xf32>
      %reduce_max3A_2136 = vector.extract %reduce_max3A_2135[15] : f32 from vector<16xf32>
      %eq3A_2137 = vector.broadcast %reduce_max3A_2136 : f32 to vector<16xf32>
      %eq3A_2138 = arith.cmpf oeq, %select_n3A_2132, %eq3A_2137 : vector<16xf32>
      %jit3A_2139 = arith.constant 2048 : i32
      %broadcast_in_dim3A_2140 = vector.broadcast %jit3A_2139 : i32 to vector<16xi32>
      %select_n3A_2141 = arith.select %eq3A_2138, %select_n3A_2131, %broadcast_in_dim3A_2140 : vector<16xi1>, vector<16xi32>
      %reduce_min3A_2142 = arith.constant true
      %reduce_min3A_2143 = vector.broadcast %reduce_min3A_2142 : i1 to vector<16xi1>
      %reduce_min3A_2144 = arith.constant -2147483648 : i32
      %reduce_min3A_2145 = vector.broadcast %reduce_min3A_2144 : i32 to vector<16xi32>
      %reduce_min3A_2146 = arith.xori %select_n3A_2141, %reduce_min3A_2145 : vector<16xi32>
      %reduce_min3A_2147 = tpu.scan <min>, %reduce_min3A_2146 masked %reduce_min3A_2143 : vector<16xi32>, vector<16xi1> -> vector<16xi32>
      %reduce_min3A_2148 = arith.xori %reduce_min3A_2147, %reduce_min3A_2145 : vector<16xi32>
      %reduce_min3A_2149 = vector.extract %reduce_min3A_2148[15] : i32 from vector<16xi32>
      %get3A_2150 = arith.constant 1792 : index
      %get3A_2151 = tpu.vector_load %arg7[%get3A_2150] {strides = array<i32>} : memref<2048xf32, #tpu.memory_space<vmem>>, vector<16xf32>,
      %get3A_2152 = arith.constant 14 : i32
      %get3A_2153 = arith.index_cast %get3A_2152 : i32 to index
      %get3A_2154 = arith.constant 0 : index
      %get3A_2155 = tpu.vector_load %arg8[%get3A_2153, %get3A_2154] {strides = array<i32>} : memref<16x128xf32, #tpu.memory_space<vmem>>, vector<16xf32>,
      %eq3A_2156 = arith.constant 1 : i32
      %eq3A_2157 = vector.broadcast %eq3A_2156 : i32 to vector<16xi32>
      %eq3A_2158 = arith.cmpi eq, %iota3A, %eq3A_2157 : vector<16xi32>
      %jit3A_2159 = arith.constant 0.000000e+00 : f32
      %broadcast_in_dim3A_2160 = vector.broadcast %jit3A_2159 : f32 to vector<16xf32>
      %select_n3A_2161 = arith.select %eq3A_2158, %broadcast_in_dim3A_2160, %get3A_2155 : vector<16xi1>, vector<16xf32>
      %mul3A_2162 = arith.mulf %get3A_2151, %select_n3A_2161 : vector<16xf32>
      %swap3A_2163 = arith.constant 1792 : index
      %swap3A_2164 = tpu.vector_load %arg9[%swap3A_2163] {strides = array<i32>} : memref<2048xf32, #tpu.memory_space<vmem>>, vector<16xf32>,
      tpu.vector_store %arg9[%swap3A_2163], %mul3A_2162 {strides = array<i32>} : memref<2048xf32, #tpu.memory_space<vmem>>, vector<16xf32>,
      %get3A_2165 = arith.constant 1808 : index
      %get3A_2166 = tpu.vector_load %arg7[%get3A_2165] {strides = array<i32>} : memref<2048xf32, #tpu.memory_space<vmem>>, vector<16xf32>,
      %get3A_2167 = arith.constant 14 : i32
      %get3A_2168 = arith.index_cast %get3A_2167 : i32 to index
      %get3A_2169 = arith.constant 16 : index
      %get3A_2170 = tpu.vector_load %arg8[%get3A_2168, %get3A_2169] {strides = array<i32>} : memref<16x128xf32, #tpu.memory_space<vmem>>, vector<16xf32>,
      %mul3A_2171 = arith.mulf %get3A_2166, %get3A_2170 : vector<16xf32>
      %swap3A_2172 = arith.constant 1808 : index
      %swap3A_2173 = tpu.vector_load %arg9[%swap3A_2172] {strides = array<i32>} : memref<2048xf32, #tpu.memory_space<vmem>>, vector<16xf32>,
      tpu.vector_store %arg9[%swap3A_2172], %mul3A_2171 {strides = array<i32>} : memref<2048xf32, #tpu.memory_space<vmem>>, vector<16xf32>,
      %gt3A_2174 = arith.cmpf ogt, %mul3A_2171, %mul3A_2162 : vector<16xf32>
      %add3A_2175 = arith.constant 16 : i32
      %add3A_2176 = vector.broadcast %add3A_2175 : i32 to vector<16xi32>
      %add3A_2177 = arith.addi %add3A_2176, %iota3A : vector<16xi32>
      %select_n3A_2178 = arith.select %gt3A_2174, %add3A_2177, %iota3A : vector<16xi1>, vector<16xi32>
      %select_n3A_2179 = arith.select %gt3A_2174, %mul3A_2171, %mul3A_2162 : vector<16xi1>, vector<16xf32>
      %get3A_2180 = arith.constant 1824 : index
      %get3A_2181 = tpu.vector_load %arg7[%get3A_2180] {strides = array<i32>} : memref<2048xf32, #tpu.memory_space<vmem>>, vector<16xf32>,
      %get3A_2182 = arith.constant 14 : i32
      %get3A_2183 = arith.index_cast %get3A_2182 : i32 to index
      %get3A_2184 = arith.constant 32 : index
      %get3A_2185 = tpu.vector_load %arg8[%get3A_2183, %get3A_2184] {strides = array<i32>} : memref<16x128xf32, #tpu.memory_space<vmem>>, vector<16xf32>,
      %mul3A_2186 = arith.mulf %get3A_2181, %get3A_2185 : vector<16xf32>
      %swap3A_2187 = arith.constant 1824 : index
      %swap3A_2188 = tpu.vector_load %arg9[%swap3A_2187] {strides = array<i32>} : memref<2048xf32, #tpu.memory_space<vmem>>, vector<16xf32>,
      tpu.vector_store %arg9[%swap3A_2187], %mul3A_2186 {strides = array<i32>} : memref<2048xf32, #tpu.memory_space<vmem>>, vector<16xf32>,
      %gt3A_2189 = arith.cmpf ogt, %mul3A_2186, %select_n3A_2179 : vector<16xf32>
      %add3A_2190 = arith.constant 32 : i32
      %add3A_2191 = vector.broadcast %add3A_2190 : i32 to vector<16xi32>
      %add3A_2192 = arith.addi %add3A_2191, %iota3A : vector<16xi32>
      %select_n3A_2193 = arith.select %gt3A_2189, %add3A_2192, %select_n3A_2178 : vector<16xi1>, vector<16xi32>
      %select_n3A_2194 = arith.select %gt3A_2189, %mul3A_2186, %select_n3A_2179 : vector<16xi1>, vector<16xf32>
      %get3A_2195 = arith.constant 1840 : index
      %get3A_2196 = tpu.vector_load %arg7[%get3A_2195] {strides = array<i32>} : memref<2048xf32, #tpu.memory_space<vmem>>, vector<16xf32>,
      %get3A_2197 = arith.constant 14 : i32
      %get3A_2198 = arith.index_cast %get3A_2197 : i32 to index
      %get3A_2199 = arith.constant 48 : index
      %get3A_2200 = tpu.vector_load %arg8[%get3A_2198, %get3A_2199] {strides = array<i32>} : memref<16x128xf32, #tpu.memory_space<vmem>>, vector<16xf32>,
      %mul3A_2201 = arith.mulf %get3A_2196, %get3A_2200 : vector<16xf32>
      %swap3A_2202 = arith.constant 1840 : index
      %swap3A_2203 = tpu.vector_load %arg9[%swap3A_2202] {strides = array<i32>} : memref<2048xf32, #tpu.memory_space<vmem>>, vector<16xf32>,
      tpu.vector_store %arg9[%swap3A_2202], %mul3A_2201 {strides = array<i32>} : memref<2048xf32, #tpu.memory_space<vmem>>, vector<16xf32>,
      %gt3A_2204 = arith.cmpf ogt, %mul3A_2201, %select_n3A_2194 : vector<16xf32>
      %add3A_2205 = arith.constant 48 : i32
      %add3A_2206 = vector.broadcast %add3A_2205 : i32 to vector<16xi32>
      %add3A_2207 = arith.addi %add3A_2206, %iota3A : vector<16xi32>
      %select_n3A_2208 = arith.select %gt3A_2204, %add3A_2207, %select_n3A_2193 : vector<16xi1>, vector<16xi32>
      %select_n3A_2209 = arith.select %gt3A_2204, %mul3A_2201, %select_n3A_2194 : vector<16xi1>, vector<16xf32>
      %get3A_2210 = arith.constant 1856 : index
      %get3A_2211 = tpu.vector_load %arg7[%get3A_2210] {strides = array<i32>} : memref<2048xf32, #tpu.memory_space<vmem>>, vector<16xf32>,
      %get3A_2212 = arith.constant 14 : i32
      %get3A_2213 = arith.index_cast %get3A_2212 : i32 to index
      %get3A_2214 = arith.constant 64 : index
      %get3A_2215 = tpu.vector_load %arg8[%get3A_2213, %get3A_2214] {strides = array<i32>} : memref<16x128xf32, #tpu.memory_space<vmem>>, vector<16xf32>,
      %mul3A_2216 = arith.mulf %get3A_2211, %get3A_2215 : vector<16xf32>
      %swap3A_2217 = arith.constant 1856 : index
      %swap3A_2218 = tpu.vector_load %arg9[%swap3A_2217] {strides = array<i32>} : memref<2048xf32, #tpu.memory_space<vmem>>, vector<16xf32>,
      tpu.vector_store %arg9[%swap3A_2217], %mul3A_2216 {strides = array<i32>} : memref<2048xf32, #tpu.memory_space<vmem>>, vector<16xf32>,
      %gt3A_2219 = arith.cmpf ogt, %mul3A_2216, %select_n3A_2209 : vector<16xf32>
      %add3A_2220 = arith.constant 64 : i32
      %add3A_2221 = vector.broadcast %add3A_2220 : i32 to vector<16xi32>
      %add3A_2222 = arith.addi %add3A_2221, %iota3A : vector<16xi32>
      %select_n3A_2223 = arith.select %gt3A_2219, %add3A_2222, %select_n3A_2208 : vector<16xi1>, vector<16xi32>
      %select_n3A_2224 = arith.select %gt3A_2219, %mul3A_2216, %select_n3A_2209 : vector<16xi1>, vector<16xf32>
      %get3A_2225 = arith.constant 1872 : index
      %get3A_2226 = tpu.vector_load %arg7[%get3A_2225] {strides = array<i32>} : memref<2048xf32, #tpu.memory_space<vmem>>, vector<16xf32>,
      %get3A_2227 = arith.constant 14 : i32
      %get3A_2228 = arith.index_cast %get3A_2227 : i32 to index
      %get3A_2229 = arith.constant 80 : index
      %get3A_2230 = tpu.vector_load %arg8[%get3A_2228, %get3A_2229] {strides = array<i32>} : memref<16x128xf32, #tpu.memory_space<vmem>>, vector<16xf32>,
      %mul3A_2231 = arith.mulf %get3A_2226, %get3A_2230 : vector<16xf32>
      %swap3A_2232 = arith.constant 1872 : index
      %swap3A_2233 = tpu.vector_load %arg9[%swap3A_2232] {strides = array<i32>} : memref<2048xf32, #tpu.memory_space<vmem>>, vector<16xf32>,
      tpu.vector_store %arg9[%swap3A_2232], %mul3A_2231 {strides = array<i32>} : memref<2048xf32, #tpu.memory_space<vmem>>, vector<16xf32>,
      %gt3A_2234 = arith.cmpf ogt, %mul3A_2231, %select_n3A_2224 : vector<16xf32>
      %add3A_2235 = arith.constant 80 : i32
      %add3A_2236 = vector.broadcast %add3A_2235 : i32 to vector<16xi32>
      %add3A_2237 = arith.addi %add3A_2236, %iota3A : vector<16xi32>
      %select_n3A_2238 = arith.select %gt3A_2234, %add3A_2237, %select_n3A_2223 : vector<16xi1>, vector<16xi32>
      %select_n3A_2239 = arith.select %gt3A_2234, %mul3A_2231, %select_n3A_2224 : vector<16xi1>, vector<16xf32>
      %get3A_2240 = arith.constant 1888 : index
      %get3A_2241 = tpu.vector_load %arg7[%get3A_2240] {strides = array<i32>} : memref<2048xf32, #tpu.memory_space<vmem>>, vector<16xf32>,
      %get3A_2242 = arith.constant 14 : i32
      %get3A_2243 = arith.index_cast %get3A_2242 : i32 to index
      %get3A_2244 = arith.constant 96 : index
      %get3A_2245 = tpu.vector_load %arg8[%get3A_2243, %get3A_2244] {strides = array<i32>} : memref<16x128xf32, #tpu.memory_space<vmem>>, vector<16xf32>,
      %mul3A_2246 = arith.mulf %get3A_2241, %get3A_2245 : vector<16xf32>
      %swap3A_2247 = arith.constant 1888 : index
      %swap3A_2248 = tpu.vector_load %arg9[%swap3A_2247] {strides = array<i32>} : memref<2048xf32, #tpu.memory_space<vmem>>, vector<16xf32>,
      tpu.vector_store %arg9[%swap3A_2247], %mul3A_2246 {strides = array<i32>} : memref<2048xf32, #tpu.memory_space<vmem>>, vector<16xf32>,
      %gt3A_2249 = arith.cmpf ogt, %mul3A_2246, %select_n3A_2239 : vector<16xf32>
      %add3A_2250 = arith.constant 96 : i32
      %add3A_2251 = vector.broadcast %add3A_2250 : i32 to vector<16xi32>
      %add3A_2252 = arith.addi %add3A_2251, %iota3A : vector<16xi32>
      %select_n3A_2253 = arith.select %gt3A_2249, %add3A_2252, %select_n3A_2238 : vector<16xi1>, vector<16xi32>
      %select_n3A_2254 = arith.select %gt3A_2249, %mul3A_2246, %select_n3A_2239 : vector<16xi1>, vector<16xf32>
      %get3A_2255 = arith.constant 1904 : index
      %get3A_2256 = tpu.vector_load %arg7[%get3A_2255] {strides = array<i32>} : memref<2048xf32, #tpu.memory_space<vmem>>, vector<16xf32>,
      %get3A_2257 = arith.constant 14 : i32
      %get3A_2258 = arith.index_cast %get3A_2257 : i32 to index
      %get3A_2259 = arith.constant 112 : index
      %get3A_2260 = tpu.vector_load %arg8[%get3A_2258, %get3A_2259] {strides = array<i32>} : memref<16x128xf32, #tpu.memory_space<vmem>>, vector<16xf32>,
      %mul3A_2261 = arith.mulf %get3A_2256, %get3A_2260 : vector<16xf32>
      %swap3A_2262 = arith.constant 1904 : index
      %swap3A_2263 = tpu.vector_load %arg9[%swap3A_2262] {strides = array<i32>} : memref<2048xf32, #tpu.memory_space<vmem>>, vector<16xf32>,
      tpu.vector_store %arg9[%swap3A_2262], %mul3A_2261 {strides = array<i32>} : memref<2048xf32, #tpu.memory_space<vmem>>, vector<16xf32>,
      %gt3A_2264 = arith.cmpf ogt, %mul3A_2261, %select_n3A_2254 : vector<16xf32>
      %add3A_2265 = arith.constant 112 : i32
      %add3A_2266 = vector.broadcast %add3A_2265 : i32 to vector<16xi32>
      %add3A_2267 = arith.addi %add3A_2266, %iota3A : vector<16xi32>
      %select_n3A_2268 = arith.select %gt3A_2264, %add3A_2267, %select_n3A_2253 : vector<16xi1>, vector<16xi32>
      %select_n3A_2269 = arith.select %gt3A_2264, %mul3A_2261, %select_n3A_2254 : vector<16xi1>, vector<16xf32>
      %reduce_max3A_2270 = arith.constant true
      %reduce_max3A_2271 = vector.broadcast %reduce_max3A_2270 : i1 to vector<16xi1>
      %reduce_max3A_2272 = tpu.scan <max>, %select_n3A_2269 masked %reduce_max3A_2271 : vector<16xf32>, vector<16xi1> -> vector<16xf32>
      %reduce_max3A_2273 = vector.extract %reduce_max3A_2272[15] : f32 from vector<16xf32>
      %eq3A_2274 = vector.broadcast %reduce_max3A_2273 : f32 to vector<16xf32>
      %eq3A_2275 = arith.cmpf oeq, %select_n3A_2269, %eq3A_2274 : vector<16xf32>
      %jit3A_2276 = arith.constant 2048 : i32
      %broadcast_in_dim3A_2277 = vector.broadcast %jit3A_2276 : i32 to vector<16xi32>
      %select_n3A_2278 = arith.select %eq3A_2275, %select_n3A_2268, %broadcast_in_dim3A_2277 : vector<16xi1>, vector<16xi32>
      %reduce_min3A_2279 = arith.constant true
      %reduce_min3A_2280 = vector.broadcast %reduce_min3A_2279 : i1 to vector<16xi1>
      %reduce_min3A_2281 = arith.constant -2147483648 : i32
      %reduce_min3A_2282 = vector.broadcast %reduce_min3A_2281 : i32 to vector<16xi32>
      %reduce_min3A_2283 = arith.xori %select_n3A_2278, %reduce_min3A_2282 : vector<16xi32>
      %reduce_min3A_2284 = tpu.scan <min>, %reduce_min3A_2283 masked %reduce_min3A_2280 : vector<16xi32>, vector<16xi1> -> vector<16xi32>
      %reduce_min3A_2285 = arith.xori %reduce_min3A_2284, %reduce_min3A_2282 : vector<16xi32>
      %reduce_min3A_2286 = vector.extract %reduce_min3A_2285[15] : i32 from vector<16xi32>
      %get3A_2287 = arith.constant 1920 : index
      %get3A_2288 = tpu.vector_load %arg7[%get3A_2287] {strides = array<i32>} : memref<2048xf32, #tpu.memory_space<vmem>>, vector<16xf32>,
      %get3A_2289 = arith.constant 15 : i32
      %get3A_2290 = arith.index_cast %get3A_2289 : i32 to index
      %get3A_2291 = arith.constant 0 : index
      %get3A_2292 = tpu.vector_load %arg8[%get3A_2290, %get3A_2291] {strides = array<i32>} : memref<16x128xf32, #tpu.memory_space<vmem>>, vector<16xf32>,
      %eq3A_2293 = arith.constant 0 : i32
      %eq3A_2294 = vector.broadcast %eq3A_2293 : i32 to vector<16xi32>
      %eq3A_2295 = arith.cmpi eq, %iota3A, %eq3A_2294 : vector<16xi32>
      %jit3A_2296 = arith.constant 0.000000e+00 : f32
      %broadcast_in_dim3A_2297 = vector.broadcast %jit3A_2296 : f32 to vector<16xf32>
      %select_n3A_2298 = arith.select %eq3A_2295, %broadcast_in_dim3A_2297, %get3A_2292 : vector<16xi1>, vector<16xf32>
      %mul3A_2299 = arith.mulf %get3A_2288, %select_n3A_2298 : vector<16xf32>
      %swap3A_2300 = arith.constant 1920 : index
      %swap3A_2301 = tpu.vector_load %arg9[%swap3A_2300] {strides = array<i32>} : memref<2048xf32, #tpu.memory_space<vmem>>, vector<16xf32>,
      tpu.vector_store %arg9[%swap3A_2300], %mul3A_2299 {strides = array<i32>} : memref<2048xf32, #tpu.memory_space<vmem>>, vector<16xf32>,
      %get3A_2302 = arith.constant 1936 : index
      %get3A_2303 = tpu.vector_load %arg7[%get3A_2302] {strides = array<i32>} : memref<2048xf32, #tpu.memory_space<vmem>>, vector<16xf32>,
      %get3A_2304 = arith.constant 15 : i32
      %get3A_2305 = arith.index_cast %get3A_2304 : i32 to index
      %get3A_2306 = arith.constant 16 : index
      %get3A_2307 = tpu.vector_load %arg8[%get3A_2305, %get3A_2306] {strides = array<i32>} : memref<16x128xf32, #tpu.memory_space<vmem>>, vector<16xf32>,
      %mul3A_2308 = arith.mulf %get3A_2303, %get3A_2307 : vector<16xf32>
      %swap3A_2309 = arith.constant 1936 : index
      %swap3A_2310 = tpu.vector_load %arg9[%swap3A_2309] {strides = array<i32>} : memref<2048xf32, #tpu.memory_space<vmem>>, vector<16xf32>,
      tpu.vector_store %arg9[%swap3A_2309], %mul3A_2308 {strides = array<i32>} : memref<2048xf32, #tpu.memory_space<vmem>>, vector<16xf32>,
      %gt3A_2311 = arith.cmpf ogt, %mul3A_2308, %mul3A_2299 : vector<16xf32>
      %add3A_2312 = arith.constant 16 : i32
      %add3A_2313 = vector.broadcast %add3A_2312 : i32 to vector<16xi32>
      %add3A_2314 = arith.addi %add3A_2313, %iota3A : vector<16xi32>
      %select_n3A_2315 = arith.select %gt3A_2311, %add3A_2314, %iota3A : vector<16xi1>, vector<16xi32>
      %select_n3A_2316 = arith.select %gt3A_2311, %mul3A_2308, %mul3A_2299 : vector<16xi1>, vector<16xf32>
      %get3A_2317 = arith.constant 1952 : index
      %get3A_2318 = tpu.vector_load %arg7[%get3A_2317] {strides = array<i32>} : memref<2048xf32, #tpu.memory_space<vmem>>, vector<16xf32>,
      %get3A_2319 = arith.constant 15 : i32
      %get3A_2320 = arith.index_cast %get3A_2319 : i32 to index
      %get3A_2321 = arith.constant 32 : index
      %get3A_2322 = tpu.vector_load %arg8[%get3A_2320, %get3A_2321] {strides = array<i32>} : memref<16x128xf32, #tpu.memory_space<vmem>>, vector<16xf32>,
      %mul3A_2323 = arith.mulf %get3A_2318, %get3A_2322 : vector<16xf32>
      %swap3A_2324 = arith.constant 1952 : index
      %swap3A_2325 = tpu.vector_load %arg9[%swap3A_2324] {strides = array<i32>} : memref<2048xf32, #tpu.memory_space<vmem>>, vector<16xf32>,
      tpu.vector_store %arg9[%swap3A_2324], %mul3A_2323 {strides = array<i32>} : memref<2048xf32, #tpu.memory_space<vmem>>, vector<16xf32>,
      %gt3A_2326 = arith.cmpf ogt, %mul3A_2323, %select_n3A_2316 : vector<16xf32>
      %add3A_2327 = arith.constant 32 : i32
      %add3A_2328 = vector.broadcast %add3A_2327 : i32 to vector<16xi32>
      %add3A_2329 = arith.addi %add3A_2328, %iota3A : vector<16xi32>
      %select_n3A_2330 = arith.select %gt3A_2326, %add3A_2329, %select_n3A_2315 : vector<16xi1>, vector<16xi32>
      %select_n3A_2331 = arith.select %gt3A_2326, %mul3A_2323, %select_n3A_2316 : vector<16xi1>, vector<16xf32>
      %get3A_2332 = arith.constant 1968 : index
      %get3A_2333 = tpu.vector_load %arg7[%get3A_2332] {strides = array<i32>} : memref<2048xf32, #tpu.memory_space<vmem>>, vector<16xf32>,
      %get3A_2334 = arith.constant 15 : i32
      %get3A_2335 = arith.index_cast %get3A_2334 : i32 to index
      %get3A_2336 = arith.constant 48 : index
      %get3A_2337 = tpu.vector_load %arg8[%get3A_2335, %get3A_2336] {strides = array<i32>} : memref<16x128xf32, #tpu.memory_space<vmem>>, vector<16xf32>,
      %mul3A_2338 = arith.mulf %get3A_2333, %get3A_2337 : vector<16xf32>
      %swap3A_2339 = arith.constant 1968 : index
      %swap3A_2340 = tpu.vector_load %arg9[%swap3A_2339] {strides = array<i32>} : memref<2048xf32, #tpu.memory_space<vmem>>, vector<16xf32>,
      tpu.vector_store %arg9[%swap3A_2339], %mul3A_2338 {strides = array<i32>} : memref<2048xf32, #tpu.memory_space<vmem>>, vector<16xf32>,
      %gt3A_2341 = arith.cmpf ogt, %mul3A_2338, %select_n3A_2331 : vector<16xf32>
      %add3A_2342 = arith.constant 48 : i32
      %add3A_2343 = vector.broadcast %add3A_2342 : i32 to vector<16xi32>
      %add3A_2344 = arith.addi %add3A_2343, %iota3A : vector<16xi32>
      %select_n3A_2345 = arith.select %gt3A_2341, %add3A_2344, %select_n3A_2330 : vector<16xi1>, vector<16xi32>
      %select_n3A_2346 = arith.select %gt3A_2341, %mul3A_2338, %select_n3A_2331 : vector<16xi1>, vector<16xf32>
      %get3A_2347 = arith.constant 1984 : index
      %get3A_2348 = tpu.vector_load %arg7[%get3A_2347] {strides = array<i32>} : memref<2048xf32, #tpu.memory_space<vmem>>, vector<16xf32>,
      %get3A_2349 = arith.constant 15 : i32
      %get3A_2350 = arith.index_cast %get3A_2349 : i32 to index
      %get3A_2351 = arith.constant 64 : index
      %get3A_2352 = tpu.vector_load %arg8[%get3A_2350, %get3A_2351] {strides = array<i32>} : memref<16x128xf32, #tpu.memory_space<vmem>>, vector<16xf32>,
      %mul3A_2353 = arith.mulf %get3A_2348, %get3A_2352 : vector<16xf32>
      %swap3A_2354 = arith.constant 1984 : index
      %swap3A_2355 = tpu.vector_load %arg9[%swap3A_2354] {strides = array<i32>} : memref<2048xf32, #tpu.memory_space<vmem>>, vector<16xf32>,
      tpu.vector_store %arg9[%swap3A_2354], %mul3A_2353 {strides = array<i32>} : memref<2048xf32, #tpu.memory_space<vmem>>, vector<16xf32>,
      %gt3A_2356 = arith.cmpf ogt, %mul3A_2353, %select_n3A_2346 : vector<16xf32>
      %add3A_2357 = arith.constant 64 : i32
      %add3A_2358 = vector.broadcast %add3A_2357 : i32 to vector<16xi32>
      %add3A_2359 = arith.addi %add3A_2358, %iota3A : vector<16xi32>
      %select_n3A_2360 = arith.select %gt3A_2356, %add3A_2359, %select_n3A_2345 : vector<16xi1>, vector<16xi32>
      %select_n3A_2361 = arith.select %gt3A_2356, %mul3A_2353, %select_n3A_2346 : vector<16xi1>, vector<16xf32>
      %get3A_2362 = arith.constant 2000 : index
      %get3A_2363 = tpu.vector_load %arg7[%get3A_2362] {strides = array<i32>} : memref<2048xf32, #tpu.memory_space<vmem>>, vector<16xf32>,
      %get3A_2364 = arith.constant 15 : i32
      %get3A_2365 = arith.index_cast %get3A_2364 : i32 to index
      %get3A_2366 = arith.constant 80 : index
      %get3A_2367 = tpu.vector_load %arg8[%get3A_2365, %get3A_2366] {strides = array<i32>} : memref<16x128xf32, #tpu.memory_space<vmem>>, vector<16xf32>,
      %mul3A_2368 = arith.mulf %get3A_2363, %get3A_2367 : vector<16xf32>
      %swap3A_2369 = arith.constant 2000 : index
      %swap3A_2370 = tpu.vector_load %arg9[%swap3A_2369] {strides = array<i32>} : memref<2048xf32, #tpu.memory_space<vmem>>, vector<16xf32>,
      tpu.vector_store %arg9[%swap3A_2369], %mul3A_2368 {strides = array<i32>} : memref<2048xf32, #tpu.memory_space<vmem>>, vector<16xf32>,
      %gt3A_2371 = arith.cmpf ogt, %mul3A_2368, %select_n3A_2361 : vector<16xf32>
      %add3A_2372 = arith.constant 80 : i32
      %add3A_2373 = vector.broadcast %add3A_2372 : i32 to vector<16xi32>
      %add3A_2374 = arith.addi %add3A_2373, %iota3A : vector<16xi32>
      %select_n3A_2375 = arith.select %gt3A_2371, %add3A_2374, %select_n3A_2360 : vector<16xi1>, vector<16xi32>
      %select_n3A_2376 = arith.select %gt3A_2371, %mul3A_2368, %select_n3A_2361 : vector<16xi1>, vector<16xf32>
      %get3A_2377 = arith.constant 2016 : index
      %get3A_2378 = tpu.vector_load %arg7[%get3A_2377] {strides = array<i32>} : memref<2048xf32, #tpu.memory_space<vmem>>, vector<16xf32>,
      %get3A_2379 = arith.constant 15 : i32
      %get3A_2380 = arith.index_cast %get3A_2379 : i32 to index
      %get3A_2381 = arith.constant 96 : index
      %get3A_2382 = tpu.vector_load %arg8[%get3A_2380, %get3A_2381] {strides = array<i32>} : memref<16x128xf32, #tpu.memory_space<vmem>>, vector<16xf32>,
      %mul3A_2383 = arith.mulf %get3A_2378, %get3A_2382 : vector<16xf32>
      %swap3A_2384 = arith.constant 2016 : index
      %swap3A_2385 = tpu.vector_load %arg9[%swap3A_2384] {strides = array<i32>} : memref<2048xf32, #tpu.memory_space<vmem>>, vector<16xf32>,
      tpu.vector_store %arg9[%swap3A_2384], %mul3A_2383 {strides = array<i32>} : memref<2048xf32, #tpu.memory_space<vmem>>, vector<16xf32>,
      %gt3A_2386 = arith.cmpf ogt, %mul3A_2383, %select_n3A_2376 : vector<16xf32>
      %add3A_2387 = arith.constant 96 : i32
      %add3A_2388 = vector.broadcast %add3A_2387 : i32 to vector<16xi32>
      %add3A_2389 = arith.addi %add3A_2388, %iota3A : vector<16xi32>
      %select_n3A_2390 = arith.select %gt3A_2386, %add3A_2389, %select_n3A_2375 : vector<16xi1>, vector<16xi32>
      %select_n3A_2391 = arith.select %gt3A_2386, %mul3A_2383, %select_n3A_2376 : vector<16xi1>, vector<16xf32>
      %get3A_2392 = arith.constant 2032 : index
      %get3A_2393 = tpu.vector_load %arg7[%get3A_2392] {strides = array<i32>} : memref<2048xf32, #tpu.memory_space<vmem>>, vector<16xf32>,
      %get3A_2394 = arith.constant 15 : i32
      %get3A_2395 = arith.index_cast %get3A_2394 : i32 to index
      %get3A_2396 = arith.constant 112 : index
      %get3A_2397 = tpu.vector_load %arg8[%get3A_2395, %get3A_2396] {strides = array<i32>} : memref<16x128xf32, #tpu.memory_space<vmem>>, vector<16xf32>,
      %mul3A_2398 = arith.mulf %get3A_2393, %get3A_2397 : vector<16xf32>
      %swap3A_2399 = arith.constant 2032 : index
      %swap3A_2400 = tpu.vector_load %arg9[%swap3A_2399] {strides = array<i32>} : memref<2048xf32, #tpu.memory_space<vmem>>, vector<16xf32>,
      tpu.vector_store %arg9[%swap3A_2399], %mul3A_2398 {strides = array<i32>} : memref<2048xf32, #tpu.memory_space<vmem>>, vector<16xf32>,
      %gt3A_2401 = arith.cmpf ogt, %mul3A_2398, %select_n3A_2391 : vector<16xf32>
      %add3A_2402 = arith.constant 112 : i32
      %add3A_2403 = vector.broadcast %add3A_2402 : i32 to vector<16xi32>
      %add3A_2404 = arith.addi %add3A_2403, %iota3A : vector<16xi32>
      %select_n3A_2405 = arith.select %gt3A_2401, %add3A_2404, %select_n3A_2390 : vector<16xi1>, vector<16xi32>
      %select_n3A_2406 = arith.select %gt3A_2401, %mul3A_2398, %select_n3A_2391 : vector<16xi1>, vector<16xf32>
      %reduce_max3A_2407 = arith.constant true
      %reduce_max3A_2408 = vector.broadcast %reduce_max3A_2407 : i1 to vector<16xi1>
      %reduce_max3A_2409 = tpu.scan <max>, %select_n3A_2406 masked %reduce_max3A_2408 : vector<16xf32>, vector<16xi1> -> vector<16xf32>
      %reduce_max3A_2410 = vector.extract %reduce_max3A_2409[15] : f32 from vector<16xf32>
      %eq3A_2411 = vector.broadcast %reduce_max3A_2410 : f32 to vector<16xf32>
      %eq3A_2412 = arith.cmpf oeq, %select_n3A_2406, %eq3A_2411 : vector<16xf32>
      %jit3A_2413 = arith.constant 2048 : i32
      %broadcast_in_dim3A_2414 = vector.broadcast %jit3A_2413 : i32 to vector<16xi32>
      %select_n3A_2415 = arith.select %eq3A_2412, %select_n3A_2405, %broadcast_in_dim3A_2414 : vector<16xi1>, vector<16xi32>
      %reduce_min3A_2416 = arith.constant true
      %reduce_min3A_2417 = vector.broadcast %reduce_min3A_2416 : i1 to vector<16xi1>
      %reduce_min3A_2418 = arith.constant -2147483648 : i32
      %reduce_min3A_2419 = vector.broadcast %reduce_min3A_2418 : i32 to vector<16xi32>
      %reduce_min3A_2420 = arith.xori %select_n3A_2415, %reduce_min3A_2419 : vector<16xi32>
      %reduce_min3A_2421 = tpu.scan <min>, %reduce_min3A_2420 masked %reduce_min3A_2417 : vector<16xi32>, vector<16xi1> -> vector<16xi32>
      %reduce_min3A_2422 = arith.xori %reduce_min3A_2421, %reduce_min3A_2419 : vector<16xi32>
      %reduce_min3A_2423 = vector.extract %reduce_min3A_2422[15] : i32 from vector<16xi32>
      %broadcast_in_dim3A_2424 = arith.constant 0 : i32
      %broadcast_in_dim3A_2425 = vector.broadcast %broadcast_in_dim3A_2424 : i32 to vector<16xi32>
      %eq3A_2426 = arith.constant 0 : i32
      %eq3A_2427 = vector.broadcast %eq3A_2426 : i32 to vector<16xi32>
      %eq3A_2428 = arith.cmpi eq, %iota3A, %eq3A_2427 : vector<16xi32>
      %broadcast_in_dim3A_2429 = vector.broadcast %reduce_min3A_368 : i32 to vector<16xi32>
      %select_n3A_2430 = arith.select %eq3A_2428, %broadcast_in_dim3A_2429, %broadcast_in_dim3A_2425 : vector<16xi1>, vector<16xi32>
      %eq3A_2431 = arith.constant 1 : i32
      %eq3A_2432 = vector.broadcast %eq3A_2431 : i32 to vector<16xi32>
      %eq3A_2433 = arith.cmpi eq, %iota3A, %eq3A_2432 : vector<16xi32>
      %broadcast_in_dim3A_2434 = vector.broadcast %reduce_min3A_505 : i32 to vector<16xi32>
      %select_n3A_2435 = arith.select %eq3A_2433, %broadcast_in_dim3A_2434, %select_n3A_2430 : vector<16xi1>, vector<16xi32>
      %eq3A_2436 = arith.constant 2 : i32
      %eq3A_2437 = vector.broadcast %eq3A_2436 : i32 to vector<16xi32>
      %eq3A_2438 = arith.cmpi eq, %iota3A, %eq3A_2437 : vector<16xi32>
      %broadcast_in_dim3A_2439 = vector.broadcast %reduce_min3A_642 : i32 to vector<16xi32>
      %select_n3A_2440 = arith.select %eq3A_2438, %broadcast_in_dim3A_2439, %select_n3A_2435 : vector<16xi1>, vector<16xi32>
      %eq3A_2441 = arith.constant 3 : i32
      %eq3A_2442 = vector.broadcast %eq3A_2441 : i32 to vector<16xi32>
      %eq3A_2443 = arith.cmpi eq, %iota3A, %eq3A_2442 : vector<16xi32>
      %broadcast_in_dim3A_2444 = vector.broadcast %reduce_min3A_779 : i32 to vector<16xi32>
      %select_n3A_2445 = arith.select %eq3A_2443, %broadcast_in_dim3A_2444, %select_n3A_2440 : vector<16xi1>, vector<16xi32>
      %eq3A_2446 = arith.constant 4 : i32
      %eq3A_2447 = vector.broadcast %eq3A_2446 : i32 to vector<16xi32>
      %eq3A_2448 = arith.cmpi eq, %iota3A, %eq3A_2447 : vector<16xi32>
      %broadcast_in_dim3A_2449 = vector.broadcast %reduce_min3A_916 : i32 to vector<16xi32>
      %select_n3A_2450 = arith.select %eq3A_2448, %broadcast_in_dim3A_2449, %select_n3A_2445 : vector<16xi1>, vector<16xi32>
      %eq3A_2451 = arith.constant 5 : i32
      %eq3A_2452 = vector.broadcast %eq3A_2451 : i32 to vector<16xi32>
      %eq3A_2453 = arith.cmpi eq, %iota3A, %eq3A_2452 : vector<16xi32>
      %broadcast_in_dim3A_2454 = vector.broadcast %reduce_min3A_1053 : i32 to vector<16xi32>
      %select_n3A_2455 = arith.select %eq3A_2453, %broadcast_in_dim3A_2454, %select_n3A_2450 : vector<16xi1>, vector<16xi32>
      %eq3A_2456 = arith.constant 6 : i32
      %eq3A_2457 = vector.broadcast %eq3A_2456 : i32 to vector<16xi32>
      %eq3A_2458 = arith.cmpi eq, %iota3A, %eq3A_2457 : vector<16xi32>
      %broadcast_in_dim3A_2459 = vector.broadcast %reduce_min3A_1190 : i32 to vector<16xi32>
      %select_n3A_2460 = arith.select %eq3A_2458, %broadcast_in_dim3A_2459, %select_n3A_2455 : vector<16xi1>, vector<16xi32>
      %eq3A_2461 = arith.constant 7 : i32
      %eq3A_2462 = vector.broadcast %eq3A_2461 : i32 to vector<16xi32>
      %eq3A_2463 = arith.cmpi eq, %iota3A, %eq3A_2462 : vector<16xi32>
      %broadcast_in_dim3A_2464 = vector.broadcast %reduce_min3A_1327 : i32 to vector<16xi32>
      %select_n3A_2465 = arith.select %eq3A_2463, %broadcast_in_dim3A_2464, %select_n3A_2460 : vector<16xi1>, vector<16xi32>
      %eq3A_2466 = arith.constant 8 : i32
      %eq3A_2467 = vector.broadcast %eq3A_2466 : i32 to vector<16xi32>
      %eq3A_2468 = arith.cmpi eq, %iota3A, %eq3A_2467 : vector<16xi32>
      %broadcast_in_dim3A_2469 = vector.broadcast %reduce_min3A_1464 : i32 to vector<16xi32>
      %select_n3A_2470 = arith.select %eq3A_2468, %broadcast_in_dim3A_2469, %select_n3A_2465 : vector<16xi1>, vector<16xi32>
      %eq3A_2471 = arith.constant 9 : i32
      %eq3A_2472 = vector.broadcast %eq3A_2471 : i32 to vector<16xi32>
      %eq3A_2473 = arith.cmpi eq, %iota3A, %eq3A_2472 : vector<16xi32>
      %broadcast_in_dim3A_2474 = vector.broadcast %reduce_min3A_1601 : i32 to vector<16xi32>
      %select_n3A_2475 = arith.select %eq3A_2473, %broadcast_in_dim3A_2474, %select_n3A_2470 : vector<16xi1>, vector<16xi32>
      %eq3A_2476 = arith.constant 10 : i32
      %eq3A_2477 = vector.broadcast %eq3A_2476 : i32 to vector<16xi32>
      %eq3A_2478 = arith.cmpi eq, %iota3A, %eq3A_2477 : vector<16xi32>
      %broadcast_in_dim3A_2479 = vector.broadcast %reduce_min3A_1738 : i32 to vector<16xi32>
      %select_n3A_2480 = arith.select %eq3A_2478, %broadcast_in_dim3A_2479, %select_n3A_2475 : vector<16xi1>, vector<16xi32>
      %eq3A_2481 = arith.constant 11 : i32
      %eq3A_2482 = vector.broadcast %eq3A_2481 : i32 to vector<16xi32>
      %eq3A_2483 = arith.cmpi eq, %iota3A, %eq3A_2482 : vector<16xi32>
      %broadcast_in_dim3A_2484 = vector.broadcast %reduce_min3A_1875 : i32 to vector<16xi32>
      %select_n3A_2485 = arith.select %eq3A_2483, %broadcast_in_dim3A_2484, %select_n3A_2480 : vector<16xi1>, vector<16xi32>
      %eq3A_2486 = arith.constant 12 : i32
      %eq3A_2487 = vector.broadcast %eq3A_2486 : i32 to vector<16xi32>
      %eq3A_2488 = arith.cmpi eq, %iota3A, %eq3A_2487 : vector<16xi32>
      %broadcast_in_dim3A_2489 = vector.broadcast %reduce_min3A_2012 : i32 to vector<16xi32>
      %select_n3A_2490 = arith.select %eq3A_2488, %broadcast_in_dim3A_2489, %select_n3A_2485 : vector<16xi1>, vector<16xi32>
      %eq3A_2491 = arith.constant 13 : i32
      %eq3A_2492 = vector.broadcast %eq3A_2491 : i32 to vector<16xi32>
      %eq3A_2493 = arith.cmpi eq, %iota3A, %eq3A_2492 : vector<16xi32>
      %broadcast_in_dim3A_2494 = vector.broadcast %reduce_min3A_2149 : i32 to vector<16xi32>
      %select_n3A_2495 = arith.select %eq3A_2493, %broadcast_in_dim3A_2494, %select_n3A_2490 : vector<16xi1>, vector<16xi32>
      %eq3A_2496 = arith.constant 14 : i32
      %eq3A_2497 = vector.broadcast %eq3A_2496 : i32 to vector<16xi32>
      %eq3A_2498 = arith.cmpi eq, %iota3A, %eq3A_2497 : vector<16xi32>
      %broadcast_in_dim3A_2499 = vector.broadcast %reduce_min3A_2286 : i32 to vector<16xi32>
      %select_n3A_2500 = arith.select %eq3A_2498, %broadcast_in_dim3A_2499, %select_n3A_2495 : vector<16xi1>, vector<16xi32>
      %eq3A_2501 = arith.constant 15 : i32
      %eq3A_2502 = vector.broadcast %eq3A_2501 : i32 to vector<16xi32>
      %eq3A_2503 = arith.cmpi eq, %iota3A, %eq3A_2502 : vector<16xi32>
      %broadcast_in_dim3A_2504 = vector.broadcast %reduce_min3A_2423 : i32 to vector<16xi32>
      %select_n3A_2505 = arith.select %eq3A_2503, %broadcast_in_dim3A_2504, %select_n3A_2500 : vector<16xi1>, vector<16xi32>
      %swap3A_2506 = arith.constant 0 : index
      %swap3A_2507 = tpu.vector_load %arg10[%swap3A_2506] {strides = array<i32>} : memref<16xi32, #tpu.memory_space<vmem>>, vector<16xi32>,
      tpu.vector_store %arg10[%swap3A_2506], %select_n3A_2505 {strides = array<i32>} : memref<16xi32, #tpu.memory_space<vmem>>, vector<16xi32>,
      %broadcast_in_dim3A_2508 = arith.constant 0.000000e+00 : f32
      %broadcast_in_dim3A_2509 = vector.broadcast %broadcast_in_dim3A_2508 : f32 to vector<16xf32>
      %gt3A_2510 = arith.constant 0 : i32
      %gt3A_2511 = arith.cmpi sgt, %reduce_min3A_368, %gt3A_2510 : i32
      %gt3A_2512 = arith.constant 0 : i32
      %gt3A_2513 = arith.cmpi sgt, %reduce_min3A_505, %gt3A_2512 : i32
      %and3A_2514 = arith.andi %gt3A_2511, %gt3A_2513 : i1
      %jit3A_2515 = arith.constant 2.000000e+00 : f32
      %jit3A_2516 = arith.constant 0.000000e+00 : f32
      %select_n3A_2517 = arith.select %gt3A_2513, %jit3A_2515, %jit3A_2516 : f32
      %jit3A_2518 = arith.constant 1.000000e+00 : f32
      %select_n3A_2519 = arith.select %gt3A_2511, %jit3A_2518, %select_n3A_2517 : f32
      %jit3A_2520 = arith.constant 3.000000e+00 : f32
      %select_n3A_2521 = arith.select %and3A_2514, %jit3A_2520, %select_n3A_2519 : f32
      %eq3A_2522 = arith.constant 0 : i32
      %eq3A_2523 = vector.broadcast %eq3A_2522 : i32 to vector<16xi32>
      %eq3A_2524 = arith.cmpi eq, %iota3A, %eq3A_2523 : vector<16xi32>
      %broadcast_in_dim3A_2525 = vector.broadcast %select_n3A_2521 : f32 to vector<16xf32>
      %select_n3A_2526 = arith.select %eq3A_2524, %broadcast_in_dim3A_2525, %broadcast_in_dim3A_2509 : vector<16xi1>, vector<16xf32>
      %gt3A_2527 = arith.constant 0 : i32
      %gt3A_2528 = arith.cmpi sgt, %reduce_min3A_642, %gt3A_2527 : i32
      %gt3A_2529 = arith.constant 0 : i32
      %gt3A_2530 = arith.cmpi sgt, %reduce_min3A_779, %gt3A_2529 : i32
      %and3A_2531 = arith.andi %gt3A_2528, %gt3A_2530 : i1
      %jit3A_2532 = arith.constant 2.000000e+00 : f32
      %jit3A_2533 = arith.constant 0.000000e+00 : f32
      %select_n3A_2534 = arith.select %gt3A_2530, %jit3A_2532, %jit3A_2533 : f32
      %jit3A_2535 = arith.constant 1.000000e+00 : f32
      %select_n3A_2536 = arith.select %gt3A_2528, %jit3A_2535, %select_n3A_2534 : f32
      %jit3A_2537 = arith.constant 3.000000e+00 : f32
      %select_n3A_2538 = arith.select %and3A_2531, %jit3A_2537, %select_n3A_2536 : f32
      %eq3A_2539 = arith.constant 1 : i32
      %eq3A_2540 = vector.broadcast %eq3A_2539 : i32 to vector<16xi32>
      %eq3A_2541 = arith.cmpi eq, %iota3A, %eq3A_2540 : vector<16xi32>
      %broadcast_in_dim3A_2542 = vector.broadcast %select_n3A_2538 : f32 to vector<16xf32>
      %select_n3A_2543 = arith.select %eq3A_2541, %broadcast_in_dim3A_2542, %select_n3A_2526 : vector<16xi1>, vector<16xf32>
      %gt3A_2544 = arith.constant 0 : i32
      %gt3A_2545 = arith.cmpi sgt, %reduce_min3A_916, %gt3A_2544 : i32
      %gt3A_2546 = arith.constant 0 : i32
      %gt3A_2547 = arith.cmpi sgt, %reduce_min3A_1053, %gt3A_2546 : i32
      %and3A_2548 = arith.andi %gt3A_2545, %gt3A_2547 : i1
      %jit3A_2549 = arith.constant 2.000000e+00 : f32
      %jit3A_2550 = arith.constant 0.000000e+00 : f32
      %select_n3A_2551 = arith.select %gt3A_2547, %jit3A_2549, %jit3A_2550 : f32
      %jit3A_2552 = arith.constant 1.000000e+00 : f32
      %select_n3A_2553 = arith.select %gt3A_2545, %jit3A_2552, %select_n3A_2551 : f32
      %jit3A_2554 = arith.constant 3.000000e+00 : f32
      %select_n3A_2555 = arith.select %and3A_2548, %jit3A_2554, %select_n3A_2553 : f32
      %eq3A_2556 = arith.constant 2 : i32
      %eq3A_2557 = vector.broadcast %eq3A_2556 : i32 to vector<16xi32>
      %eq3A_2558 = arith.cmpi eq, %iota3A, %eq3A_2557 : vector<16xi32>
      %broadcast_in_dim3A_2559 = vector.broadcast %select_n3A_2555 : f32 to vector<16xf32>
      %select_n3A_2560 = arith.select %eq3A_2558, %broadcast_in_dim3A_2559, %select_n3A_2543 : vector<16xi1>, vector<16xf32>
      %gt3A_2561 = arith.constant 0 : i32
      %gt3A_2562 = arith.cmpi sgt, %reduce_min3A_1190, %gt3A_2561 : i32
      %gt3A_2563 = arith.constant 0 : i32
      %gt3A_2564 = arith.cmpi sgt, %reduce_min3A_1327, %gt3A_2563 : i32
      %and3A_2565 = arith.andi %gt3A_2562, %gt3A_2564 : i1
      %jit3A_2566 = arith.constant 2.000000e+00 : f32
      %jit3A_2567 = arith.constant 0.000000e+00 : f32
      %select_n3A_2568 = arith.select %gt3A_2564, %jit3A_2566, %jit3A_2567 : f32
      %jit3A_2569 = arith.constant 1.000000e+00 : f32
      %select_n3A_2570 = arith.select %gt3A_2562, %jit3A_2569, %select_n3A_2568 : f32
      %jit3A_2571 = arith.constant 3.000000e+00 : f32
      %select_n3A_2572 = arith.select %and3A_2565, %jit3A_2571, %select_n3A_2570 : f32
      %eq3A_2573 = arith.constant 3 : i32
      %eq3A_2574 = vector.broadcast %eq3A_2573 : i32 to vector<16xi32>
      %eq3A_2575 = arith.cmpi eq, %iota3A, %eq3A_2574 : vector<16xi32>
      %broadcast_in_dim3A_2576 = vector.broadcast %select_n3A_2572 : f32 to vector<16xf32>
      %select_n3A_2577 = arith.select %eq3A_2575, %broadcast_in_dim3A_2576, %select_n3A_2560 : vector<16xi1>, vector<16xf32>
      %gt3A_2578 = arith.constant 0 : i32
      %gt3A_2579 = arith.cmpi sgt, %reduce_min3A_1464, %gt3A_2578 : i32
      %gt3A_2580 = arith.constant 0 : i32
      %gt3A_2581 = arith.cmpi sgt, %reduce_min3A_1601, %gt3A_2580 : i32
      %and3A_2582 = arith.andi %gt3A_2579, %gt3A_2581 : i1
      %jit3A_2583 = arith.constant 2.000000e+00 : f32
      %jit3A_2584 = arith.constant 0.000000e+00 : f32
      %select_n3A_2585 = arith.select %gt3A_2581, %jit3A_2583, %jit3A_2584 : f32
      %jit3A_2586 = arith.constant 1.000000e+00 : f32
      %select_n3A_2587 = arith.select %gt3A_2579, %jit3A_2586, %select_n3A_2585 : f32
      %jit3A_2588 = arith.constant 3.000000e+00 : f32
      %select_n3A_2589 = arith.select %and3A_2582, %jit3A_2588, %select_n3A_2587 : f32
      %eq3A_2590 = arith.constant 4 : i32
      %eq3A_2591 = vector.broadcast %eq3A_2590 : i32 to vector<16xi32>
      %eq3A_2592 = arith.cmpi eq, %iota3A, %eq3A_2591 : vector<16xi32>
      %broadcast_in_dim3A_2593 = vector.broadcast %select_n3A_2589 : f32 to vector<16xf32>
      %select_n3A_2594 = arith.select %eq3A_2592, %broadcast_in_dim3A_2593, %select_n3A_2577 : vector<16xi1>, vector<16xf32>
      %gt3A_2595 = arith.constant 0 : i32
      %gt3A_2596 = arith.cmpi sgt, %reduce_min3A_1738, %gt3A_2595 : i32
      %gt3A_2597 = arith.constant 0 : i32
      %gt3A_2598 = arith.cmpi sgt, %reduce_min3A_1875, %gt3A_2597 : i32
      %and3A_2599 = arith.andi %gt3A_2596, %gt3A_2598 : i1
      %jit3A_2600 = arith.constant 2.000000e+00 : f32
      %jit3A_2601 = arith.constant 0.000000e+00 : f32
      %select_n3A_2602 = arith.select %gt3A_2598, %jit3A_2600, %jit3A_2601 : f32
      %jit3A_2603 = arith.constant 1.000000e+00 : f32
      %select_n3A_2604 = arith.select %gt3A_2596, %jit3A_2603, %select_n3A_2602 : f32
      %jit3A_2605 = arith.constant 3.000000e+00 : f32
      %select_n3A_2606 = arith.select %and3A_2599, %jit3A_2605, %select_n3A_2604 : f32
      %eq3A_2607 = arith.constant 5 : i32
      %eq3A_2608 = vector.broadcast %eq3A_2607 : i32 to vector<16xi32>
      %eq3A_2609 = arith.cmpi eq, %iota3A, %eq3A_2608 : vector<16xi32>
      %broadcast_in_dim3A_2610 = vector.broadcast %select_n3A_2606 : f32 to vector<16xf32>
      %select_n3A_2611 = arith.select %eq3A_2609, %broadcast_in_dim3A_2610, %select_n3A_2594 : vector<16xi1>, vector<16xf32>
      %gt3A_2612 = arith.constant 0 : i32
      %gt3A_2613 = arith.cmpi sgt, %reduce_min3A_2012, %gt3A_2612 : i32
      %gt3A_2614 = arith.constant 0 : i32
      %gt3A_2615 = arith.cmpi sgt, %reduce_min3A_2149, %gt3A_2614 : i32
      %and3A_2616 = arith.andi %gt3A_2613, %gt3A_2615 : i1
      %jit3A_2617 = arith.constant 2.000000e+00 : f32
      %jit3A_2618 = arith.constant 0.000000e+00 : f32
      %select_n3A_2619 = arith.select %gt3A_2615, %jit3A_2617, %jit3A_2618 : f32
      %jit3A_2620 = arith.constant 1.000000e+00 : f32
      %select_n3A_2621 = arith.select %gt3A_2613, %jit3A_2620, %select_n3A_2619 : f32
      %jit3A_2622 = arith.constant 3.000000e+00 : f32
      %select_n3A_2623 = arith.select %and3A_2616, %jit3A_2622, %select_n3A_2621 : f32
      %eq3A_2624 = arith.constant 6 : i32
      %eq3A_2625 = vector.broadcast %eq3A_2624 : i32 to vector<16xi32>
      %eq3A_2626 = arith.cmpi eq, %iota3A, %eq3A_2625 : vector<16xi32>
      %broadcast_in_dim3A_2627 = vector.broadcast %select_n3A_2623 : f32 to vector<16xf32>
      %select_n3A_2628 = arith.select %eq3A_2626, %broadcast_in_dim3A_2627, %select_n3A_2611 : vector<16xi1>, vector<16xf32>
      %gt3A_2629 = arith.constant 0 : i32
      %gt3A_2630 = arith.cmpi sgt, %reduce_min3A_2286, %gt3A_2629 : i32
      %gt3A_2631 = arith.constant 0 : i32
      %gt3A_2632 = arith.cmpi sgt, %reduce_min3A_2423, %gt3A_2631 : i32
      %and3A_2633 = arith.andi %gt3A_2630, %gt3A_2632 : i1
      %jit3A_2634 = arith.constant 2.000000e+00 : f32
      %jit3A_2635 = arith.constant 0.000000e+00 : f32
      %select_n3A_2636 = arith.select %gt3A_2632, %jit3A_2634, %jit3A_2635 : f32
      %jit3A_2637 = arith.constant 1.000000e+00 : f32
      %select_n3A_2638 = arith.select %gt3A_2630, %jit3A_2637, %select_n3A_2636 : f32
      %jit3A_2639 = arith.constant 3.000000e+00 : f32
      %select_n3A_2640 = arith.select %and3A_2633, %jit3A_2639, %select_n3A_2638 : f32
      %eq3A_2641 = arith.constant 7 : i32
      %eq3A_2642 = vector.broadcast %eq3A_2641 : i32 to vector<16xi32>
      %eq3A_2643 = arith.cmpi eq, %iota3A, %eq3A_2642 : vector<16xi32>
      %broadcast_in_dim3A_2644 = vector.broadcast %select_n3A_2640 : f32 to vector<16xf32>
      %select_n3A_2645 = arith.select %eq3A_2643, %broadcast_in_dim3A_2644, %select_n3A_2628 : vector<16xi1>, vector<16xf32>
      %swap3A_2646 = arith.constant 0 : index
      %swap3A_2647 = tpu.vector_load %arg11[%swap3A_2646] {strides = array<i32>} : memref<16xf32, #tpu.memory_space<vmem>>, vector<16xf32>,
      tpu.vector_store %arg11[%swap3A_2646], %select_n3A_2645 {strides = array<i32>} : memref<16xf32, #tpu.memory_space<vmem>>, vector<16xf32>,
      tpu.enqueue_dma source(%arg9 : memref<2048xf32, #tpu.memory_space<vmem>>) target(%arg4 : memref<2048xf32, #tpu.memory_space<hbm>>) target_semaphore(%arg12 : memref<!tpu.dma_semaphore, #tpu.memory_space<semaphore_mem>>)
      tpu.enqueue_dma source(%arg10 : memref<16xi32, #tpu.memory_space<vmem>>) target(%arg5 : memref<16xi32, #tpu.memory_space<hbm>>) target_semaphore(%arg12 : memref<!tpu.dma_semaphore, #tpu.memory_space<semaphore_mem>>)
      %dma_start3A_2648 = arith.constant 0 : i32
      %dma_start3A_2649 = tpu.memref_slice %arg11[%dma_start3A_2648] : memref<16xf32, #tpu.memory_space<vmem>> -> memref<8xf32, #tpu.memory_space<vmem>>
      %dma_start3A_2650 = arith.constant 0 : i32
      %dma_start3A_2651 = tpu.memref_slice %arg11[%dma_start3A_2650] : memref<16xf32, #tpu.memory_space<vmem>> -> memref<8xf32, #tpu.memory_space<vmem>>
      tpu.enqueue_dma source(%dma_start3A_2651 : memref<8xf32, #tpu.memory_space<vmem>>) target(%arg6 : memref<8xf32, #tpu.memory_space<hbm>>) target_semaphore(%arg12 : memref<!tpu.dma_semaphore, #tpu.memory_space<semaphore_mem>>)
      tpu.wait_dma2 semaphore(%arg12 : memref<!tpu.dma_semaphore, #tpu.memory_space<semaphore_mem>>) src(%arg9 : memref<2048xf32, #tpu.memory_space<vmem>>) dst(%arg4 : memref<2048xf32, #tpu.memory_space<hbm>>)
      tpu.wait_dma2 semaphore(%arg12 : memref<!tpu.dma_semaphore, #tpu.memory_space<semaphore_mem>>) src(%arg10 : memref<16xi32, #tpu.memory_space<vmem>>) dst(%arg5 : memref<16xi32, #tpu.memory_space<hbm>>)
      %dma_wait3A_2652 = arith.constant 0 : i32
      %dma_wait3A_2653 = tpu.memref_slice %arg11[%dma_wait3A_2652] : memref<16xf32, #tpu.memory_space<vmem>> -> memref<8xf32, #tpu.memory_space<vmem>>
      %dma_wait3A_2654 = arith.constant 0 : i32
      %dma_wait3A_2655 = tpu.memref_slice %arg11[%dma_wait3A_2654] : memref<16xf32, #tpu.memory_space<vmem>> -> memref<8xf32, #tpu.memory_space<vmem>>
      tpu.wait_dma2 semaphore(%arg12 : memref<!tpu.dma_semaphore, #tpu.memory_space<semaphore_mem>>) src(%dma_wait3A_2655 : memref<8xf32, #tpu.memory_space<vmem>>) dst(%arg6 : memref<8xf32, #tpu.memory_space<hbm>>)
    } else {
    }
    return
  }
}

module attributes {stable_mosaic.version = 14 : i64} {
  func.func @_score_kernel(%arg0: i32, %arg1: memref<8x2x128x128xf32, #tpu.memory_space<vmem>>, %arg2: memref<128x128xf32, #tpu.memory_space<vmem>>, %arg3: memref<1x128xf32, #tpu.memory_space<vmem>>, %arg4: memref<128x1xf32, #tpu.memory_space<vmem>>, %arg5: memref<1x1xf32, #tpu.memory_space<vmem>>, %arg6: memref<1x2048xf32, #tpu.memory_space<vmem>>) attributes {dimension_semantics = [#tpu.dimension_semantics<arbitrary>], iteration_bounds = array<i64: 1>, scalar_prefetch = 0 : i64, scratch_operands = 0 : i64, tpu.core_type = #tpu.core_type<tc>, window_params = [{transform_indices = @transform_0, window_bounds = array<i64: 8, 2, 128, 128>}, {pipeline_mode = #tpu.pipeline_mode<synchronous>, transform_indices = @transform_1, window_bounds = array<i64: 128, 128>}, {pipeline_mode = #tpu.pipeline_mode<synchronous>, transform_indices = @transform_2, window_bounds = array<i64: 1, 128>}, {pipeline_mode = #tpu.pipeline_mode<synchronous>, transform_indices = @transform_3, window_bounds = array<i64: 128, 1>}, {pipeline_mode = #tpu.pipeline_mode<synchronous>, transform_indices = @transform_4, window_bounds = array<i64: 1, 1>}, {pipeline_mode = #tpu.pipeline_mode<synchronous>, transform_indices = @transform_5, window_bounds = array<i64: 1, 2048>}]} {
    %get3A = arith.constant 0 : index
    %get3A_0 = arith.constant 0 : index
    %get3A_1 = arith.constant 0 : index
    %get3A_2 = arith.constant 0 : index
    %get3A_3 = vector.load %arg1[%get3A, %get3A_0, %get3A_1, %get3A_2] : memref<8x2x128x128xf32, #tpu.memory_space<vmem>>, vector<8x2x128x128xf32>
    %reshape3A = vector.shape_cast %get3A_3 : vector<8x2x128x128xf32> to vector<2048x128xf32>
    %get3A_4 = arith.constant 0 : index
    %get3A_5 = arith.constant 0 : index
    %get3A_6 = vector.load %arg2[%get3A_4, %get3A_5] : memref<128x128xf32, #tpu.memory_space<vmem>>, vector<128x128xf32>
    %dot_general3A = arith.constant dense<0.000000e+00> : vector<2048x128xf32>
    %dot_general3A_7 = tpu.matmul %reshape3A, %get3A_6, %dot_general3A {dimension_numbers = #tpu.dot_dimension_numbers<[1], [0], [0], [1], [0, 0, 1, 1], [], []>, transpose_lhs_hint = false} : vector<2048x128xf32>, vector<128x128xf32>, vector<2048x128xf32> -> vector<2048x128xf32>
    %get3A_8 = arith.constant 0 : index
    %get3A_9 = arith.constant 0 : index
    %get3A_10 = vector.load %arg3[%get3A_8, %get3A_9] : memref<1x128xf32, #tpu.memory_space<vmem>>, vector<1x128xf32>
    %add3A = vector.broadcast %get3A_10 : vector<1x128xf32> to vector<2048x128xf32>
    %add3A_11 = arith.addf %dot_general3A_7, %add3A : vector<2048x128xf32>
    %max3A = arith.constant 0.000000e+00 : f32
    %max3A_12 = vector.broadcast %max3A : f32 to vector<2048x128xf32>
    %max3A_13 = arith.maximumf %add3A_11, %max3A_12 : vector<2048x128xf32>
    %get3A_14 = arith.constant 0 : index
    %get3A_15 = arith.constant 0 : index
    %get3A_16 = vector.load %arg4[%get3A_14, %get3A_15] : memref<128x1xf32, #tpu.memory_space<vmem>>, vector<128x1xf32>
    %dot_general3A_17 = arith.constant dense<0.000000e+00> : vector<1x2048xf32>
    %dot_general3A_18 = tpu.matmul %get3A_16, %max3A_13, %dot_general3A_17 {dimension_numbers = #tpu.dot_dimension_numbers<[0], [1], [1], [0], [0, 1, 1, 0], [], []>, transpose_lhs_hint = false} : vector<128x1xf32>, vector<2048x128xf32>, vector<1x2048xf32> -> vector<1x2048xf32>
    %get3A_19 = arith.constant 0 : index
    %get3A_20 = arith.constant 0 : index
    %get3A_21 = vector.load %arg5[%get3A_19, %get3A_20] : memref<1x1xf32, #tpu.memory_space<vmem>>, vector<1x1xf32>
    %add3A_22 = vector.broadcast %get3A_21 : vector<1x1xf32> to vector<1x2048xf32>
    %add3A_23 = arith.addf %dot_general3A_18, %add3A_22 : vector<1x2048xf32>
    %swap3A = arith.constant 0 : index
    %swap3A_24 = arith.constant 0 : index
    %swap3A_25 = vector.load %arg6[%swap3A, %swap3A_24] : memref<1x2048xf32, #tpu.memory_space<vmem>>, vector<1x2048xf32>
    tpu.vector_store %arg6[%swap3A, %swap3A_24], %add3A_23 {strides = array<i32>} : memref<1x2048xf32, #tpu.memory_space<vmem>>, vector<1x2048xf32>,
    return
  }
  func.func @transform_0(%arg0: i32) -> (i32, i32, i32, i32) {
    %c0_i32 = arith.constant 0 : i32
    %c0_i32_0 = arith.constant 0 : i32
    %c0_i32_1 = arith.constant 0 : i32
    %c0_i32_2 = arith.constant 0 : i32
    %c0_i32_3 = arith.constant 0 : i32
    return %c0_i32, %c0_i32_0, %c0_i32_1, %c0_i32_2 : i32, i32, i32, i32
  }
  func.func @transform_1(%arg0: i32) -> (i32, i32) {
    %c0_i32 = arith.constant 0 : i32
    %c0_i32_0 = arith.constant 0 : i32
    %c0_i32_1 = arith.constant 0 : i32
    return %c0_i32, %c0_i32_0 : i32, i32
  }
  func.func @transform_2(%arg0: i32) -> (i32, i32) {
    %c0_i32 = arith.constant 0 : i32
    %c0_i32_0 = arith.constant 0 : i32
    %c0_i32_1 = arith.constant 0 : i32
    return %c0_i32, %c0_i32_0 : i32, i32
  }
  func.func @transform_3(%arg0: i32) -> (i32, i32) {
    %c0_i32 = arith.constant 0 : i32
    %c0_i32_0 = arith.constant 0 : i32
    %c0_i32_1 = arith.constant 0 : i32
    return %c0_i32, %c0_i32_0 : i32, i32
  }
  func.func @transform_4(%arg0: i32) -> (i32, i32) {
    %c0_i32 = arith.constant 0 : i32
    %c0_i32_0 = arith.constant 0 : i32
    %c0_i32_1 = arith.constant 0 : i32
    return %c0_i32, %c0_i32_0 : i32, i32
  }
  func.func @transform_5(%arg0: i32) -> (i32, i32) {
    %c0_i32 = arith.constant 0 : i32
    %c0_i32_0 = arith.constant 0 : i32
    %c0_i32_1 = arith.constant 0 : i32
    return %c0_i32, %c0_i32_0 : i32, i32
  }
}

</mosaic_0001>

<sc_bundles>
// kernel: kernel.4.cloned.1.call-start
scs
__scs_entry_jumppad:
0x0: {  	(pc) =	sbr.rel $0x88, $3  }
0x1: {  	(tag) =	ssettag $0x0;
	lr =	simm.s32 $0x1  }
0x2: {  	[smem:$0x3F9B] =	sst lr;
	_ =	strace $0xD0000000  }
0x3: {  	_ = 	snop  }
0x4: {  	_ = 	snop  }
0x5: {  	_ = 	snop  }
0x6: {  	_ = 	snop  }
0x7: {  	_ = 	snop  }
__scs_overlays_trampoline_lowered:
0x8: {  	[smem:$0x3FAA] =	sst s0  }
0x9: {  	[smem:$0x3FAB] =	sst s1  }
0xa: {  	[smem:$0x3FAC] =	sst s2  }
0xb: {  	[smem:$0x3FAD] =	sst s3  }
0xc: {  	[smem:$0x3FAE] =	sst s4  }
0xd: {  	[smem:$0x3FAF] =	sst s5  }
0xe: {  	[smem:$0x3FB0] =	sst s6  }
0xf: {  	[smem:$0x3FB1] =	sst s7  }
0x10: {  	[smem:$0x3FB2] =	sst s8  }
0x11: {  	[smem:$0x3FB3] =	sst s9;
	s0 =	simm.s32 @!p0 $0x0  }
0x12: {  	s1 =	sld [smem:$0x3F99];
	s0 =	simm.s32 @p0 $0x1  }
0x13: {  	[smem:$0x3FB4] =	sst s0;
	s0 =	simm.s32 @!p1 $0x0  }
0x14: {  	s2 =	sld [smem:$0x3F98];
	s0 =	simm.s32 @p1 $0x1  }
0x15: {  	[smem:$0x3FB5] =	sst s0;
	s0 =	simm.s32 @!p2 $0x0  }
0x16: {  	s3 =	sld [smem:$0x3FDB];
	s0 =	simm.s32 @p2 $0x1  }
0x17: {  	s4 =	simm.s32 $0x1BF5;
	[smem:$0x3FB7] =	sst s0  }
0x18: {  	s0 =	sld [smem:$0x3F9A];
	_ =	swait.ge [sflag:s4], $0x0  }
0x19: {  	s7 =	sld [smem:$0x3F9B]  }
0x1a: {  	s8 =	sadd.s32 $0xFFFFE003, lr  }
0x1b: {  	s9 =	sadd.s32 $0xFFFFFEF7, lr;
	s5 =	simm.s32 $0xFFFFFFFF;
	p2 =	slt.u32 s8, $0xFFFFF086  }
0x1c: {  	p1 =	slt.u32 s9, $0xF7A;
	s5 =	simm.s32 @!p2 $0x0  }
0x1d: {  	s5 =	simm.s32 @p1 $0x1;
	p0 =	seq.s32 s7, s2  }
0x1e: {  	s7 =	smul.u32 @!p0 $0xF7A, s2;
	p2 =	seq.s32 @!p0 s5, $0x0  }
0x1f: {  	s9 =	smul.u32 $0xF7A, s1;
	s8 =	simm.s32 @!p0 $0x1BF5;
	p2 =	por !p2, p0  }
0x20: {  	[sflag:s8] =	ssyncset.s32 @!p0 $0xFFFFF086;
	s6 =	sadd.s32 @!p0 s3, s7;
	s7 =	simm.s32 @!p0 $0x108  }
0x21: {  	s3 =	sadd.s32 s3, s9;
	s6 =	sadd.s32 @!p0 $0x88, s6;
	s7 =	simm.s32 @p2 $0x1082  }
0x22: {  	[simem:s7], [sflag:s8] =	dma.local @!p0 [hbm:s6], $0xF7A  }
0x23: {  	s9 =	sor.u32 $0xD0000000, s2;
	s6 =	simm.s32 $0x108;
	_ =	swait.ge @!p0 [sflag:s8], $0x0  }
0x24: {  	s3 =	sadd.s32 $0x88, s3;
	s6 =	simm.s32 @!p1 $0x1082;
	[sflag:s4] =	ssyncset.s32 $0xFFFFF086  }
0x25: {  	[simem:s6], [sflag:s4] =	dma.local [hbm:s3], $0xF7A  }
0x26: {  	[smem:$0x3F9B] =	sst s1;
	(tag) =	ssettag s2;
	_ =	strace s9  }
0x27: {  	s1 =	sld [smem:$0x3FAB]  }
0x28: {  	s2 =	sld [smem:$0x3FAC]  }
0x29: {  	s4 =	sld [smem:$0x3FAE]  }
0x2a: {  	p0 =	seq.s32 s5, $0x0;
	s5 =	sld [smem:$0x3FAF]  }
0x2b: {  	s6 =	sld [smem:$0x3FB0]  }
0x2c: {  	s7 =	sld [smem:$0x3FB1]  }
0x2d: {  	s3 =	simm.s32 $0x108;
	s8 =	sld [smem:$0x3FB2]  }
0x2e: {  	s3 =	simm.s32 @!p0 $0x1082;
	s9 =	sld [smem:$0x3FB3]  }
0x2f: {  	lr =	sadd.s32 s0, s3;
	s0 =	sld [smem:$0x3FAA]  }
0x30: {  	s3 =	sld [smem:$0x3FAD]  }
0x31: {  	[smem:$0x3FB6] =	sst s10  }
0x32: {  	s10 =	sld [smem:$0x3FB4];
	_ =	sdelay $0x3  }
0x33: {  	p0 =	seq.s32 s10, $0x1;
	s10 =	sld [smem:$0x3FB6];
	_ =	sdelay $0x3  }
0x34: {  	[smem:$0x3FB6] =	sst s10  }
0x35: {  	s10 =	sld [smem:$0x3FB5];
	_ =	sdelay $0x3  }
0x36: {  	p1 =	seq.s32 s10, $0x1;
	s10 =	sld [smem:$0x3FB6];
	_ =	sdelay $0x3  }
0x37: {  	[smem:$0x3FB6] =	sst s10  }
0x38: {  	s10 =	sld [smem:$0x3FB7]  }
0x39: {  	_ = 	snop;
	(pc) =	sbr.ind lr, $3  }
0x3a: {  	_ = 	snop  }
0x3b: {  	_ = 	snop  }
0x3c: {  	p2 =	seq.s32 s10, $0x1;
	s10 =	sld [smem:$0x3FB6]  }
0x3d: {  	_ =	shalt  }
0x3e: {  	_ =	shalt  }
0x3f: {  	_ =	shalt  }
0x40: {  	_ =	shalt  }
0x41: {  	_ =	shalt  }
0x42: {  	_ =	shalt  }
0x43: {  	_ =	shalt  }
0x44: {  	_ =	shalt  }
0x45: {  	_ =	shalt  }
0x46: {  	_ =	shalt  }
0x47: {  	_ =	shalt  }
0x48: {  	_ =	shalt  }
0x49: {  	_ =	shalt  }
0x4a: {  	_ =	shalt  }
0x4b: {  	_ =	shalt  }
0x4c: {  	_ =	shalt  }
0x4d: {  	_ =	shalt  }
0x4e: {  	_ =	shalt  }
0x4f: {  	_ =	shalt  }
0x50: {  	_ =	shalt  }
0x51: {  	_ =	shalt  }
0x52: {  	_ =	shalt  }
0x53: {  	_ =	shalt  }
0x54: {  	_ =	shalt  }
0x55: {  	_ =	shalt  }
0x56: {  	_ =	shalt  }
0x57: {  	_ =	shalt  }
0x58: {  	_ =	shalt  }
0x59: {  	_ =	shalt  }
0x5a: {  	_ =	shalt  }
0x5b: {  	_ =	shalt  }
0x5c: {  	_ =	shalt  }
0x5d: {  	_ =	shalt  }
0x5e: {  	_ =	shalt  }
0x5f: {  	_ =	shalt  }
0x60: {  	_ =	shalt  }
0x61: {  	_ =	shalt  }
0x62: {  	_ =	shalt  }
0x63: {  	_ =	shalt  }
0x64: {  	_ =	shalt  }
0x65: {  	_ =	shalt  }
0x66: {  	_ =	shalt  }
0x67: {  	_ =	shalt  }
0x68: {  	_ =	shalt  }
0x69: {  	_ =	shalt  }
0x6a: {  	_ =	shalt  }
0x6b: {  	_ =	shalt  }
0x6c: {  	_ =	shalt  }
0x6d: {  	_ =	shalt  }
0x6e: {  	_ =	shalt  }
0x6f: {  	_ =	shalt  }
0x70: {  	_ =	shalt  }
0x71: {  	_ =	shalt  }
0x72: {  	_ =	shalt  }
0x73: {  	_ =	shalt  }
0x74: {  	_ =	shalt  }
0x75: {  	_ =	shalt  }
0x76: {  	_ =	shalt  }
0x77: {  	_ =	shalt  }
0x78: {  	_ =	shalt  }
0x79: {  	_ =	shalt  }
0x7a: {  	_ =	shalt  }
0x7b: {  	_ =	shalt  }
0x7c: {  	_ =	shalt  }
0x7d: {  	_ =	shalt  }
0x7e: {  	_ =	shalt  }
0x7f: {  	_ =	shalt  }
0x80: {  	_ =	shalt  }
0x81: {  	_ =	shalt  }
0x82: {  	_ =	shalt  }
0x83: {  	_ =	shalt  }
0x84: {  	_ =	shalt  }
0x85: {  	_ =	shalt  }
0x86: {  	_ =	shalt  }
0x87: {  	_ =	shalt  }
.Lfunc_end0:
.L_simem_size_0:
called_computation_lowered:
.L_overlay_start_0:
0x88: {  	s2 =	sld [smem:$0x3FD9]  }
0x89: {  	s3 =	sld [smem:$0x3FFE];
	_ =	sdelay $0x1  }
0x8a: {  	s1 =	srdreg.scid  }
0x8b: {  	s0 =	sand.u32 $0x1, s1  }
0x8c: {  	s14 =	sshll.u32 s0, $0xA;
	s2 =	sadd.s32 s3, s2  }
0x8d: {  	s2 =	sadd.s32 s2, s14  }
0x8e: {  	[smem:$0x3FC2] =	sst s2  }
0x8f: {  	_ = 	snop  }
0x90: {  	s2 =	sld [smem:$0x3FD0];
	_ =	sdelay $0x2  }
0x91: {  	s4 =	simm.s32 $0xA;
	s5 =	simm.s32 $0x10;
	s15 =	sld [smem:$0x3FC8]  }
0x92: {  	[smem:s5], [sflag:s4] =	dma.local [hbm:s2], $0x1  }
0x93: {  	_ =	swait.eq [sflag:s4], $0x1  }
0x94: {  	s16 =	sld [smem:$0x10];
	[sflag:s4] =	ssyncset.done $0x0  }
0x95: {  	s17 =	sld [smem:$0x11];
	[sflag:s4] =	ssyncadd.s32 $0xFFFFFFFF  }
0x96: {  	s18 =	sld [smem:$0x12];
	(tm) =	ssettm $0x1  }
0x97: {  	s6 =	sld [smem:$0x3FFB];
	_ =	sdelay $0x3  }
0x98: {  	_ =	strace s6  }
0x99: {  	s6 =	sld [smem:$0x3FFC];
	_ =	sdelay $0x3  }
0x9a: {  	_ =	strace s6  }
0x9b: {  	s6 =	sld [smem:$0x3FFD];
	_ =	sdelay $0x3  }
0x9c: {  	_ =	strace s6  }
0x9d: {  	_ =	strace $0x8FFFFFFF  }
0x9e: {  	s19 =	sld [smem:$0x3FDB];
	_ =	sdelay $0x1  }
0x9f: {  	s7 =	simm.s32 $_scs_section_size  }
0xa0: {  	s8 =	simm.s32 $_size__tile_overlayer_lowered;
	s9 =	simm.s32 $_tile_overlayer_lowered  }
0xa1: {  	s22 =	simm.s32 $0x1BFF;
	s21 =	sshll.u32 s9, $0x1;
	s6 =	sadd.s32 s7, s19  }
0xa2: {  	s10 =	simm.s32 $0x0;
	s20 =	sshll.u32 s8, $0x1;
	s8 =	sadd.s32 s21, s6  }
0xa3: {  	[timem:s10], [sflag:s22] =	dma.local [hbm:s8], s20  }
0xa4: {  	_ =	swait.ge [sflag:s22], s20  }
0xa5: {  	s7 =	ssub.s32 $0x0, s20;
	[sflag:s22] =	ssyncset.done $0x0  }
0xa6: {  	[sflag:s22] =	ssyncadd.s32 s7;
	_ =	sdelay $0x1  }
0xa7: {  	s23 =	simm.s32 $0x1B8B  }
0xa8: {  	_ =	swait.ge [sflag:s23], $0x1  }
0xa9: {  	[sflag:s23] =	ssyncset.done $0x0  }
0xaa: {  	s25 =	simm.s32 $0x1B8E;
	s24 =	sld [smem:$0x3FFE];
	[sflag:s23] =	ssyncadd.s32 $0xFFFFFFFF  }
0xab: {  	s26 =	simm.s32 $execute0_lowered;
	[smem:$0x3FD2] =	sst s25  }
0xac: {  	s8 =	sshll.u32 s26, $0x1;
	_ =	strace $0x80000046;
	[dreg:$0x1] =	wrdreg $0xFFFFFFFF  }
0xad: {  	s28 =	simm.s32 $_size_execute0_lowered;
	s6 =	sadd.s32 s6, s8;
	[dreg:$0x0] =	wrdreg $0x0  }
0xae: {  	s8 =	sshll.u32 s28, $0x1;
	[dreg:$0x2] =	wrdreg s6  }
0xaf: {  	[dreg:$0x3] =	wrdreg s8  }
0xb0: {  	[dreg:$0x4] =	wrdreg $0xC0  }
0xb1: {  	_ =	task [dreg:s10], $0x5FFFF  }
0xb2: {  	[dreg:$0x1] =	wrdreg $0xFFFFFFFF  }
0xb3: {  	[dreg:$0x0] =	wrdreg $0x60  }
0xb4: {  	[dreg:$0x2] =	wrdreg s24  }
0xb5: {  	[dreg:$0x3] =	wrdreg s15  }
0xb6: {  	[dreg:$0x4] =	wrdreg s17  }
0xb7: {  	[dreg:$0x5] =	wrdreg s16  }
0xb8: {  	[dreg:$0x6] =	wrdreg s18  }
0xb9: {  	[dreg:$0x7] =	wrdreg $0x9  }
0xba: {  	_ =	task.clear_ibuf [dreg:s10], $0x8FFFF;
	_ =	strace $0x90000046  }
0xbb: {  	s29 =	simm.s32 $0x9;
	_ =	strace $0x80000048  }
0xbc: {  	_ =	swait.ge [sflag:s29], $0x1  }
0xbd: {  	[sflag:s29] =	ssyncadd.s32 $0xFFFFFFFF  }
0xbe: {  	_ =	strace $0x90000048  }
0xbf: {  	_ =	sfence  }
0xc0: {  	s30 =	sld [smem:$0x0];
	_ =	sdelay $0x2  }
0xc1: {  	s31 =	sshll.u32 s1, $0xD;
	s1 =	sshrl.u32 s1, $0x2  }
0xc2: {  	s3 =	sand.u32 $0x4000, s31;
	s1 =	sadd.s32 s1, s30  }
0xc3: {  	s0 =	sor.u32 s3, s0;
	s1 =	sshll.u32 s1, $0x11  }
0xc4: {  	s0 =	sor.u32 s1, s0  }
0xc5: {  	s0 =	sadd.s32 $0x8F2B, s0  }
0xc6: {  	[sflag:s0] =	ssyncadd.remote.s32 $0x1  }
0xc7: {  	_ =	sfence.sel $0xFFFF  }
0xc8: {  	[dreg:$0x0] =	wrdreg $0xFFFFFFFF;
	(pc) =	sbr.abs _section_cstart, $3  }
0xc9: {  	[dreg:$0x1] =	wrdreg $0xFFFFFFFF  }
0xca: {  	_ =	task.clear_ibuf [dreg:s10], $0x2FFFF;
	_ =	strace $0x9FFFFFFF  }
0xcb: {  	(tm) =	ssettm $0x7FFFFFFF  }
tec
execute0_lowered:
.L_overlay_start_1:
0x0: {  	(tag) =	ssettag $0x1  }
0x1: {  	s5 =	rddreg [dreg:$0x0]  }
0x2: {  	s0 =	rddreg [dreg:$0x1];
	s2 =	srdreg.scid  }
0x3: {  	s1 =	rddreg [dreg:$0x2];
	s4 =	sand.u32 $0x1, s2;
	s2 =	stileid.u32  }
0x4: {  	s30 =	rddreg [dreg:$0x3];
	s6 =	sor.u32 s2, s4  }
0x5: {  	s31 =	rddreg [dreg:$0x4];
	p0 =	sne.s32 s6, $0x0  }
.Ltmp0:
0x6: {  	[dreg:$0x7] =	wrdreg s1;
	(pc) =	sbr.rel @p0 .LBB2_3-.Ltmp0, $4  }
0x7: {  	[dreg:$0x8] =	wrdreg s30  }
0x8: {  	s3 =	simm.s32 $0x0;
	[dreg:$0x9] =	wrdreg s31  }
0x9: {  	[smem:$0x7FF] =	sst s3  }
0xa: {  	s1 =	rddreg [dreg:$0x5];
	_ =	strace $0x80000047  }
0xb: {  	s5 =	sadd.s32 $0xE00, s5  }
0xc: {  	s14 =	sadd.s32 $0x3800, s0;
	[dreg:$0x6] =	wrdreg s5  }
0xd: {  	s15 =	sadd.s32 $0x3000, s0;
	[dreg:$0x10] =	wrdreg s14  }
0xe: {  	s16 =	sadd.s32 $0x2800, s0;
	[dreg:$0xf] =	wrdreg s15  }
0xf: {  	s17 =	sadd.s32 $0x2000, s0;
	[dreg:$0xe] =	wrdreg s16  }
0x10: {  	s18 =	sadd.s32 $0x1800, s0;
	[dreg:$0xd] =	wrdreg s17  }
0x11: {  	s19 =	sadd.s32 $0x1000, s0;
	[dreg:$0xc] =	wrdreg s18  }
0x12: {  	s20 =	sadd.s32 $0x800, s0;
	[dreg:$0xb] =	wrdreg s19  }
0x13: {  	s21 =	simm.s32 $0x800;
	[dreg:$0xa] =	wrdreg s20  }
0x14: {  	s22 =	simm.s32 $0x900;
	[dreg:$0x11] =	wrdreg s21  }
0x15: {  	s23 =	simm.s32 $0xA00;
	[dreg:$0x12] =	wrdreg s22  }
0x16: {  	s24 =	simm.s32 $0xB00;
	[dreg:$0x13] =	wrdreg s23  }
0x17: {  	s25 =	simm.s32 $0xC00;
	[dreg:$0x14] =	wrdreg s24  }
0x18: {  	s6 =	simm.s32 $0xD00;
	[dreg:$0x15] =	wrdreg s25  }
0x19: {  	s7 =	simm.s32 $0xE00;
	[dreg:$0x16] =	wrdreg s6  }
0x1a: {  	s26 =	simm.s32 $0xF00;
	[dreg:$0x17] =	wrdreg s7  }
0x1b: {  	v0 =	vlaneseq.u32;
	s28 =	simm.s32 $0x1000;
	s4 =	ssub.s32 $0x2, s4;
	[dreg:$0x18] =	wrdreg s26  }
0x1c: {  	vm7 =	vcmask $0x1F1C;
	s29 =	simm.s32 $0x1800;
	s31 =	simm.s32 $0x1880;
	v33 =	vor.u32 $0x80000000, v0;
	v2 =	vor.u32 $0x80000010, v0;
	[dreg:$0x19] =	wrdreg s28  }
0x1d: {  	v3 =	vor.u32 $0x80000020, v0;
	v4 =	vor.u32 $0x80000030, v0;
	v5 =	vor.u32 $0x80000040, v0;
	s30 =	sshrl.u32 s4, $0x1;
	[dreg:$0x1a] =	wrdreg s29  }
0x1e: {  	v6 =	vor.u32 $0x80000050, v0;
	v7 =	vor.u32 $0x80000060, v0;
	v8 =	vor.u32 $0x80000070, v0;
	s5 =	simm.s32 $0x1;
	[dreg:$0x1b] =	wrdreg s31;
	s4 =	ssub.s32 s4, s30  }
.LBB2_2:
0x1f: {  	s6 =	rddreg [dreg:$0x6]  }
0x20: {  	s16 =	rddreg [dreg:$0x11]  }
0x21: {  	s7 =	rddreg [dreg:$0xa]  }
0x22: {  	s8 =	rddreg [dreg:$0x12]  }
0x23: {  	s17 =	rddreg [dreg:$0xb]  }
0x24: {  	s18 =	rddreg [dreg:$0x13]  }
0x25: {  	s19 =	rddreg [dreg:$0xc]  }
0x26: {  	s9 =	rddreg [dreg:$0x14]  }
0x27: {  	[tilespmem:s3], [sflag:$0x1] =	stream.linear.gather [hbm4b:s6+s3], $0x800, $0x38;
	[tilespmem:$0x1900] =	vst v63  }
0x28: {  	s20 =	rddreg [dreg:$0xd]  }
0x29: {  	[tilespmem:s16], [sflag:$0x1] =	stream.linear.gather [hbm4b:s0+s3], $0x100, $0x38;
	[tilespmem:$0x1900] =	vst v63  }
0x2a: {  	s21 =	rddreg [dreg:$0x15]  }
0x2b: {  	[tilespmem:s8], [sflag:$0x1] =	stream.linear.gather [hbm4b:s7+s3], $0x100, $0x38;
	[tilespmem:$0x1900] =	vst v63  }
0x2c: {  	s22 =	rddreg [dreg:$0xe]  }
0x2d: {  	[tilespmem:s18], [sflag:$0x1] =	stream.linear.gather [hbm4b:s17+s3], $0x100, $0x38;
	[tilespmem:$0x1900] =	vst v63  }
0x2e: {  	s23 =	rddreg [dreg:$0x16]  }
0x2f: {  	[tilespmem:s9], [sflag:$0x1] =	stream.linear.gather [hbm4b:s19+s3], $0x100, $0x38;
	[tilespmem:$0x1900] =	vst v63  }
0x30: {  	s24 =	rddreg [dreg:$0xf]  }
0x31: {  	[tilespmem:s21], [sflag:$0x1] =	stream.linear.gather [hbm4b:s20+s3], $0x100, $0x38;
	[tilespmem:$0x1900] =	vst v63  }
0x32: {  	s25 =	rddreg [dreg:$0x17]  }
0x33: {  	[tilespmem:s23], [sflag:$0x1] =	stream.linear.gather [hbm4b:s22+s3], $0x100, $0x38;
	[tilespmem:$0x1900] =	vst v63  }
0x34: {  	s26 =	rddreg [dreg:$0x10]  }
0x35: {  	[tilespmem:s25], [sflag:$0x1] =	stream.linear.gather [hbm4b:s24+s3], $0x100, $0x38;
	[tilespmem:$0x1900] =	vst v63  }
0x36: {  	s28 =	rddreg [dreg:$0x18]  }
0x37: {  	[tilespmem:s28], [sflag:$0x1] =	stream.linear.gather [hbm4b:s26+s3], $0x100, $0x38;
	[tilespmem:$0x1900] =	vst v63  }
0x38: {  	_ =	swait.ge [sflag:s5], $0x800  }
0x39: {  	[sflag:s5] =	ssyncset.done $0x0  }
0x3a: {  	[sflag:s5] =	ssyncadd.s32 $0xFFFFF800  }
0x3b: {  	_ =	swait.ge [sflag:s5], $0x100  }
0x3c: {  	[sflag:s5] =	ssyncset.done $0x0  }
0x3d: {  	[sflag:s5] =	ssyncadd.s32 $0xFFFFFF00  }
0x3e: {  	_ =	swait.ge [sflag:s5], $0x100  }
0x3f: {  	[sflag:s5] =	ssyncset.done $0x0  }
0x40: {  	[sflag:s5] =	ssyncadd.s32 $0xFFFFFF00  }
0x41: {  	_ =	swait.ge [sflag:s5], $0x100  }
0x42: {  	[sflag:s5] =	ssyncset.done $0x0  }
0x43: {  	[sflag:s5] =	ssyncadd.s32 $0xFFFFFF00  }
0x44: {  	_ =	swait.ge [sflag:s5], $0x100  }
0x45: {  	[sflag:s5] =	ssyncset.done $0x0  }
0x46: {  	[sflag:s5] =	ssyncadd.s32 $0xFFFFFF00  }
0x47: {  	_ =	swait.ge [sflag:s5], $0x100  }
0x48: {  	[sflag:s5] =	ssyncset.done $0x0  }
0x49: {  	[sflag:s5] =	ssyncadd.s32 $0xFFFFFF00  }
0x4a: {  	_ =	swait.ge [sflag:s5], $0x100  }
0x4b: {  	[sflag:s5] =	ssyncset.done $0x0  }
0x4c: {  	[sflag:s5] =	ssyncadd.s32 $0xFFFFFF00  }
0x4d: {  	_ =	swait.ge [sflag:s5], $0x100  }
0x4e: {  	[sflag:s5] =	ssyncset.done $0x0  }
0x4f: {  	[sflag:s5] =	ssyncadd.s32 $0xFFFFFF00  }
0x50: {  	_ =	swait.ge [sflag:s5], $0x100  }
0x51: {  	[sflag:s5] =	ssyncset.done $0x0  }
0x52: {  	[sflag:s5] =	ssyncadd.s32 $0xFFFFFF00  }
0x53: {  	v0 =	vld [tilespmem:$0x0]  }
0x54: {  	v1 =	vld [tilespmem:$0x800]  }
0x55: {  	v9 =	vld [tilespmem:$0x10]  }
0x56: {  	v10 =	vld [tilespmem:$0x810]  }
0x57: {  	v11 =	vld [tilespmem:$0x20]  }
0x58: {  	v12 =	vld [tilespmem:$0x820]  }
0x59: {  	v13 =	vld [tilespmem:$0x30]  }
0x5a: {  	v14 =	vld [tilespmem:$0x830]  }
0x5b: {  	v15 =	vld [tilespmem:$0x40]  }
0x5c: {  	v16 =	vld [tilespmem:$0x840]  }
0x5d: {  	v17 =	vld [tilespmem:$0x50]  }
0x5e: {  	v18 =	vld [tilespmem:$0x850]  }
0x5f: {  	v19 =	vld [tilespmem:$0x60]  }
0x60: {  	v20 =	vld [tilespmem:$0x860]  }
0x61: {  	v21 =	vld [tilespmem:$0x70]  }
0x62: {  	v22 =	vld [tilespmem:$0x870]  }
0x63: {  	v23 =	vld [tilespmem:$0x80]  }
0x64: {  	v24 =	vld [tilespmem:$0x880]  }
0x65: {  	v25 =	vld [tilespmem:$0x90]  }
0x66: {  	v26 =	vld [tilespmem:$0x890]  }
0x67: {  	v27 =	vld [tilespmem:$0xA0]  }
0x68: {  	v28 =	vld [tilespmem:$0x8A0]  }
0x69: {  	v29 =	vld [tilespmem:$0xB0]  }
0x6a: {  	v30 =	vld [tilespmem:$0x8B0]  }
0x6b: {  	v31 =	vld [tilespmem:$0xC0]  }
0x6c: {  	v34 =	vlaneseq.u32;
	v32 =	vld [tilespmem:$0x8C0]  }
0x6d: {  	vm8 =	veq.s32 v34, $0x1;
	v53 =	vld [tilespmem:$0xF0]  }
0x6e: {  	v54 =	vld [tilespmem:$0x8F0];
	v1 =	vsel vm8, $0x0, v1  }
0x6f: {  	v55 =	vld [tilespmem:$0x100];
	v36 =	vmul.f32 v10, v9;
	v48 =	vmul.f32 v1, v0  }
0x70: {  	v56 =	vld [tilespmem:$0x900]  }
0x71: {  	v63 =	vld [tilespmem:$0x920];
	v40 =	vmul.f32 v12, v11;
	vm0 =	vgt.f32 v36, v48  }
0x72: {  	v42 =	vld [tilespmem:$0x930];
	v10 =	vsel vm0, v36, v48  }
0x73: {  	v57 =	vld [tilespmem:$0x140];
	v43 =	vmul.f32 v14, v13;
	vm2 =	vgt.f32 v40, v10  }
0x74: {  	v58 =	vld [tilespmem:$0x940];
	v10 =	vsel vm2, v40, v10  }
0x75: {  	v60 =	vld [tilespmem:$0x960];
	v45 =	vmul.f32 v16, v15;
	vm9 =	vgt.f32 v43, v10  }
0x76: {  	v61 =	vld [tilespmem:$0x970];
	v10 =	vsel vm9, v43, v10  }
0x77: {  	v44 =	vld [tilespmem:$0x9E0];
	v46 =	vmul.f32 v18, v17;
	vm10 =	vgt.f32 v45, v10  }
0x78: {  	v9 =	vld [tilespmem:$0xE0];
	v10 =	vsel vm10, v45, v10  }
0x79: {  	vm15 =	veq.s32 v34, $0x0;
	v11 =	vld [tilespmem:$0x8E0];
	v41 =	vmul.f32 v20, v19;
	vm11 =	vgt.f32 v46, v10  }
0x7a: {  	v16 =	vld [tilespmem:$0x110];
	v38 =	vmul.f32 v22, v21;
	v62 =	vsel vm15, $0x0, v24;
	v10 =	vsel vm11, v46, v10  }
0x7b: {  	v17 =	vld [tilespmem:$0x910];
	v34 =	vmul.f32 v26, v25;
	v37 =	vmul.f32 v62, v23;
	vm12 =	vgt.f32 v41, v10  }
0x7c: {  	v18 =	vld [tilespmem:$0x120];
	v10 =	vsel vm12, v41, v10  }
0x7d: {  	v35 =	vmul.f32 v28, v27;
	v0 =	vld [tilespmem:$0xD0];
	vm1 =	vgt.f32 v34, v37;
	vm6 =	vgt.f32 v38, v10  }
0x7e: {  	v1 =	vld [tilespmem:$0x8D0];
	v23 =	vsel vm1, v34, v37;
	v10 =	vsel vm6, v38, v10  }
0x7f: {  	v19 =	vld [tilespmem:$0x130];
	v39 =	vmul.f32 v30, v29;
	vm3 =	vgt.f32 v35, v23;
	(xrf0) =	vmax.scan.msk.f32 $0xffff, v10  }
0x80: {  	v25 =	vld [tilespmem:$0x150];
	v23 =	vsel vm3, v35, v23  }
0x81: {  	v26 =	vld [tilespmem:$0x950];
	v47 =	vmul.f32 v32, v31;
	vm4 =	vgt.f32 v39, v23  }
0x82: {  	v27 =	vld [tilespmem:$0x160];
	v59 =	vsel vm0, v2, v33;
	v23 =	vsel vm4, v39, v23  }
0x83: {  	v30 =	vld [tilespmem:$0x980];
	v28 =	vsel vm2, v3, v59;
	v49 =	vmul.f32 v1, v0;
	vm5 =	vgt.f32 v47, v23  }
0x84: {  	v12 =	vld [tilespmem:$0x190];
	v1 =	vsel vm9, v4, v28;
	v23 =	vsel vm5, v47, v23  }
0x85: {  	v13 =	vld [tilespmem:$0x1A0];
	v50 =	vmul.f32 v11, v9;
	v1 =	vsel vm10, v5, v1;
	vm9 =	vgt.f32 v49, v23;
	v62, _, _ =	vpop (xrf0)  }
0x86: {  	v15 =	vld [tilespmem:$0x9A0];
	v1 =	vsel vm11, v6, v1;
	v23 =	vsel vm9, v49, v23;
	v11 =	vbroadcast v62, $0xF  }
0x87: {  	v51 =	vmul.f32 v54, v53;
	v14 =	vld [tilespmem:$0x9B0];
	vm10 =	vgt.f32 v50, v23;
	v1 =	vsel vm12, v7, v1  }
0x88: {  	v32 =	vld [tilespmem:$0x9D0];
	v1 =	vsel vm6, v8, v1;
	vm13 =	veq.f32 v10, v11;
	v10 =	vsel vm10, v50, v23  }
0x89: {  	v22 =	vld [tilespmem:$0x1E0];
	v1 =	vnsel vm13, $0x80000800, v1;
	vm14 =	vgt.f32 v51, v10  }
0x8a: {  	v24 =	vld [tilespmem:$0xA60];
	(xrf0) =	vmin.scan.msk.u32 $0xffff, v1;
	v1 =	vsel vm14, v51, v10;
	v10 =	vsel vm8, $0x0, v56  }
0x8b: {  	v9 =	vld [tilespmem:$0x180];
	v52 =	vmul.f32 v17, v16;
	v55 =	vmul.f32 v10, v55  }
0x8c: {  	v16 =	vld [tilespmem:$0x1C0];
	(xrf0) =	vmax.scan.msk.f32 $0xffff, v1  }
0x8d: {  	v53 =	vmul.f32 v63, v18;
	v63 =	vsel vm1, v2, v33;
	v0 =	vld [tilespmem:$0x170];
	vm0 =	vgt.f32 v52, v55  }
0x8e: {  	v18 =	vld [tilespmem:$0x9C0];
	v54 =	vmul.f32 v42, v19;
	v27 =	vmul.f32 v60, v27;
	v17 =	vsel vm0, v52, v55  }
0x8f: {  	v19 =	vld [tilespmem:$0x1D0];
	v44 =	vmul.f32 v44, v22;
	v20 =	vsel vm3, v3, v63;
	vm2 =	vgt.f32 v53, v17  }
0x90: {  	v22 =	vld [tilespmem:$0x260];
	v59 =	vmul.f32 v26, v25;
	v20 =	vsel vm4, v4, v20;
	v17 =	vsel vm2, v53, v17  }
0x91: {  	v25 =	vld [tilespmem:$0x1F0];
	v20 =	vsel vm5, v5, v20;
	v56 =	vmul.f32 v58, v57;
	v31, _, _ =	vpop (xrf0);
	vm3 =	vgt.f32 v54, v17  }
0x92: {  	v61 =	vmul.f32 v61, v0;
	v0 =	vsel vm15, $0x0, v30;
	v11 =	vld [tilespmem:$0x990];
	v42, _, _ =	vpop (xrf0);
	v17 =	vsel vm3, v54, v17  }
0x93: {  	v26 =	vld [tilespmem:$0xA00];
	v20 =	vsel vm9, v6, v20;
	v23 =	vbroadcast v42, $0xF;
	vm9 =	vgt.f32 v56, v17  }
0x94: {  	v63 =	vmul.f32 v18, v16;
	v18 =	vld [tilespmem:$0x250];
	v60 =	vmul.f32 v0, v9;
	v17 =	vsel vm9, v56, v17  }
0x95: {  	v0 =	vld [tilespmem:$0x210];
	vm12 =	veq.f32 v1, v23;
	v1 =	vsel vm10, v7, v20;
	vm10 =	vgt.f32 v59, v17  }
0x96: {  	v10 =	vld [tilespmem:$0x1B0];
	v17 =	vsel vm10, v59, v17  }
0x97: {  	v58 =	vmul.f32 v15, v13;
	v13 =	vld [tilespmem:$0xA20];
	v57 =	vmul.f32 v11, v12;
	vm11 =	vgt.f32 v27, v17  }
0x98: {  	v15 =	vld [tilespmem:$0x240];
	v1 =	vsel vm14, v8, v1;
	v9 =	vsel vm11, v27, v17  }
0x99: {  	v11 =	vld [tilespmem:$0xA10];
	vm1 =	vgt.f32 v57, v60;
	v1 =	vnsel vm12, $0x80000800, v1;
	vm12 =	vgt.f32 v61, v9  }
0x9a: {  	v12 =	vld [tilespmem:$0x220];
	(xrf0) =	vmin.scan.msk.u32 $0xffff, v1;
	v1 =	vsel vm12, v61, v9;
	v9 =	vsel vm1, v57, v60  }
0x9b: {  	v62 =	vmul.f32 v14, v10;
	v10 =	vld [tilespmem:$0x230];
	(xrf0) =	vmax.scan.msk.f32 $0xffff, v1;
	vm4 =	vgt.f32 v58, v9  }
0x9c: {  	v20 =	vld [tilespmem:$0x9F0];
	v9 =	vsel vm4, v58, v9  }
0x9d: {  	v14 =	vld [tilespmem:$0xA30];
	[tilespmem:$0x1FEC0] =	vst v31;
	v31 =	vsel vm0, v2, v33;
	vm5 =	vgt.f32 v62, v9  }
0x9e: {  	v16 =	vsel vm2, v3, v31;
	v23 =	vld [tilespmem:$0x200];
	v9 =	vsel vm5, v62, v9  }
0x9f: {  	[tilespmem:$0x1FC10] =	vst v27;
	v16 =	vsel vm3, v4, v16;
	v17 =	vld [tilespmem:$0xA40];
	v27 =	vmul.f32 v32, v19;
	vm0 =	vgt.f32 v63, v9  }
0xa0: {  	v22 =	vmul.f32 v24, v22;
	v16 =	vsel vm9, v5, v16;
	v19 =	vld [tilespmem:$0xA50];
	v32, _, _ =	vpop (xrf0);
	v9 =	vsel vm0, v63, v9  }
0xa1: {  	v16 =	vsel vm10, v6, v16;
	v25 =	vmul.f32 v20, v25;
	v20 =	vld [tilespmem:$0x270];
	v42, _, _ =	vpop (xrf0);
	vm13 =	vgt.f32 v27, v9  }
0xa2: {  	[tilespmem:$0x1FEE0] =	vst v32;
	v32 =	vmul.f32 v11, v0;
	v0 =	vld [tilespmem:$0x290];
	v21 =	vbroadcast v42, $0xF;
	v9 =	vsel vm13, v27, v9  }
0xa3: {  	[tilespmem:$0x1FC30] =	vst v44;
	v16 =	vsel vm11, v7, v16;
	v11 =	vld [tilespmem:$0x2A0];
	v42 =	vmul.f32 v13, v12;
	vm14 =	vgt.f32 v44, v9  }
0xa4: {  	[tilespmem:$0x1FCB0] =	vst v22;
	v13 =	vld [tilespmem:$0xAA0];
	vm11 =	veq.f32 v1, v21;
	v1 =	vsel vm12, v8, v16;
	v9 =	vsel vm14, v44, v9  }
0xa5: {  	[tilespmem:$0x1FC20] =	vst v27;
	v27 =	vmul.f32 v14, v10;
	v10 =	vld [tilespmem:$0x2B0];
	v1 =	vnsel vm11, $0x80000800, v1;
	vm12 =	vgt.f32 v25, v9  }
0xa6: {  	v19 =	vmul.f32 v19, v18;
	v16 =	vld [tilespmem:$0xA70];
	(xrf0) =	vmin.scan.msk.u32 $0xffff, v1;
	v1 =	vsel vm12, v25, v9;
	v9 =	vsel vm8, $0x0, v26  }
0xa7: {  	[tilespmem:$0x1FC40] =	vst v25;
	v21 =	vld [tilespmem:$0x280];
	v31 =	vmul.f32 v9, v23  }
0xa8: {  	[tilespmem:$0x1FCA0] =	vst v19;
	v25 =	vld [tilespmem:$0xA80];
	(xrf0) =	vmax.scan.msk.f32 $0xffff, v1  }
0xa9: {  	[tilespmem:$0x1FC60] =	vst v32;
	v9 =	vld [tilespmem:$0xA90];
	vm2 =	vgt.f32 v32, v31  }
0xaa: {  	v30 =	vsel vm1, v2, v33;
	[tilespmem:$0x1FC70] =	vst v42;
	v23 =	vld [tilespmem:$0xAB0];
	v44 =	vsel vm2, v32, v31  }
0xab: {  	[tilespmem:$0x1FC80] =	vst v27;
	v20 =	vmul.f32 v16, v20;
	v32 =	vsel vm4, v3, v30;
	v30 =	vld [tilespmem:$0x2C0];
	vm3 =	vgt.f32 v42, v44  }
0xac: {  	[tilespmem:$0x1FC50] =	vst v31;
	v14 =	vsel vm5, v4, v32;
	v32 =	vld [tilespmem:$0xAC0];
	v12 =	vsel vm3, v42, v44  }
0xad: {  	[tilespmem:$0x1FCC0] =	vst v20;
	v24 =	vsel vm15, $0x0, v25;
	v25 =	vld [tilespmem:$0xAE0];
	v31, _, _ =	vpop (xrf0);
	v44 =	vmul.f32 v17, v15;
	vm4 =	vgt.f32 v27, v12  }
0xae: {  	v17 =	vld [tilespmem:$0x2E0];
	v21 =	vmul.f32 v24, v21;
	[tilespmem:$0x1FF00] =	vst v31;
	v42, _, _ =	vpop (xrf0);
	v12 =	vsel vm4, v27, v12  }
0xaf: {  	v31 =	vbroadcast v42, $0xF;
	[tilespmem:$0x1FC90] =	vst v44;
	v42 =	vld [tilespmem:$0x2D0];
	vm5 =	vgt.f32 v44, v12  }
0xb0: {  	v12 =	vsel vm5, v44, v12;
	v44 =	vld [tilespmem:$0xAD0];
	[tilespmem:$0x1FCD0] =	vst v21  }
0xb1: {  	v27 =	vmul.f32 v9, v0;
	v0 =	vld [tilespmem:$0x2F0]  }
0xb2: {  	v28 =	vmul.f32 v13, v11;
	v11 =	vld [tilespmem:$0x300]  }
0xb3: {  	v13 =	vld [tilespmem:$0xB00]  }
0xb4: {  	v29 =	vmul.f32 v23, v10;
	v10 =	vld [tilespmem:$0x310]  }
0xb5: {  	v14 =	vsel vm0, v5, v14;
	v16 =	vld [tilespmem:$0xB10]  }
0xb6: {  	v14 =	vsel vm13, v6, v14;
	v15 =	vld [tilespmem:$0x320]  }
0xb7: {  	vm13 =	veq.f32 v1, v31;
	v1 =	vsel vm14, v7, v14;
	v14 =	vld [tilespmem:$0x330]  }
0xb8: {  	v23 =	vld [tilespmem:$0xB70]  }
0xb9: {  	v24 =	vld [tilespmem:$0x380]  }
0xba: {  	v26 =	vld [tilespmem:$0xBC0]  }
0xbb: {  	[tilespmem:$0x1030] =	vst v43;
	v43 =	vld [tilespmem:$0x630]  }
0xbc: {  	[tilespmem:$0x1060] =	vst v41;
	v41 =	vld [tilespmem:$0xE30]  }
0xbd: {  	[tilespmem:$0x1050] =	vst v46;
	v46 =	vld [tilespmem:$0xE50]  }
0xbe: {  	[tilespmem:$0x10C0] =	vst v47;
	v47 =	vld [tilespmem:$0x660]  }
0xbf: {  	[tilespmem:$0x1000] =	vst v48;
	v48 =	vld [tilespmem:$0xE60]  }
0xc0: {  	[tilespmem:$0x10B0] =	vst v39;
	v39 =	vld [tilespmem:$0xE80]  }
0xc1: {  	[tilespmem:$0x1090] =	vst v34;
	v34 =	vld [tilespmem:$0xE90]  }
0xc2: {  	[tilespmem:$0x10A0] =	vst v35;
	v35 =	vld [tilespmem:$0x6A0]  }
0xc3: {  	[tilespmem:$0x1150] =	vst v59;
	v59 =	vld [tilespmem:$0xEA0]  }
0xc4: {  	[tilespmem:$0x1170] =	vst v61;
	v61 =	vld [tilespmem:$0xEB0]  }
0xc5: {  	[tilespmem:$0x1140] =	vst v56;
	v56 =	vld [tilespmem:$0xEC0]  }
0xc6: {  	[tilespmem:$0x10E0] =	vst v50;
	v50 =	vld [tilespmem:$0x6D0]  }
0xc7: {  	[tilespmem:$0x10F0] =	vst v51;
	v51 =	vld [tilespmem:$0x6E0]  }
0xc8: {  	[tilespmem:$0x11A0] =	vst v58;
	v58 =	vld [tilespmem:$0x1FC20]  }
0xc9: {  	[tilespmem:$0x1110] =	vst v52;
	v52 =	vld [tilespmem:$0xEE0]  }
0xca: {  	[tilespmem:$0x1130] =	vst v54;
	v54 =	vld [tilespmem:$0x1FC50]  }
0xcb: {  	[tilespmem:$0x1120] =	vst v53;
	v1 =	vsel vm12, v8, v1;
	vm10 =	vgt.f32 v19, v12;
	v53 =	vld [tilespmem:$0xF00]  }
0xcc: {  	[tilespmem:$0x1040] =	vst v45;
	v45 =	vld [tilespmem:$0x750];
	v12 =	vsel vm10, v19, v12;
	v1 =	vnsel vm13, $0x80000800, v1  }
0xcd: {  	v19 =	vld [tilespmem:$0x340];
	vm11 =	vgt.f32 v22, v12;
	(xrf0) =	vmin.scan.msk.u32 $0xffff, v1  }
0xce: {  	v9 =	vsel vm11, v22, v12;
	v12 =	vld [tilespmem:$0xAF0]  }
0xcf: {  	vm9 =	vgt.f32 v27, v21;
	v22 =	vld [tilespmem:$0xB40];
	vm12 =	vgt.f32 v20, v9  }
0xd0: {  	v31 =	vsel vm2, v2, v33;
	v1 =	vsel vm12, v20, v9;
	v9 =	vsel vm9, v27, v21;
	v21 =	vld [tilespmem:$0xB20]  }
0xd1: {  	v20 =	vsel vm3, v3, v31;
	v16 =	vmul.f32 v16, v10;
	v10 =	vld [tilespmem:$0xB80]  }
0xd2: {  	v30 =	vmul.f32 v32, v30;
	v32 =	vmul.f32 v44, v42;
	v44 =	vsel vm4, v4, v20;
	v20 =	vld [tilespmem:$0xB30]  }
0xd3: {  	v13 =	vsel vm8, $0x0, v13;
	(xrf0) =	vmax.scan.msk.f32 $0xffff, v1;
	vm0 =	vgt.f32 v28, v9;
	v42, _, _ =	vpop (xrf0);
	v31 =	vmul.f32 v12, v0;
	v12 =	vld [tilespmem:$0xC80]  }
0xd4: {  	v9 =	vsel vm0, v28, v9;
	[tilespmem:$0x1FF20] =	vst v42;
	v42 =	vmul.f32 v13, v11;
	v11 =	vld [tilespmem:$0x390]  }
0xd5: {  	vm1 =	vgt.f32 v29, v9;
	v13 =	vld [tilespmem:$0xB90]  }
0xd6: {  	[tilespmem:$0x1FD00] =	vst v29;
	v9 =	vsel vm1, v29, v9;
	v29 =	vsel vm5, v5, v44;
	v44 =	vmul.f32 v21, v15;
	v21 =	vld [tilespmem:$0x3A0]  }
0xd7: {  	[tilespmem:$0x1FCF0] =	vst v28;
	v28 =	vmul.f32 v25, v17;
	vm2 =	vgt.f32 v30, v9;
	v17 =	vsel vm10, v6, v29;
	v15 =	vld [tilespmem:$0xBA0]  }
0xd8: {  	v9 =	vsel vm2, v30, v9;
	v0 =	vsel vm11, v7, v17;
	v17 =	vld [tilespmem:$0x360]  }
0xd9: {  	[tilespmem:$0x1FD10] =	vst v30;
	v29 =	vmul.f32 v20, v14;
	v20 =	vld [tilespmem:$0x3B0];
	vm3 =	vgt.f32 v32, v9;
	v30, _, _ =	vpop (xrf0)  }
0xda: {  	v14 =	vld [tilespmem:$0x3C0];
	v18 =	vbroadcast v30, $0xF;
	v9 =	vsel vm3, v32, v9  }
0xdb: {  	[tilespmem:$0x1FD20] =	vst v32;
	v32 =	vld [tilespmem:$0x350];
	vm5 =	vgt.f32 v28, v9  }
0xdc: {  	v0 =	vsel vm12, v8, v0;
	vm4 =	veq.f32 v1, v18;
	v1 =	vsel vm5, v28, v9;
	v18 =	vld [tilespmem:$0x370]  }
0xdd: {  	v9 =	vld [tilespmem:$0xB50];
	v0 =	vnsel vm4, $0x80000800, v0;
	vm11 =	vgt.f32 v31, v1;
	vm4 =	vgt.f32 v16, v42  }
0xde: {  	[tilespmem:$0x1FD60] =	vst v16;
	(xrf0) =	vmin.scan.msk.u32 $0xffff, v0;
	v0 =	vsel vm11, v31, v1;
	v1 =	vld [tilespmem:$0xB60];
	v16 =	vsel vm4, v16, v42  }
0xdf: {  	[tilespmem:$0x1FD40] =	vst v31;
	v31 =	vmul.f32 v22, v19;
	v19 =	vld [tilespmem:$0x410];
	vm10 =	vgt.f32 v44, v16  }
0xe0: {  	v22 =	vld [tilespmem:$0x470];
	v16 =	vsel vm10, v44, v16  }
0xe1: {  	v10 =	vsel vm15, $0x0, v10;
	(xrf0) =	vmax.scan.msk.f32 $0xffff, v0;
	vm12 =	vgt.f32 v29, v16;
	v18 =	vmul.f32 v23, v18;
	v23 =	vld [tilespmem:$0xC70]  }
0xe2: {  	[tilespmem:$0x1FD80] =	vst v29;
	v32 =	vmul.f32 v9, v32;
	v9 =	vsel vm12, v29, v16;
	v29 =	vmul.f32 v10, v24;
	v10 =	vld [tilespmem:$0x3E0]  }
0xe3: {  	[tilespmem:$0x1FCE0] =	vst v27;
	v24 =	vld [tilespmem:$0xC10]  }
0xe4: {  	[tilespmem:$0x1FD50] =	vst v42;
	v42 =	vsel vm9, v2, v33;
	v16 =	vld [tilespmem:$0x490]  }
0xe5: {  	[tilespmem:$0x1FD70] =	vst v44;
	v44 =	vmul.f32 v1, v17;
	v1 =	vsel vm0, v3, v42;
	v42 =	vld [tilespmem:$0x400]  }
0xe6: {  	[tilespmem:$0x1FD30] =	vst v28;
	vm9 =	vgt.f32 v31, v9;
	v17 =	vld [tilespmem:$0x4A0];
	v27, _, _ =	vpop (xrf0)  }
0xe7: {  	v9 =	vsel vm9, v31, v9;
	[tilespmem:$0x1FF40] =	vst v27;
	v28, _, _ =	vpop (xrf0);
	v27 =	vld [tilespmem:$0x3D0]  }
0xe8: {  	v1 =	vsel vm1, v4, v1;
	vm13 =	vgt.f32 v32, v9;
	v30 =	vbroadcast v28, $0xF;
	v28 =	vld [tilespmem:$0xBD0]  }
0xe9: {  	[tilespmem:$0x1FDA0] =	vst v32;
	v1 =	vsel vm2, v5, v1;
	v9 =	vsel vm13, v32, v9;
	v32 =	vmul.f32 v15, v21;
	v15 =	vld [tilespmem:$0xBF0]  }
0xea: {  	[tilespmem:$0x1FD90] =	vst v31;
	v1 =	vsel vm3, v6, v1;
	v22 =	vmul.f32 v23, v22;
	vm6 =	veq.f32 v0, v30;
	v0 =	vld [tilespmem:$0xBB0]  }
0xeb: {  	v31 =	vmovc v44;
	v21 =	vld [tilespmem:$0x440];
	v1 =	vsel vm5, v7, v1;
	vm5 =	vgt.f32 v44, v9;
	v30 =	vmul.f32 v13, v11  }
0xec: {  	[tilespmem:$0x1FDB0] =	vst v44;
	v23 =	vld [tilespmem:$0xDB0];
	v44 =	vmul.f32 v26, v14;
	v1 =	vsel vm11, v8, v1;
	v9 =	vsel vm5, v31, v9  }
0xed: {  	v26 =	vld [tilespmem:$0x420];
	v1 =	vnsel vm6, $0x80000800, v1;
	vm14 =	vgt.f32 v18, v9;
	vm0 =	vgt.f32 v30, v29  }
0xee: {  	v11 =	vld [tilespmem:$0xBE0];
	(xrf0) =	vmin.scan.msk.u32 $0xffff, v1;
	v1 =	vsel vm14, v18, v9;
	v9 =	vsel vm0, v30, v29  }
0xef: {  	v13 =	vld [tilespmem:$0x3F0];
	(xrf0) =	vmax.scan.msk.f32 $0xffff, v1;
	vm1 =	vgt.f32 v32, v9;
	v20 =	vmul.f32 v0, v20  }
0xf0: {  	[tilespmem:$0x1FDD0] =	vst v29;
	v29 =	vmul.f32 v28, v27;
	v28 =	vld [tilespmem:$0xC30];
	v9 =	vsel vm1, v32, v9  }
0xf1: {  	v25 =	vsel vm4, v2, v33;
	v0 =	vld [tilespmem:$0xC00];
	vm2 =	vgt.f32 v20, v9  }
0xf2: {  	v14 =	vsel vm10, v3, v25;
	[tilespmem:$0x1FDF0] =	vst v32;
	v32 =	vld [tilespmem:$0x430];
	v9 =	vsel vm2, v20, v9  }
0xf3: {  	v19 =	vmul.f32 v24, v19;
	v24 =	vld [tilespmem:$0x4D0];
	v14 =	vsel vm12, v4, v14;
	vm3 =	vgt.f32 v44, v9  }
0xf4: {  	[tilespmem:$0x1FDC0] =	vst v18;
	v18 =	vld [tilespmem:$0xCF0];
	v27 =	vmul.f32 v11, v10;
	v10 =	vsel vm9, v5, v14;
	v31, _, _ =	vpop (xrf0);
	v9 =	vsel vm3, v44, v9  }
0xf5: {  	[tilespmem:$0x1FDE0] =	vst v30;
	v30 =	vld [tilespmem:$0xC20];
	v15 =	vmul.f32 v15, v13;
	v10 =	vsel vm13, v6, v10;
	v11, _, _ =	vpop (xrf0);
	vm4 =	vgt.f32 v29, v9  }
0xf6: {  	v13 =	vld [tilespmem:$0xC40];
	v10 =	vsel vm5, v7, v10;
	v11 =	vbroadcast v11, $0xF;
	v9 =	vsel vm4, v29, v9  }
0xf7: {  	v14 =	vld [tilespmem:$0x520];
	v0 =	vsel vm8, $0x0, v0;
	v32 =	vmul.f32 v28, v32;
	vm5 =	vgt.f32 v27, v9  }
0xf8: {  	[tilespmem:$0x1FE00] =	vst v20;
	v20 =	vld [tilespmem:$0xC90];
	vm6 =	veq.f32 v1, v11;
	v1 =	vsel vm14, v8, v10;
	v9 =	vsel vm5, v27, v9  }
0xf9: {  	[tilespmem:$0x1FE10] =	vst v44;
	v28 =	vld [tilespmem:$0xCA0];
	v44 =	vmul.f32 v0, v42;
	v1 =	vnsel vm6, $0x80000800, v1;
	vm11 =	vgt.f32 v15, v9  }
0xfa: {  	v10 =	vld [tilespmem:$0x450];
	(xrf0) =	vmin.scan.msk.u32 $0xffff, v1;
	v1 =	vsel vm11, v15, v9  }
0xfb: {  	[tilespmem:$0x1FE20] =	vst v29;
	v11 =	vld [tilespmem:$0xC50];
	v29 =	vmul.f32 v30, v26;
	vm9 =	vgt.f32 v19, v44;
	(xrf0) =	vmax.scan.msk.f32 $0xffff, v1  }
0xfc: {  	[tilespmem:$0x1FE50] =	vst v19;
	v19 =	vsel vm9, v19, v44;
	v9 =	vld [tilespmem:$0x460]  }
0xfd: {  	[tilespmem:$0x1FE40] =	vst v15;
	vm10 =	vgt.f32 v29, v19;
	v15 =	vld [tilespmem:$0xC60]  }
0xfe: {  	[tilespmem:$0x1FE30] =	vst v27;
	v0 =	vld [tilespmem:$0x480];
	v27 =	vsel vm10, v29, v19  }
0xff: {  	v42 =	vmul.f32 v13, v21;
	v13 =	vld [tilespmem:$0xD00];
	vm12 =	vgt.f32 v32, v27  }
0x100: {  	v21 =	vld [tilespmem:$0xD60];
	[tilespmem:$0x1FE60] =	vst v29;
	v29 =	vmul.f32 v11, v10;
	v10 =	vsel vm12, v32, v27;
	v30, _, _ =	vpop (xrf0)  }
0x101: {  	[tilespmem:$0x1FF60] =	vst v31;
	v20 =	vmul.f32 v20, v16;
	v16 =	vld [tilespmem:$0xD90];
	v11 =	vsel vm0, v2, v33;
	vm13 =	vgt.f32 v42, v10;
	v31, _, _ =	vpop (xrf0)  }
0x102: {  	v19 =	vld [tilespmem:$0xD10];
	v26 =	vbroadcast v31, $0xF;
	v31 =	vmul.f32 v15, v9;
	v9 =	vsel vm1, v3, v11  }
0x103: {  	v12 =	vsel vm15, $0x0, v12;
	[tilespmem:$0x1FE70] =	vst v32;
	v32 =	vld [tilespmem:$0xCC0];
	v10 =	vsel vm13, v42, v10;
	v9 =	vsel vm2, v4, v9  }
0x104: {  	v25 =	vmul.f32 v12, v0;
	[tilespmem:$0x1FF80] =	vst v30;
	v30 =	vld [tilespmem:$0xCB0];
	vm14 =	vgt.f32 v29, v10;
	v9 =	vsel vm3, v5, v9  }
0x105: {  	vm6 =	veq.f32 v1, v26;
	v1 =	vld [tilespmem:$0x4B0];
	v0 =	vsel vm4, v6, v9;
	v9 =	vsel vm14, v29, v10  }
0x106: {  	v27 =	vmul.f32 v28, v17;
	v17 =	vld [tilespmem:$0x4F0];
	v0 =	vsel vm5, v7, v0;
	vm5 =	vgt.f32 v31, v9  }
0x107: {  	v11 =	vld [tilespmem:$0x4C0];
	v0 =	vsel vm11, v8, v0;
	v9 =	vsel vm5, v31, v9  }
0x108: {  	v28 =	vld [tilespmem:$0xCE0];
	vm0 =	vgt.f32 v20, v25;
	v0 =	vnsel vm6, $0x80000800, v0;
	vm11 =	vgt.f32 v22, v9  }
0x109: {  	v10 =	vld [tilespmem:$0xCD0];
	(xrf0) =	vmin.scan.msk.u32 $0xffff, v0;
	v0 =	vsel vm11, v22, v9;
	v9 =	vsel vm0, v20, v25  }
0x10a: {  	[tilespmem:$0x1FE80] =	vst v29;
	v26 =	vld [tilespmem:$0x4E0];
	v29 =	vmul.f32 v30, v1;
	(xrf0) =	vmax.scan.msk.f32 $0xffff, v0;
	vm1 =	vgt.f32 v27, v9  }
0x10b: {  	v18 =	vmul.f32 v18, v17;
	v17 =	vld [tilespmem:$0x540];
	v9 =	vsel vm1, v27, v9  }
0x10c: {  	v1 =	vld [tilespmem:$0x500];
	v30 =	vmul.f32 v32, v11;
	vm2 =	vgt.f32 v29, v9  }
0x10d: {  	[tilespmem:$0x1FE90] =	vst v31;
	v31 =	vsel vm9, v2, v33;
	v11 =	vld [tilespmem:$0x510];
	v9 =	vsel vm2, v29, v9  }
0x10e: {  	[tilespmem:$0x1FEB0] =	vst v25;
	v25 =	vld [tilespmem:$0xD20];
	v32 =	vmul.f32 v10, v24;
	v10 =	vsel vm10, v3, v31;
	vm3 =	vgt.f32 v30, v9  }
0x10f: {  	[tilespmem:$0x1FEA0] =	vst v22;
	v26 =	vmul.f32 v28, v26;
	v28 =	vld [tilespmem:$0x530];
	v10 =	vsel vm12, v4, v10;
	v9 =	vsel vm3, v30, v9;
	v24, _, _ =	vpop (xrf0)  }
0x110: {  	v13 =	vsel vm8, $0x0, v13;
	[tilespmem:$0x1FEF0] =	vst v27;
	v22 =	vld [tilespmem:$0x570];
	v10 =	vsel vm13, v5, v10;
	vm4 =	vgt.f32 v32, v9;
	v27, _, _ =	vpop (xrf0)  }
0x111: {  	[tilespmem:$0x1FED0] =	vst v20;
	v20 =	vld [tilespmem:$0x5A0];
	v10 =	vsel vm14, v6, v10;
	v12 =	vbroadcast v27, $0xF;
	v9 =	vsel vm4, v32, v9  }
0x112: {  	[tilespmem:$0x1FF10] =	vst v29;
	v29 =	vld [tilespmem:$0xD30];
	v10 =	vsel vm5, v7, v10;
	v19 =	vmul.f32 v19, v11;
	vm5 =	vgt.f32 v26, v9  }
0x113: {  	v11 =	vld [tilespmem:$0x580];
	vm6 =	veq.f32 v0, v12;
	v0 =	vsel vm11, v8, v10;
	v9 =	vsel vm5, v26, v9  }
0x114: {  	[tilespmem:$0x1FF50] =	vst v32;
	v32 =	vmul.f32 v13, v1;
	v1 =	vld [tilespmem:$0xD70];
	v0 =	vnsel vm6, $0x80000800, v0;
	vm9 =	vgt.f32 v18, v9  }
0x115: {  	v10 =	vld [tilespmem:$0xD40];
	(xrf0) =	vmin.scan.msk.u32 $0xffff, v0;
	v0 =	vsel vm9, v18, v9  }
0x116: {  	v12 =	vld [tilespmem:$0x550];
	(xrf0) =	vmax.scan.msk.f32 $0xffff, v0  }
0x117: {  	v9 =	vld [tilespmem:$0xD50]  }
0x118: {  	[tilespmem:$0x1FFA0] =	vst v24;
	v24 =	vmul.f32 v25, v14;
	v13 =	vld [tilespmem:$0xD80];
	vm12 =	vgt.f32 v19, v32  }
0x119: {  	[tilespmem:$0x1FFC0] =	vst v19;
	v27 =	vsel vm12, v19, v32;
	v19 =	vld [tilespmem:$0x590]  }
0x11a: {  	[tilespmem:$0x1FF90] =	vst v18;
	v31 =	vmul.f32 v29, v28;
	v18 =	vld [tilespmem:$0x560];
	vm13 =	vgt.f32 v24, v27  }
0x11b: {  	[tilespmem:$0x1FF30] =	vst v30;
	v15 =	vsel vm13, v24, v27;
	v30 =	vmul.f32 v10, v17;
	v10 =	vsel vm0, v2, v33;
	v17 =	vld [tilespmem:$0x5F0];
	v25, _, _ =	vpop (xrf0)  }
0x11c: {  	[tilespmem:$0x1FF70] =	vst v26;
	v27 =	vmul.f32 v1, v22;
	v10 =	vsel vm1, v3, v10;
	v29 =	vmul.f32 v9, v12;
	v12 =	vld [tilespmem:$0x5B0];
	v26, _, _ =	vpop (xrf0)  }
0x11d: {  	vm14 =	vgt.f32 v31, v15;
	v1 =	vsel vm2, v4, v10;
	v10 =	vld [tilespmem:$0x5C0];
	v14 =	vbroadcast v26, $0xF  }
0x11e: {  	v9 =	vsel vm14, v31, v15;
	v15 =	vld [tilespmem:$0xDC0]  }
0x11f: {  	v13 =	vsel vm15, $0x0, v13;
	vm0 =	vgt.f32 v30, v9;
	vm6 =	veq.f32 v0, v14;
	v0 =	vld [tilespmem:$0xDA0]  }
0x120: {  	v1 =	vsel vm3, v5, v1;
	v9 =	vsel vm0, v30, v9;
	v26 =	vmul.f32 v13, v11;
	v11 =	vld [tilespmem:$0x5D0]  }
0x121: {  	v28 =	vmul.f32 v21, v18;
	v1 =	vsel vm4, v6, v1;
	vm1 =	vgt.f32 v29, v9;
	v13 =	vld [tilespmem:$0xDD0]  }
0x122: {  	v18 =	vld [tilespmem:$0x610];
	[tilespmem:$0x1FFB0] =	vst v25;
	v25 =	vmul.f32 v16, v19;
	v1 =	vsel vm5, v7, v1;
	v9 =	vsel vm1, v29, v9  }
0x123: {  	v16 =	vld [tilespmem:$0xDE0];
	vm2 =	vgt.f32 v28, v9;
	v23 =	vmul.f32 v23, v12;
	v22 =	vmul.f32 v15, v10  }
0x124: {  	[tilespmem:$0x1FFE0] =	vst v24;
	v12 =	vld [tilespmem:$0xDF0];
	v24 =	vmul.f32 v0, v20;
	v0 =	vsel vm9, v8, v1;
	v1 =	vsel vm2, v28, v9  }
0x125: {  	v10 =	vld [tilespmem:$0xE00];
	vm9 =	vgt.f32 v25, v26;
	v0 =	vnsel vm6, $0x80000800, v0;
	vm3 =	vgt.f32 v27, v1  }
0x126: {  	v21 =	vmul.f32 v13, v11;
	v13 =	vld [tilespmem:$0xE10];
	(xrf0) =	vmin.scan.msk.u32 $0xffff, v0;
	v0 =	vsel vm3, v27, v1;
	v1 =	vsel vm9, v25, v26  }
0x127: {  	v9 =	vld [tilespmem:$0x5E0];
	(xrf0) =	vmax.scan.msk.f32 $0xffff, v0;
	vm10 =	vgt.f32 v24, v1  }
0x128: {  	[tilespmem:$0x1010] =	vst v36;
	v36 =	vsel vm12, v2, v33;
	v14 =	vld [tilespmem:$0x600];
	v1 =	vsel vm10, v24, v1  }
0x129: {  	[tilespmem:$0x1200] =	vst v54;
	v54 =	vld [tilespmem:$0xF10];
	v11 =	vsel vm13, v3, v36;
	vm11 =	vgt.f32 v23, v1  }
0x12a: {  	v15 =	vld [tilespmem:$0x620];
	v11 =	vsel vm14, v4, v11;
	v19 =	vmul.f32 v12, v17;
	v1 =	vsel vm11, v23, v1  }
0x12b: {  	v36 =	vld [tilespmem:$0xE20];
	v10 =	vsel vm8, $0x0, v10;
	v17 =	vmul.f32 v13, v18;
	vm12 =	vgt.f32 v22, v1  }
0x12c: {  	[tilespmem:$0x1020] =	vst v40;
	v18 =	vld [tilespmem:$0xE70];
	v20 =	vmul.f32 v16, v9;
	v9 =	vsel vm0, v5, v11;
	v1 =	vsel vm12, v22, v1;
	v40, _, _ =	vpop (xrf0)  }
0x12d: {  	v16 =	vmul.f32 v10, v14;
	v10 =	vld [tilespmem:$0x670];
	v14 =	vmul.f32 v41, v43;
	vm13 =	vgt.f32 v21, v1;
	v11, _, _ =	vpop (xrf0)  }
0x12e: {  	v43 =	vld [tilespmem:$0x690];
	v9 =	vsel vm1, v6, v9;
	v11 =	vbroadcast v11, $0xF;
	v1 =	vsel vm13, v21, v1  }
0x12f: {  	v9 =	vsel vm2, v7, v9;
	[tilespmem:$0x1FFD0] =	vst v40;
	v40 =	vld [tilespmem:$0x1FC40];
	vm0 =	vgt.f32 v20, v1  }
0x130: {  	vm14 =	veq.f32 v0, v11;
	v0 =	vsel vm3, v8, v9;
	v1 =	vsel vm0, v20, v1;
	v9 =	vld [tilespmem:$0x640]  }
0x131: {  	v11 =	vld [tilespmem:$0xE40];
	v0 =	vnsel vm14, $0x80000800, v0;
	vm1 =	vgt.f32 v19, v1  }
0x132: {  	v41 =	vld [tilespmem:$0xEF0];
	(xrf0) =	vmin.scan.msk.u32 $0xffff, v0;
	v0 =	vsel vm1, v19, v1  }
0x133: {  	v10 =	vmul.f32 v18, v10;
	v18 =	vld [tilespmem:$0x6F0];
	(xrf0) =	vmax.scan.msk.f32 $0xffff, v0  }
0x134: {  	v1 =	vld [tilespmem:$0x650]  }
0x135: {  	[tilespmem:$0x11F0] =	vst v40;
	v40 =	vld [tilespmem:$0x1FCB0]  }
0x136: {  	[tilespmem:$0x1070] =	vst v38;
	v13 =	vmul.f32 v11, v9;
	v9 =	vld [tilespmem:$0x1FC10]  }
0x137: {  	[tilespmem:$0x1080] =	vst v37;
	v15 =	vmul.f32 v36, v15;
	vm14 =	vgt.f32 v17, v16;
	v11 =	vmul.f32 v48, v47;
	v47 =	vld [tilespmem:$0x6B0]  }
0x138: {  	[tilespmem:$0x10D0] =	vst v49;
	v38 =	vsel vm14, v17, v16;
	v48 =	vld [tilespmem:$0x6C0];
	v36, _, _ =	vpop (xrf0)  }
0x139: {  	[tilespmem:$0x1100] =	vst v55;
	vm2 =	vgt.f32 v15, v38;
	v12 =	vmul.f32 v46, v1;
	v1 =	vsel vm9, v2, v33;
	v46 =	vld [tilespmem:$0xED0];
	v37, _, _ =	vpop (xrf0)  }
0x13a: {  	v49 =	vsel vm2, v15, v38;
	v1 =	vsel vm10, v3, v1;
	[tilespmem:$0x1FFF0] =	vst v36;
	v36 =	vld [tilespmem:$0x680];
	v55 =	vbroadcast v37, $0xF  }
0x13b: {  	vm3 =	vgt.f32 v14, v49;
	v1 =	vsel vm11, v4, v1;
	v37 =	vld [tilespmem:$0x1FC90]  }
0x13c: {  	[tilespmem:$0x1260] =	vst v40;
	v40 =	vld [tilespmem:$0x1FD20];
	v1 =	vsel vm12, v5, v1;
	vm6 =	veq.f32 v0, v55;
	v0 =	vsel vm3, v14, v49  }
0x13d: {  	[tilespmem:$0x1160] =	vst v9;
	v9 =	vsel vm15, $0x0, v39;
	v39 =	vld [tilespmem:$0x1FC30];
	v61 =	vmul.f32 v61, v47;
	vm4 =	vgt.f32 v13, v0  }
0x13e: {  	[tilespmem:$0x11B0] =	vst v62;
	v62 =	vmul.f32 v56, v48;
	v48 =	vld [tilespmem:$0x700];
	v56 =	vsel vm14, v2, v33;
	v0 =	vsel vm4, v13, v0  }
0x13f: {  	[tilespmem:$0x11D0] =	vst v58;
	v47 =	vld [tilespmem:$0xF30];
	v1 =	vsel vm13, v6, v1;
	v58 =	vsel vm2, v3, v56;
	vm5 =	vgt.f32 v12, v0  }
0x140: {  	v9 =	vmul.f32 v9, v36;
	[tilespmem:$0x1240] =	vst v37;
	v37 =	vld [tilespmem:$0x1FD00];
	v55 =	vsel vm5, v12, v0;
	v0 =	vmul.f32 v34, v43  }
0x141: {  	[tilespmem:$0x1190] =	vst v57;
	v56 =	vld [tilespmem:$0xF20];
	v57 =	vsel vm0, v7, v1;
	v1 =	vmul.f32 v59, v35;
	vm0 =	vgt.f32 v11, v55  }
0x142: {  	v43 =	vsel vm1, v8, v57;
	v57 =	vld [tilespmem:$0x1FC70];
	v36 =	vsel vm0, v11, v55;
	vm9 =	vgt.f32 v0, v9  }
0x143: {  	[tilespmem:$0x1180] =	vst v60;
	v49 =	vld [tilespmem:$0x710];
	v43 =	vnsel vm6, $0x80000800, v43;
	vm1 =	vgt.f32 v10, v36;
	v59 =	vsel vm9, v0, v9  }
0x144: {  	[tilespmem:$0x11E0] =	vst v39;
	v39 =	vld [tilespmem:$0x1FCA0];
	(xrf0) =	vmin.scan.msk.u32 $0xffff, v43;
	v43 =	vsel vm1, v10, v36;
	vm10 =	vgt.f32 v1, v59  }
0x145: {  	[tilespmem:$0x12B0] =	vst v37;
	v37 =	vld [tilespmem:$0x1FD60];
	(xrf0) =	vmax.scan.msk.f32 $0xffff, v43;
	v36 =	vsel vm10, v1, v59  }
0x146: {  	[tilespmem:$0x11C0] =	vst v63;
	v59 =	vld [tilespmem:$0x1FC80];
	vm11 =	vgt.f32 v61, v36  }
0x147: {  	[tilespmem:$0x1220] =	vst v57;
	v57 =	vld [tilespmem:$0x1FCD0];
	v36 =	vsel vm11, v61, v36  }
0x148: {  	v63 =	vmul.f32 v46, v50;
	v46 =	vsel vm3, v4, v58;
	v58 =	vld [tilespmem:$0x1FCE0];
	[tilespmem:$0x12D0] =	vst v40  }
0x149: {  	v46 =	vsel vm4, v5, v46;
	v55 =	vld [tilespmem:$0x1FC60];
	[tilespmem:$0x1250] =	vst v39;
	vm12 =	vgt.f32 v62, v36  }
0x14a: {  	v40 =	vld [tilespmem:$0xF70];
	v46 =	vsel vm5, v6, v46;
	v60 =	vsel vm12, v62, v36;
	[tilespmem:$0x1310] =	vst v37;
	v36, _, _ =	vpop (xrf0)  }
0x14b: {  	v39 =	vsel vm8, $0x0, v53;
	v53 =	vld [tilespmem:$0x760];
	[tilespmem:$0x1230] =	vst v59;
	v59 =	vmul.f32 v52, v51;
	vm13 =	vgt.f32 v63, v60;
	v38, _, _ =	vpop (xrf0)  }
0x14c: {  	v37 =	vld [tilespmem:$0x1FDB0];
	[tilespmem:$0x1280] =	vst v57;
	v57 =	vmul.f32 v54, v49;
	v50 =	vsel vm13, v63, v60;
	v51 =	vbroadcast v38, $0xF  }
0x14d: {  	v52 =	vld [tilespmem:$0x720];
	v60 =	vmul.f32 v41, v18;
	v41 =	vsel vm0, v7, v46;
	vm14 =	vgt.f32 v59, v50  }
0x14e: {  	[tilespmem:$0x1210] =	vst v55;
	v49 =	vld [tilespmem:$0x1FD30];
	v18 =	vsel vm1, v8, v41;
	v55 =	vsel vm14, v59, v50;
	vm0 =	veq.f32 v43, v51  }
0x14f: {  	v54 =	vld [tilespmem:$0x1FD40];
	vm1 =	vgt.f32 v60, v55;
	v18 =	vnsel vm0, $0x80000800, v18  }
0x150: {  	v46 =	vld [tilespmem:$0x730];
	v43 =	vsel vm1, v60, v55;
	(xrf0) =	vmin.scan.msk.u32 $0xffff, v18  }
0x151: {  	v41 =	vld [tilespmem:$0xF50];
	(xrf0) =	vmax.scan.msk.f32 $0xffff, v43  }
0x152: {  	v51 =	vld [tilespmem:$0x1FCC0]  }
0x153: {  	[tilespmem:$0x1290] =	vst v58;
	v58 =	vmul.f32 v56, v52;
	v56 =	vld [tilespmem:$0x1FD50]  }
0x154: {  	v38 =	vld [tilespmem:$0x1FD10]  }
0x155: {  	v50 =	vld [tilespmem:$0x740]  }
0x156: {  	[tilespmem:$0x1360] =	vst v37;
	v37 =	vld [tilespmem:$0x1FDD0];
	v18, _, _ =	vpop (xrf0)  }
0x157: {  	v55 =	vmul.f32 v39, v48;
	v48 =	vld [tilespmem:$0xF60];
	[tilespmem:$0x1270] =	vst v51;
	v52, _, _ =	vpop (xrf0)  }
0x158: {  	v51 =	vld [tilespmem:$0xF40];
	[tilespmem:$0x1300] =	vst v56;
	v56 =	vmul.f32 v47, v46;
	v46 =	vbroadcast v52, $0xF  }
0x159: {  	[tilespmem:$0x12E0] =	vst v49;
	v49 =	vld [tilespmem:$0x770]  }
0x15a: {  	vm6 =	veq.f32 v43, v46;
	v46 =	vld [tilespmem:$0x1FD90]  }
0x15b: {  	[tilespmem:$0x12F0] =	vst v54;
	v39 =	vld [tilespmem:$0x780];
	vm0 =	vgt.f32 v57, v55  }
0x15c: {  	[tilespmem:$0x12C0] =	vst v38;
	v38 =	vld [tilespmem:$0x1FD70];
	v54 =	vsel vm0, v57, v55  }
0x15d: {  	vm2 =	vgt.f32 v58, v54;
	[tilespmem:$0x1380] =	vst v37;
	v37 =	vld [tilespmem:$0x1FDE0];
	v51 =	vmul.f32 v51, v50;
	v50 =	vsel vm9, v2, v33  }
0x15e: {  	v54 =	vsel vm2, v58, v54;
	v52 =	vmul.f32 v41, v45;
	v45 =	vsel vm10, v3, v50;
	v50 =	vld [tilespmem:$0xFA0]  }
0x15f: {  	vm3 =	vgt.f32 v56, v54;
	[tilespmem:$0x1340] =	vst v46;
	v46 =	vld [tilespmem:$0x7A0]  }
0x160: {  	v41 =	vsel vm3, v56, v54;
	v54 =	vld [tilespmem:$0x1FDA0]  }
0x161: {  	v47 =	vld [tilespmem:$0xF80]  }
0x162: {  	[tilespmem:$0x1320] =	vst v38;
	v38 =	vld [tilespmem:$0x790]  }
0x163: {  	v43 =	vld [tilespmem:$0x1FD80];
	vm4 =	vgt.f32 v51, v41  }
0x164: {  	v41 =	vsel vm4, v51, v41;
	v50 =	vmul.f32 v50, v46;
	v46 =	vld [tilespmem:$0x1FE00]  }
0x165: {  	v45 =	vsel vm11, v4, v45;
	vm5 =	vgt.f32 v52, v41;
	[tilespmem:$0x1350] =	vst v54;
	v54 =	vmul.f32 v48, v53;
	v48 =	vld [tilespmem:$0x1FDC0]  }
0x166: {  	v53 =	vmul.f32 v40, v49;
	v40 =	vsel vm12, v5, v45;
	v49 =	vsel vm15, $0x0, v47;
	v47 =	vld [tilespmem:$0x7B0]  }
0x167: {  	v45 =	vsel vm13, v6, v40;
	v40 =	vsel vm5, v52, v41;
	v41 =	vld [tilespmem:$0xFB0]  }
0x168: {  	[tilespmem:$0x1330] =	vst v43;
	v43 =	vld [tilespmem:$0xF90]  }
0x169: {  	[tilespmem:$0x13B0] =	vst v46;
	v46 =	vld [tilespmem:$0x1FE20]  }
0x16a: {  	[tilespmem:$0x1390] =	vst v37;
	v37 =	vld [tilespmem:$0x1FE10]  }
0x16b: {  	[tilespmem:$0x1400] =	vst v44;
	v44 =	vld [tilespmem:$0x1FE50]  }
0x16c: {  	v35 =	vld [tilespmem:$0x1FCF0]  }
0x16d: {  	[tilespmem:$0x1370] =	vst v48;
	v48 =	vmul.f32 v49, v39;
	v49 =	vmul.f32 v43, v38;
	v43 =	vsel vm14, v7, v45;
	v45 =	vld [tilespmem:$0x1FDF0]  }
0x16e: {  	[tilespmem:$0x13D0] =	vst v46;
	v46 =	vmul.f32 v41, v47;
	v47 =	vld [tilespmem:$0x1FE30]  }
0x16f: {  	[tilespmem:$0x13C0] =	vst v37;
	v37 =	vld [tilespmem:$0xFD0]  }
0x170: {  	v39 =	vld [tilespmem:$0x7C0]  }
0x171: {  	v38 =	vsel vm1, v8, v43;
	v43 =	vld [tilespmem:$0xFC0]  }
0x172: {  	[tilespmem:$0x13A0] =	vst v45;
	v45 =	vld [tilespmem:$0x7D0]  }
0x173: {  	vm9 =	vgt.f32 v54, v40;
	[tilespmem:$0x13E0] =	vst v47;
	v47 =	vld [tilespmem:$0x1FE40]  }
0x174: {  	v40 =	vsel vm9, v54, v40  }
0x175: {  	vm11 =	vgt.f32 v53, v40;
	v38 =	vnsel vm6, $0x80000800, v38  }
0x176: {  	[tilespmem:$0x12A0] =	vst v35;
	v35 =	vld [tilespmem:$0xFE0];
	(xrf0) =	vmin.scan.msk.u32 $0xffff, v38;
	v38 =	vsel vm11, v53, v40  }
0x177: {  	[tilespmem:$0x1410] =	vst v44;
	(xrf0) =	vmax.scan.msk.f32 $0xffff, v38;
	v41 =	vld [tilespmem:$0x7E0]  }
0x178: {  	v44 =	vmul.f32 v37, v45;
	v45 =	vld [tilespmem:$0x1FE60];
	[tilespmem:$0x13F0] =	vst v47;
	v47 =	vmul.f32 v43, v39;
	v43 =	vsel vm0, v2, v33  }
0x179: {  	v37 =	vsel vm2, v3, v43;
	v43 =	vld [tilespmem:$0x1FE70];
	_ =	sdelay $0x3  }
0x17a: {  	[tilespmem:$0x1420] =	vst v45;
	v45, _, _ =	vpop (xrf0)  }
0x17b: {  	v34 =	vld [tilespmem:$0xFF0];
	v37 =	vsel vm3, v4, v37;
	[tilespmem:$0x1430] =	vst v43;
	v43 =	vmul.f32 v35, v41;
	v41, _, _ =	vpop (xrf0)  }
0x17c: {  	v35 =	vsel vm4, v5, v37;
	v37 =	vbroadcast v41, $0xF;
	v41 =	vld [tilespmem:$0x1FE80]  }
0x17d: {  	vm12 =	vgt.f32 v49, v48;
	v39 =	vld [tilespmem:$0x7F0]  }
0x17e: {  	v40 =	vsel vm12, v49, v48  }
0x17f: {  	vm8 =	vgt.f32 v50, v40  }
0x180: {  	v40 =	vsel vm8, v50, v40;
	v35 =	vsel vm5, v6, v35  }
0x181: {  	vm13 =	vgt.f32 v46, v40;
	[tilespmem:$0x1450] =	vst v41;
	v41 =	vsel vm9, v7, v35  }
0x182: {  	[tilespmem:$0x1440] =	vst v42;
	v40 =	vsel vm13, v46, v40;
	v42 =	vmul.f32 v34, v39;
	v34 =	vsel vm11, v8, v41;
	v41 =	vld [tilespmem:$0x1FEB0]  }
0x183: {  	vm14 =	vgt.f32 v47, v40  }
0x184: {  	v40 =	vsel vm14, v47, v40  }
0x185: {  	vm15 =	vgt.f32 v44, v40  }
0x186: {  	v40 =	vsel vm15, v44, v40;
	v39 =	vld [tilespmem:$0x1FE90]  }
0x187: {  	vm9 =	vgt.f32 v43, v40;
	[tilespmem:$0x1480] =	vst v41;
	v41 =	vld [tilespmem:$0x1FEF0]  }
0x188: {  	v35 =	vsel vm9, v43, v40;
	v40 =	vld [tilespmem:$0x1FEA0];
	_ =	sdelay $0x1  }
0x189: {  	vm4 =	veq.f32 v38, v37;
	v38 =	vld [tilespmem:$0x1FEC0]  }
0x18a: {  	[tilespmem:$0x1460] =	vst v39;
	v39 =	vld [tilespmem:$0x1FED0]  }
0x18b: {  	[tilespmem:$0x14A0] =	vst v41;
	v41 =	vld [tilespmem:$0x1FF30]  }
0x18c: {  	[tilespmem:$0x1470] =	vst v40;
	v40 =	vld [tilespmem:$0x1FEE0];
	_ =	sdelay $0x2  }
0x18d: {  	v37 =	vld [tilespmem:$0x1FF00]  }
0x18e: {  	v34 =	vnsel vm4, $0x80000800, v34;
	(v2sf) =	vpush v38, $0xF;
	[tilespmem:$0x14C0] =	vst v41;
	v41 =	vld [tilespmem:$0x1FF50]  }
0x18f: {  	vm4 =	vgt.f32 v42, v35;
	[tilespmem:$0x1490] =	vst v39;
	v39 =	vld [tilespmem:$0x1FF20];
	(v2sf) =	vpush v40, $0xF;
	v40 =	vsel vm12, v2, v33  }
0x190: {  	(xrf0) =	vmin.scan.msk.u32 $0xffff, v34;
	v34 =	vsel vm4, v42, v35;
	v35 =	vsel vm8, v3, v40;
	v40 =	vld [tilespmem:$0x1FF40];
	_ =	sdelay $0x2  }
0x191: {  	(v2sf) =	vpush v37, $0xF;
	[tilespmem:$0x14D0] =	vst v41;
	v41 =	vld [tilespmem:$0x1FF70]  }
0x192: {  	(v2sf) =	vpush v39, $0xF  }
0x193: {  	(v2sf) =	vpush v40, $0xF;
	v40 =	vld [tilespmem:$0x1FF60];
	_ =	sdelay $0x2  }
0x194: {  	[tilespmem:$0x14E0] =	vst v41;
	v41 =	vld [tilespmem:$0x1FF90];
	_ =	sdelay $0x1  }
0x195: {  	(xrf0) =	vmax.scan.msk.f32 $0xffff, v34;
	(v2sf) =	vpush v40, $0xF;
	v40 =	vld [tilespmem:$0x1FF80]  }
0x196: {  	[tilespmem:$0x1500] =	vst v32;
	v38 =	vld [tilespmem:$0x1FF10]  }
0x197: {  	[tilespmem:$0x1530] =	vst v31  }
0x198: {  	[tilespmem:$0x14F0] =	vst v41;
	v41 =	vld [tilespmem:$0x1FFC0]  }
0x199: {  	[tilespmem:$0x1570] =	vst v27;
	v39 =	vld [tilespmem:$0x1FFA0]  }
0x19a: {  	[tilespmem:$0x1540] =	vst v30;
	v37, _, _ =	vpop (xrf0);
	v35 =	vsel vm13, v4, v35;
	(v2sf) =	vpush v40, $0xF;
	v40 =	vld [tilespmem:$0x1FFB0]  }
0x19b: {  	[tilespmem:$0x14B0] =	vst v38;
	v38, _, _ =	vpop (xrf0);
	v35 =	vsel vm14, v5, v35  }
0x19c: {  	[tilespmem:$0x1550] =	vst v29;
	v32 =	vbroadcast v38, $0xF;
	v38 =	vld [tilespmem:$0x1FFD0];
	v35 =	vsel vm15, v6, v35  }
0x19d: {  	v35 =	vsel vm9, v7, v35;
	[tilespmem:$0x1510] =	vst v41;
	v41 =	vld [tilespmem:$0x1FFF0]  }
0x19e: {  	[tilespmem:$0x1560] =	vst v28;
	vm11 =	veq.f32 v34, v32;
	v35 =	vsel vm4, v8, v35;
	(v2sf) =	vpush v39, $0xF  }
0x19f: {  	[tilespmem:$0x1590] =	vst v25;
	(v2sf) =	vpush v40, $0xF;
	v40 =	vnsel vm11, $0x80000800, v35  }
0x1a0: {  	[tilespmem:$0x1580] =	vst v26;
	(xrf0) =	vmin.scan.msk.u32 $0xffff, v40  }
0x1a1: {  	[tilespmem:$0x15B0] =	vst v23;
	(v2sf) =	vpush v38, $0xF  }
0x1a2: {  	[tilespmem:$0x15C0] =	vst v22;
	(v2sf) =	vpush v41, $0xF  }
0x1a3: {  	[tilespmem:$0x15D0] =	vst v21;
	(v2sf) =	vpush v36, $0xF  }
0x1a4: {  	[tilespmem:$0x15A0] =	vst v24;
	(v2sf) =	vpush v18, $0xF  }
0x1a5: {  	[tilespmem:$0x15F0] =	vst v19;
	(v2sf) =	vpush v45, $0xF  }
0x1a6: {  	[tilespmem:$0x1610] =	vst v17;
	v45, _, _ =	vpop (xrf0);
	(v2sf) =	vpush v37, $0xF  }
0x1a7: {  	[tilespmem:$0x1620] =	vst v15;
	s29 =	spop (v2sf);
	(v2sf) =	vpush v45, $0xF  }
0x1a8: {  	[tilespmem:$0x15E0] =	vst v20;
	s30 =	spop (v2sf)  }
0x1a9: {  	[tilespmem:$0x1600] =	vst v16;
	s31 =	spop (v2sf)  }
0x1aa: {  	[tilespmem:$0x1630] =	vst v14;
	s10 =	spop (v2sf)  }
0x1ab: {  	s8 =	simm.f32 $2.000000000e+00;
	[tilespmem:$0x1670] =	vst v10;
	s22 =	sxor.u32 $0x80000000, s29;
	s11 =	spop (v2sf)  }
0x1ac: {  	[tilespmem:$0x1640] =	vst v13;
	p1 =	sgt.s32 s22, $0x0;
	s23 =	sxor.u32 $0x80000000, s30;
	s12 =	spop (v2sf)  }
0x1ad: {  	[tilespmem:$0x1660] =	vst v11;
	s24 =	sxor.u32 $0x80000000, s31;
	p0 =	sgt.s32 s23, $0x0;
	s13 =	spop (v2sf)  }
0x1ae: {  	[tilespmem:$0x1650] =	vst v12;
	s25 =	sxor.u32 $0x80000000, s10;
	s26 =	sxor.u32 $0x80000000, s11;
	s15 =	spop (v2sf)  }
0x1af: {  	[tilespmem:$0x16B0] =	vst v61;
	s28 =	sxor.u32 $0x80000000, s12;
	s14 =	sxor.u32 $0x80000000, s13;
	s16 =	spop (v2sf)  }
0x1b0: {  	[tilespmem:$0x16C0] =	vst v62;
	s10 =	sxor.u32 $0x80000000, s15;
	s15 =	simm.f32 $3.000000000e+00;
	s17 =	spop (v2sf)  }
0x1b1: {  	[tilespmem:$0x16A0] =	vst v1;
	s13 =	simm.f32 $2.000000000e+00;
	s15 =	simm.s32 @!p0 $0x3F800000;
	s18 =	spop (v2sf)  }
0x1b2: {  	[tilespmem:$0x16D0] =	vst v63;
	s6 =	sxor.u32 $0x80000000, s16;
	s16 =	simm.f32 $2.000000000e+00;
	s19 =	spop (v2sf)  }
0x1b3: {  	[tilespmem:$0x1680] =	vst v9;
	s7 =	sxor.u32 $0x80000000, s17;
	s16 =	simm.s32 @!p0 $0x0;
	s20 =	spop (v2sf)  }
0x1b4: {  	[tilespmem:$0x1690] =	vst v0;
	p0 =	sgt.s32 s25, $0x0;
	s17 =	simm.f32 $3.000000000e+00;
	s21 =	spop (v2sf)  }
0x1b5: {  	[tilespmem:$0x16E0] =	vst v59;
	s13 =	simm.s32 @!p0 $0x0;
	s17 =	simm.s32 @!p0 $0x3F800000;
	s9 =	spop (v2sf)  }
0x1b6: {  	[tilespmem:$0x1710] =	vst v57;
	p0 =	sgt.s32 s24, $0x0;
	s16 =	smov.u32 @p1 s15;
	s31 =	spop (v2sf)  }
0x1b7: {  	[tilespmem:$0x16F0] =	vst v60;
	s13 =	smov.u32 @p0 s17;
	p0 =	sgt.s32 s28, $0x0;
	s11 =	sxor.u32 $0x80000000, s31  }
0x1b8: {  	[tilespmem:$0x1700] =	vst v55;
	vm12 =	vcmask $0x300;
	s17 =	simm.f32 $2.000000000e+00;
	s29 =	sxor.u32 $0x80000000, s18;
	s18 =	simm.f32 $3.000000000e+00;
	v0 =	vmov s11  }
0x1b9: {  	[tilespmem:$0x1720] =	vst v58;
	vm13 =	vcmask $0x704;
	p1 =	sgt.s32 s26, $0x0;
	s17 =	simm.s32 @!p0 $0x0;
	s18 =	simm.s32 @!p0 $0x3F800000;
	v0 =	vsel vm12, s22, v0  }
0x1ba: {  	[tilespmem:$0x1730] =	vst v56;
	vm14 =	vcmask $0xB08;
	s30 =	sxor.u32 $0x80000000, s19;
	s15 =	sxor.u32 $0x80000000, s20;
	s17 =	smov.u32 @p1 s18;
	v0 =	vsel vm13, s23, v0  }
0x1bb: {  	[tilespmem:$0x1740] =	vst v51;
	vm15 =	vcmask $0xF0C;
	p1 =	sgt.s32 s10, $0x0;
	s18 =	simm.f32 $2.000000000e+00;
	s20 =	simm.f32 $3.000000000e+00;
	v0 =	vsel vm14, s24, v0  }
0x1bc: {  	[tilespmem:$0x1750] =	vst v52;
	vm4 =	vcmask $0x1310;
	p0 =	sgt.s32 s14, $0x0;
	s18 =	simm.s32 @!p1 $0x0;
	s20 =	simm.s32 @!p1 $0x3F800000;
	v0 =	vsel vm15, s25, v0  }
0x1bd: {  	[tilespmem:$0x1760] =	vst v54;
	vm5 =	vcmask $0x1714;
	s12 =	simm.f32 $2.000000000e+00;
	s18 =	smov.u32 @p0 s20;
	p0 =	sgt.s32 s30, $0x0;
	v0 =	vsel vm4, s26, v0  }
0x1be: {  	[tilespmem:$0x1770] =	vst v53;
	vm6 =	vcmask $0x1B18;
	p1 =	sgt.s32 s7, $0x0;
	s9 =	sxor.u32 $0x80000000, s9;
	s12 =	simm.s32 @!p0 $0x0;
	v0 =	vsel vm5, s28, v0  }
0x1bf: {  	[tilespmem:$0x1780] =	vst v48;
	s22 =	simm.f32 $3.000000000e+00;
	s23 =	sxor.u32 $0x80000000, s21;
	s21 =	simm.f32 $2.000000000e+00;
	v0 =	vsel vm6, s14, v0  }
0x1c0: {  	[tilespmem:$0x1790] =	vst v49;
	vm8 =	vcmask $0x2320;
	v1 =	vmov s16;
	s22 =	simm.s32 @!p1 $0x3F800000;
	s21 =	simm.s32 @!p1 $0x0;
	p1 =	sgt.s32 s6, $0x0;
	v0 =	vsel vm7, s10, v0  }
0x1c1: {  	vm10 =	vcmask $0x2724;
	[tilespmem:$0x17A0] =	vst v50;
	v1 =	vnsel vm12, $0x0, v1;
	s31 =	rddreg [dreg:$0x1b];
	s21 =	smov.u32 @p1 s22;
	s14 =	simm.f32 $3.000000000e+00;
	v0 =	vsel vm8, s6, v0  }
0x1c2: {  	[tilespmem:$0x17B0] =	vst v46;
	v39 =	vld [tilespmem:$0x1FFE0];
	vm11 =	vcmask $0x2B28;
	v1 =	vsel vm13, s13, v1;
	p1 =	sgt.s32 s29, $0x0;
	s14 =	simm.s32 @!p0 $0x3F800000;
	p0 =	sgt.s32 s23, $0x0;
	v0 =	vsel vm10, s7, v0  }
0x1c3: {  	[tilespmem:$0x17D0] =	vst v44;
	v1 =	vsel vm14, s17, v1;
	vm12 =	vcmask $0x2F2C;
	s12 =	smov.u32 @p1 s14;
	p1 =	sgt.s32 s15, $0x0;
	s7 =	simm.f32 $3.000000000e+00;
	v0 =	vsel vm11, s29, v0  }
0x1c4: {  	[tilespmem:$0x17C0] =	vst v47;
	v1 =	vsel vm15, s18, v1;
	vm13 =	vcmask $0x3330;
	s8 =	simm.s32 @!p0 $0x0;
	s6 =	simm.f32 $2.000000000e+00;
	s7 =	simm.s32 @!p0 $0x3F800000;
	v0 =	vsel vm12, s30, v0  }
0x1c5: {  	[tilespmem:$0x17F0] =	vst v42;
	vm14 =	vcmask $0x3734;
	v1 =	vsel vm4, s21, v1;
	p0 =	sgt.s32 s11, $0x0;
	s8 =	smov.u32 @p1 s7;
	s7 =	simm.f32 $3.000000000e+00;
	v0 =	vsel vm13, s15, v0  }
0x1c6: {  	[tilespmem:$0x17E0] =	vst v43;
	vm15 =	vcmask $0x3B38;
	v1 =	vsel vm5, s12, v1;
	s6 =	simm.s32 @!p0 $0x0;
	p1 =	sgt.s32 s9, $0x0;
	s7 =	simm.s32 @!p0 $0x3F800000;
	v0 =	vsel vm14, s23, v0  }
0x1c7: {  	[tilespmem:$0x1520] =	vst v39;
	s25 =	rddreg [dreg:$0x7];
	v1 =	vsel vm6, s8, v1;
	s6 =	smov.u32 @p1 s7;
	v0 =	vsel vm15, s9, v0  }
0x1c8: {  	s26 =	rddreg [dreg:$0x19];
	[tilespmem:$0x1800] =	vst v0;
	v0 =	vsel vm7, s6, v1  }
0x1c9: {  	s28 =	rddreg [dreg:$0x8];
	[tilespmem:$0x1880] =	vst v0  }
0x1ca: {  	[hbm4b:s25+s3] =	stream.linear.scatter [tilespmem:s26], [sflag:$0x1], $0x800, $0x38;
	[tilespmem:$0x1900] =	vst v63  }
0x1cb: {  	s29 =	rddreg [dreg:$0x1a]  }
0x1cc: {  	[hbm4b:s28+s3] =	stream.linear.scatter [tilespmem:s29], [sflag:$0x1], $0x80, $0x38;
	[tilespmem:$0x1900] =	vst v63  }
0x1cd: {  	s30 =	rddreg [dreg:$0x9]  }
0x1ce: {  	[hbm4b:s30+s3] =	stream.linear.scatter [tilespmem:s31], [sflag:$0x1], $0x8, $0x38;
	[tilespmem:$0x1900] =	vst v63  }
0x1cf: {  	_ =	swait.ge [sflag:s5], $0x800  }
0x1d0: {  	[sflag:s5] =	ssyncset.done $0x0  }
0x1d1: {  	[sflag:s5] =	ssyncadd.s32 $0xFFFFF800  }
0x1d2: {  	p0 =	sne.s32 s4, $0x1;
	_ =	swait.ge [sflag:s5], $0x80  }
.Ltmp1:
0x1d3: {  	[sflag:s5] =	ssyncset.done $0x0;
	(pc) =	sbr.rel @p0 .LBB2_2-.Ltmp1, $4  }
0x1d4: {  	[sflag:s5] =	ssyncadd.s32 $0xFFFFFF80  }
0x1d5: {  	_ =	swait.ge [sflag:s5], $0x8  }
0x1d6: {  	[sflag:s5] =	ssyncset.done $0x0  }
0x1d7: {  	s4 =	sadd.s32 $0xFFFFFFFF, s4;
	[sflag:s5] =	ssyncadd.s32 $0xFFFFFFF8  }
.LBB2_3:
0x1d8: {  	_ =	sfence.sel $0x180000  }
0x1d9: {  	[bflag:$0x0] =	sbarrier.arrive $0xFFFF  }
0x1da: {  	p0 =	sne.s32 s2, $0x0;
	_ =	strace $0x90000047  }
0x1db: {  	s0 =	sadd.s32 @!p0 $0x100000, s1;
	[bflag:$0x2] =	sbarrier.arrive $0xFFFF  }
0x1dc: {  	[sflag:s0] =	ssyncadd.tile.s32 @!p0 $0x1;
	_ =	shalt  }
.Lfunc_end2:
_tile_overlayer_lowered:
.L_overlay_start_2:
0x1dd: {  	(tag) =	ssettag $0x2  }
0x1de: {  	s0 =	rddreg [dreg:$0x0];
	s2 =	stileid.u32  }
0x1df: {  	s1 =	rddreg [dreg:$0x1];
	p0 =	sne.s32 s2, $0x0  }
0x1e0: {  	s3 =	rddreg [dreg:$0x2];
	[bflag:$0x3] =	sbarrier.arrive $0xFFFF;
	s2 =	simm.s32 @!p0 $0x1C02  }
0x1e1: {  	[timem:s3], [sflag:s2] =	dma.local @!p0 [hbm:s0], s1  }
0x1e2: {  	s0 =	simm.s32 @!p0 $0x2  }
0x1e3: {  	_ =	swait.ge @!p0 [sflag:s0], s1  }
0x1e4: {  	s1 =	ssub.s32 @!p0 $0x0, s1;
	[sflag:s0] =	ssyncset.done @!p0 $0x0  }
0x1e5: {  	[sflag:s0] =	ssyncadd.s32 @!p0 s1  }
0x1e6: {  	[bflag:$0x3] =	sbarrier.arrive $0xFFFF  }
0x1e7: {  	_ =	shalt  }

</sc_bundles>
